<compile_context>
chip_gen: v7x
topology: tpu7x:2x2x1
jax: 0.10.2.dev20260603
libtpu: 0.0.44.dev20260713+nightly
codegen_flags: <defaults>
</compile_context>

<pallas_src>
import functools

import jax
import jax.numpy as jnp
from jax import lax
from jax.experimental import pallas as pl
from jax.experimental.pallas import tpu as pltpu
from jax.experimental.pallas import tpu_sc as plsc

H = 2
C = 4
HC = H * C
K_EDGE = 192
NV = K_EDGE // 16


def _lrelu(v):
  return jnp.where(v >= 0, v, 0.2 * v)


def _proj_body(x_ref, wl_ref, wr_ref, bl_ref, br_ref,
               xl0_ref, xl1_ref, xr0_ref, xr1_ref):
  xb = x_ref[...]
  xl = jnp.dot(xb, wl_ref[...], preferred_element_type=jnp.float32) + bl_ref[...]
  xr = jnp.dot(xb, wr_ref[...], preferred_element_type=jnp.float32) + br_ref[...]
  xl0_ref[...] = xl[:, 0:C]
  xl1_ref[...] = xl[:, C:HC]
  xr0_ref[...] = xr[:, 0:C]
  xr1_ref[...] = xr[:, C:HC]


def _tc_proj(x, wl, bl, wr, br):
  n, d = x.shape
  bn = 2000
  grid = (n // bn,)
  f32 = jnp.float32
  out = jax.ShapeDtypeStruct((n, C), f32)
  return pl.pallas_call(
      _proj_body,
      grid=grid,
      in_specs=[
          pl.BlockSpec((bn, d), lambda i: (i, 0)),
          pl.BlockSpec((d, HC), lambda i: (0, 0)),
          pl.BlockSpec((d, HC), lambda i: (0, 0)),
          pl.BlockSpec((1, HC), lambda i: (0, 0)),
          pl.BlockSpec((1, HC), lambda i: (0, 0)),
      ],
      out_specs=[pl.BlockSpec((bn, C), lambda i: (i, 0))] * 4,
      out_shape=[out, out, out, out],
  )(x, wl, wr, bl.reshape(1, HC), br.reshape(1, HC))


def _edge1_body(n_nodes, n_edges, ept, nch,
                xlb_h, xrb_h, src_h, dst_h, attb_h, acc_h,
                t_xl, t_xr, acc_v, s_b, d_b, att_v, sem_s, sem_d):
  c = lax.axis_index('c')
  s = lax.axis_index('s')
  nacc = 5 * n_nodes
  ntab = C * n_nodes

  pltpu.sync_copy(xlb_h.at[pl.ds(c * ntab, ntab)], t_xl)
  pltpu.sync_copy(xrb_h.at[pl.ds(c * ntab, ntab)], t_xr)
  pltpu.sync_copy(attb_h, att_v)

  def zb(i, carry):
    acc_v[pl.ds(i * 16, 16)] = jnp.zeros((16,), jnp.float32)
    return carry

  lax.fori_loop(0, nacc // 16, zb, 0, unroll=8)

  att = [jnp.where(c == 0, att_v[pl.ds(cc * 16, 16)],
                   att_v[pl.ds((C + cc) * 16, 16)])
         for cc in range(C)]

  ebase = s * ept

  def chunk(i, carry):
    cbase = i * K_EDGE
    cs = pltpu.make_async_copy(src_h.at[pl.ds(ebase + cbase, K_EDGE)], s_b,
                               sem_s)
    cd = pltpu.make_async_copy(dst_h.at[pl.ds(ebase + cbase, K_EDGE)], d_b,
                               sem_d)
    cs.start()
    cd.start()
    cs.wait()
    cd.wait()

    def vec(j, carry2):
      sv = s_b[pl.ds(j * 16, 16)]
      dv = d_b[pl.ds(j * 16, 16)]
      lidx = cbase + j * 16 + lax.iota(jnp.int32, 16)
      valid = (lidx < ept) & (ebase + lidx < n_edges)
      s4 = sv * C
      d4 = dv * C
      xls = [plsc.load_gather(t_xl, [s4 + cc]) for cc in range(C)]
      xrs = [plsc.load_gather(t_xr, [d4 + cc]) for cc in range(C)]
      alpha = None
      for cc in range(C):
        ae = _lrelu(xls[cc] + xrs[cc]) * att[cc]
        alpha = ae if alpha is None else alpha + ae
      ea = jnp.exp(alpha)
      vals = [ea * xls[0], ea * xls[1], ea * xls[2], ea * xls[3], ea]
      d5 = dv * 5
      rank, _ = plsc.scan_count(dv, valid)
      mr = jnp.max(jnp.where(valid, rank, 0))

      def dup_round(kk, carry3):
        m = valid & (rank == kk)
        for cc in range(5):
          plsc.addupdate_scatter(acc_v, [d5 + cc], vals[cc], mask=m)
        return carry3

      lax.fori_loop(1, mr + 1, dup_round, 0)
      return carry2

    lax.fori_loop(0, NV, vec, 0, unroll=2)
    return carry

  lax.fori_loop(0, nch, chunk, 0)
  wid = c * 16 + s
  pltpu.sync_copy(acc_v, acc_h.at[pl.ds(wid * nacc, nacc)])


def _sc_edge1(xlb, xrb, srcp, dstp, attb, n_nodes, n_edges):
  ept = -(-n_edges // 16)
  ept = (ept + 7) // 8 * 8
  nch = -(-ept // K_EDGE)
  nacc = 5 * n_nodes
  mesh = plsc.VectorSubcoreMesh(core_axis_name='c', subcore_axis_name='s')
  kern = functools.partial(
      pl.kernel,
      out_type=jax.ShapeDtypeStruct((32 * nacc,), jnp.float32),
      mesh=mesh,
      scratch_types=[
          pltpu.VMEM((C * n_nodes,), jnp.float32),
          pltpu.VMEM((C * n_nodes,), jnp.float32),
          pltpu.VMEM((nacc,), jnp.float32),
          pltpu.VMEM((K_EDGE,), jnp.int32),
          pltpu.VMEM((K_EDGE,), jnp.int32),
          pltpu.VMEM((H * C * 16,), jnp.float32),
          pltpu.SemaphoreType.DMA,
          pltpu.SemaphoreType.DMA,
      ],
      compiler_params=pltpu.CompilerParams(needs_layout_passes=False),
  )(functools.partial(_edge1_body, n_nodes, n_edges, ept, nch))
  return kern(xlb, xrb, srcp, dstp, attb)


def _fin1_body(xl0_ref, xl1_ref, xr0_ref, xr1_ref, acc_ref, att_ref,
               b_ref, lw_ref, lb_ref, x1_ref):
  acc = acc_ref[...]
  a0 = jnp.sum(acc[0:16], axis=0)
  a1 = jnp.sum(acc[16:32], axis=0)
  att = att_ref[...]
  outs = []
  for h, (xlh, xrh, ah) in enumerate((
      (xl0_ref[...], xr0_ref[...], a0),
      (xl1_ref[...], xr1_ref[...], a1))):
    e = _lrelu(xlh + xrh) * att[h:h + 1, :]
    es = jnp.exp(jnp.sum(e, axis=1, keepdims=True))
    outs.append((ah[:, 0:C] + es * xlh) / (ah[:, C:C + 1] + es + 1e-16))
  g = jnp.maximum(jnp.concatenate(outs, axis=1) + b_ref[...], 0.0)
  x1_ref[...] = jnp.sum(g * lw_ref[...], axis=1, keepdims=True) + lb_ref[...]


def _tc_fin1(xl0, xl1, xr0, xr1, acc, att1, bias1, lw1, lb1, n_nodes):
  bn = 200
  grid = (n_nodes // bn,)
  return pl.pallas_call(
      _fin1_body,
      grid=grid,
      in_specs=[
          pl.BlockSpec((bn, C), lambda i: (i, 0)),
          pl.BlockSpec((bn, C), lambda i: (i, 0)),
          pl.BlockSpec((bn, C), lambda i: (i, 0)),
          pl.BlockSpec((bn, C), lambda i: (i, 0)),
          pl.BlockSpec((32, bn, 5), lambda i: (0, i, 0)),
          pl.BlockSpec((H, C), lambda i: (0, 0)),
          pl.BlockSpec((1, HC), lambda i: (0, 0)),
          pl.BlockSpec((1, HC), lambda i: (0, 0)),
          pl.BlockSpec((1, 1), lambda i: (0, 0)),
      ],
      out_specs=pl.BlockSpec((bn, 1), lambda i: (i, 0)),
      out_shape=jax.ShapeDtypeStruct((n_nodes, 1), jnp.float32),
  )(xl0, xl1, xr0, xr1, acc.reshape(32, n_nodes, 5), att1,
    bias1.reshape(1, HC), lw1.reshape(1, HC), lb1.reshape(1, 1))


def _edge2_body(n_nodes, n_edges, ept, nch,
                x1_h, src_h, dst_h, w_h, acc_h,
                t_x1, acc_v, s_b, d_b, w_v, sem_s, sem_d):
  c = lax.axis_index('c')
  s = lax.axis_index('s')
  wid = c * 16 + s
  nacc = 4 * n_nodes

  pltpu.sync_copy(x1_h, t_x1)
  pltpu.sync_copy(w_h, w_v)

  def zb(i, carry):
    acc_v[pl.ds(i * 16, 16)] = jnp.zeros((16,), jnp.float32)
    return carry

  lax.fori_loop(0, nacc // 16, zb, 0, unroll=8)

  row = lambda g, i: w_v[pl.ds((g * HC + i) * 16, 16)]
  wl = [row(0, i) for i in range(HC)]
  wr = [row(1, i) for i in range(HC)]
  bs = [row(2, i) + row(3, i) for i in range(HC)]
  at = [row(4, i) for i in range(HC)]

  ebase = wid * ept

  def chunk(i, carry):
    cbase = i * K_EDGE
    cs = pltpu.make_async_copy(src_h.at[pl.ds(ebase + cbase, K_EDGE)], s_b,
                               sem_s)
    cd = pltpu.make_async_copy(dst_h.at[pl.ds(ebase + cbase, K_EDGE)], d_b,
                               sem_d)
    cs.start()
    cd.start()
    cs.wait()
    cd.wait()

    def vec(j, carry2):
      sv = s_b[pl.ds(j * 16, 16)]
      dv = d_b[pl.ds(j * 16, 16)]
      lidx = cbase + j * 16 + lax.iota(jnp.int32, 16)
      valid = (lidx < ept) & (ebase + lidx < n_edges)
      u = plsc.load_gather(t_x1, [sv])
      v = plsc.load_gather(t_x1, [dv])
      eas = []
      for h in range(H):
        alpha = None
        for cc in range(C):
          i_hc = h * C + cc
          ae = _lrelu(u * wl[i_hc] + v * wr[i_hc] + bs[i_hc]) * at[i_hc]
          alpha = ae if alpha is None else alpha + ae
        eas.append(jnp.exp(alpha))
      vals = [eas[0], eas[0] * u, eas[1], eas[1] * u]
      d4 = dv * 4
      rank, _ = plsc.scan_count(dv, valid)
      mr = jnp.max(jnp.where(valid, rank, 0))

      def dup_round(kk, carry3):
        m = valid & (rank == kk)
        for q in range(4):
          plsc.addupdate_scatter(acc_v, [d4 + q], vals[q], mask=m)
        return carry3

      lax.fori_loop(1, mr + 1, dup_round, 0)
      return carry2

    lax.fori_loop(0, NV, vec, 0, unroll=2)
    return carry

  lax.fori_loop(0, nch, chunk, 0)
  pltpu.sync_copy(acc_v, acc_h.at[pl.ds(wid * nacc, nacc)])


def _sc_edge2(x1f, srcp, dstp, w2b, n_nodes, n_edges):
  ept = -(-n_edges // 32)
  ept = (ept + 7) // 8 * 8
  nch = -(-ept // K_EDGE)
  nacc = 4 * n_nodes
  mesh = plsc.VectorSubcoreMesh(core_axis_name='c', subcore_axis_name='s')
  kern = functools.partial(
      pl.kernel,
      out_type=jax.ShapeDtypeStruct((32 * nacc,), jnp.float32),
      mesh=mesh,
      scratch_types=[
          pltpu.VMEM((n_nodes,), jnp.float32),
          pltpu.VMEM((nacc,), jnp.float32),
          pltpu.VMEM((K_EDGE,), jnp.int32),
          pltpu.VMEM((K_EDGE,), jnp.int32),
          pltpu.VMEM((5 * HC * 16,), jnp.float32),
          pltpu.SemaphoreType.DMA,
          pltpu.SemaphoreType.DMA,
      ],
      compiler_params=pltpu.CompilerParams(needs_layout_passes=False),
  )(functools.partial(_edge2_body, n_nodes, n_edges, ept, nch))
  return kern(x1f, srcp, dstp, w2b)


def _fin2_body(x_ref, x1_ref, acc_ref, wl2_ref, wr2_ref, bl2_ref, br2_ref,
               att2_ref, bias2_ref, lw2_ref, lb2_ref,
               ew1a_ref, ew1b_ref, eb1_ref, ew2_ref, eb2_ref,
               ew3_ref, eb3_ref, out_ref):
  sacc = jnp.sum(acc_ref[...], axis=0)
  u = x1_ref[...]
  wl2 = wl2_ref[...]
  bl2 = bl2_ref[...]
  t = _lrelu(u * (wl2 + wr2_ref[...]) + bl2 + br2_ref[...]) * att2_ref[...]
  outs = []
  for h in range(H):
    es = jnp.exp(jnp.sum(t[:, h * C:(h + 1) * C], axis=1, keepdims=True))
    s0 = sacc[:, 2 * h:2 * h + 1] + es
    s1 = sacc[:, 2 * h + 1:2 * h + 2] + es * u
    wlh = wl2[:, h * C:(h + 1) * C]
    blh = bl2[:, h * C:(h + 1) * C]
    outs.append((wlh * s1 + blh * s0) / (s0 + 1e-16))
  g = jnp.maximum(jnp.concatenate(outs, axis=1) + bias2_ref[...], 0.0)
  x2 = jnp.sum(g * lw2_ref[...], axis=1, keepdims=True) + lb2_ref[...]
  h1 = jnp.dot(x_ref[...], ew1a_ref[...], preferred_element_type=jnp.float32)
  h1 = h1 + u * ew1b_ref[0:1, :] + x2 * ew1b_ref[1:2, :] + eb1_ref[...]
  h1 = jnp.maximum(h1, 0.0)
  h2 = jnp.maximum(
      jnp.dot(h1, ew2_ref[...], preferred_element_type=jnp.float32)
      + eb2_ref[...], 0.0)
  out_ref[...] = (jnp.dot(h2, ew3_ref[...], preferred_element_type=jnp.float32)
                  + eb3_ref[...])


def _tc_fin2(x, x1, acc2, wl2, wr2, bl2, br2, att2, bias2, lw2, lb2,
             ew1, eb1, ew2, eb2, ew3, eb3, n_nodes):
  bn = 200
  d = x.shape[1]
  d1 = ew1.shape[1]
  d2 = ew2.shape[1]
  dout = ew3.shape[1]
  grid = (n_nodes // bn,)
  w18 = lambda: pl.BlockSpec((1, HC), lambda i: (0, 0))
  return pl.pallas_call(
      _fin2_body,
      grid=grid,
      in_specs=[
          pl.BlockSpec((bn, d), lambda i: (i, 0)),
          pl.BlockSpec((bn, 1), lambda i: (i, 0)),
          pl.BlockSpec((32, bn, 4), lambda i: (0, i, 0)),
          w18(), w18(), w18(), w18(), w18(), w18(), w18(),
          pl.BlockSpec((1, 1), lambda i: (0, 0)),
          pl.BlockSpec((d, d1), lambda i: (0, 0)),
          pl.BlockSpec((2, d1), lambda i: (0, 0)),
          pl.BlockSpec((1, d1), lambda i: (0, 0)),
          pl.BlockSpec((d1, d2), lambda i: (0, 0)),
          pl.BlockSpec((1, d2), lambda i: (0, 0)),
          pl.BlockSpec((d2, dout), lambda i: (0, 0)),
          pl.BlockSpec((1, dout), lambda i: (0, 0)),
      ],
      out_specs=pl.BlockSpec((bn, dout), lambda i: (i, 0)),
      out_shape=jax.ShapeDtypeStruct((n_nodes, dout), jnp.float32),
  )(x, x1, acc2.reshape(32, n_nodes, 4),
    wl2.reshape(1, HC), wr2.reshape(1, HC), bl2.reshape(1, HC),
    br2.reshape(1, HC), att2.reshape(1, HC), bias2.reshape(1, HC),
    lw2.reshape(1, HC), lb2.reshape(1, 1),
    ew1[:d], ew1[d:], eb1.reshape(1, d1), ew2, eb2.reshape(1, d2),
    ew3, eb3.reshape(1, dout))


def kernel(x, edge_index, Wl1, bl1, Wr1, br1, att1, bias1, lW1, lb1,
           Wl2, bl2, Wr2, br2, att2, bias2, lW2, lb2,
           eW1, eb1, eW2, eb2, eW3, eb3):
  n = x.shape[0]
  e = edge_index.shape[1]

  pad = 16 * K_EDGE
  srcp = jnp.pad(edge_index[0], (0, pad))
  dstp = jnp.pad(edge_index[1], (0, pad))

  xl0, xl1h, xr0, xr1h = _tc_proj(x, Wl1, bl1, Wr1, br1)

  attb1 = jnp.broadcast_to(att1[:, :, None], (H, C, 16)).reshape(-1)
  acc1 = _sc_edge1(jnp.concatenate([xl0.reshape(-1), xl1h.reshape(-1)]),
                   jnp.concatenate([xr0.reshape(-1), xr1h.reshape(-1)]),
                   srcp, dstp, attb1, n, e)

  x1 = _tc_fin1(xl0, xl1h, xr0, xr1h, acc1, att1, bias1, lW1, lb1, n)

  w2b = jnp.broadcast_to(
      jnp.stack([Wl2.reshape(HC), Wr2.reshape(HC), bl2, br2,
                 att2.reshape(HC)])[:, :, None], (5, HC, 16)).reshape(-1)
  acc2 = _sc_edge2(x1.reshape(-1), srcp, dstp, w2b, n, e)

  return _tc_fin2(x, x1, acc2, Wl2, Wr2, bl2, br2, att2, bias2, lW2, lb2,
                  eW1, eb1, eW2, eb2, eW3, eb3, n)

# --- scband reference (transcript-rebuilt; emitter-appended) ---
"""Pipeline reference for scband-gatv5-26414048870729 (READ-ONLY COPY).

The authoritative reference and input builder live on the scoring server;
editing this copy changes nothing except your own understanding.
"""

import jax, jax.numpy as jnp
import numpy as np

N = 10000
E = 320000
D = 128
H = 2
C = 4
HC = H * C
OUT = 128


def setup_inputs() -> dict:
    ks = jax.random.split(jax.random.key(0), 16)
    g = lambda k, s: jax.random.normal(k, s, dtype=jnp.float32) * 0.1
    return {
        'x': jax.random.normal(ks[0], (N, D), dtype=jnp.float32),
        'edge_index': jax.random.randint(ks[1], (2, E), 0, N, dtype=jnp.int32),
        'Wl1': g(ks[2], (D, HC)), 'bl1': jnp.zeros((HC,), jnp.float32),
        'Wr1': g(ks[3], (D, HC)), 'br1': jnp.zeros((HC,), jnp.float32),
        'att1': g(ks[4], (H, C)), 'bias1': jnp.zeros((HC,), jnp.float32),
        'lW1': g(ks[5], (HC, 1)), 'lb1': jnp.zeros((1,), jnp.float32),
        'Wl2': g(ks[6], (1, HC)), 'bl2': jnp.zeros((HC,), jnp.float32),
        'Wr2': g(ks[7], (1, HC)), 'br2': jnp.zeros((HC,), jnp.float32),
        'att2': g(ks[8], (H, C)), 'bias2': jnp.zeros((HC,), jnp.float32),
        'lW2': g(ks[9], (HC, 1)), 'lb2': jnp.zeros((1,), jnp.float32),
        'eW1': g(ks[10], (D + 2, 64)), 'eb1': jnp.zeros((64,), jnp.float32),
        'eW2': g(ks[11], (64, 32)), 'eb2': jnp.zeros((32,), jnp.float32),
        'eW3': g(ks[12], (32, OUT)), 'eb3': jnp.zeros((OUT,), jnp.float32),
    }


def _gatv2(x, src, dst, Wl, bl, Wr, br, att, bias):
    # Faithful GATv2Conv (PyG semantics, eval mode so dropout is identity).
    n = x.shape[0]
    xl = (x @ Wl + bl).reshape(n, H, C)
    xr = (x @ Wr + br).reshape(n, H, C)
    e = jax.nn.leaky_relu(xl[src] + xr[dst], 0.2)          # gather src/dst
    alpha = (e * att[None]).sum(-1)                        # [E, H]
    amax = jax.lax.stop_gradient(jax.ops.segment_max(alpha, dst, num_segments=n))
    ea = jnp.exp(alpha - amax[dst])
    den = jax.ops.segment_sum(ea, dst, num_segments=n)
    a = ea / (den[dst] + 1e-16)                            # softmax over incoming edges
    out = jax.ops.segment_sum(xl[src] * a[:, :, None], dst, num_segments=n)
    return out.reshape(n, H * C) + bias


def reference(x, edge_index, Wl1, bl1, Wr1, br1, att1, bias1, lW1, lb1,
              Wl2, bl2, Wr2, br2, att2, bias2, lW2, lb2,
              eW1, eb1, eW2, eb2, eW3, eb3):
    n = x.shape[0]
    loop = jnp.arange(n, dtype=edge_index.dtype)
    src = jnp.concatenate([edge_index[0], loop])  # add_self_loops=True (PyG default)
    dst = jnp.concatenate([edge_index[1], loop])
    x1 = jax.nn.relu(_gatv2(x, src, dst, Wl1, bl1, Wr1, br1, att1, bias1))
    x1 = x1 @ lW1 + lb1
    x2 = jax.nn.relu(_gatv2(x1, src, dst, Wl2, bl2, Wr2, br2, att2, bias2))
    x2 = x2 @ lW2 + lb2
    xc = jnp.concatenate([x, x1, x2], axis=1)
    h = jax.nn.relu(xc @ eW1 + eb1)
    h = jax.nn.relu(h @ eW2 + eb2)
    return h @ eW3 + eb3

if __name__ == "__main__":
    import jax
    _d = setup_inputs()
    print(jax.jit(kernel)(*tuple(_d.values())))

</pallas_src>

<mosaic_0001>
#map = affine_map<(d0, d1) -> (0)>
module attributes {stable_mosaic.version = 14 : i64} {
  func.func @_edge1_body(%arg0: i32, %arg1: i32, %arg2: memref<80000xf32, #tpu.memory_space<hbm>>, %arg3: memref<80000xf32, #tpu.memory_space<hbm>>, %arg4: memref<323072xi32, #tpu.memory_space<hbm>>, %arg5: memref<323072xi32, #tpu.memory_space<hbm>>, %arg6: memref<128xf32, #tpu.memory_space<hbm>>, %arg7: memref<1600000xf32, #tpu.memory_space<hbm>>, %arg8: memref<40000xf32, #tpu.memory_space<vmem>>, %arg9: memref<40000xf32, #tpu.memory_space<vmem>>, %arg10: memref<50000xf32, #tpu.memory_space<vmem>>, %arg11: memref<192xi32, #tpu.memory_space<vmem>>, %arg12: memref<192xi32, #tpu.memory_space<vmem>>, %arg13: memref<128xf32, #tpu.memory_space<vmem>>, %arg14: memref<!tpu.dma_semaphore, #tpu.memory_space<semaphore_mem>>, %arg15: memref<!tpu.dma_semaphore, #tpu.memory_space<semaphore_mem>>) attributes {dimension_semantics = [#tpu.dimension_semantics<core_parallel>, #tpu.dimension_semantics<subcore_parallel>], iteration_bounds = array<i64: 2, 16>, scalar_prefetch = 0 : i64, scratch_operands = 8 : i64, tpu.core_type = #tpu.core_type<sc_vector_subcore>, window_params = [{transform_indices = #map}, {transform_indices = #map}, {transform_indices = #map}, {transform_indices = #map}, {transform_indices = #map}, {transform_indices = #map}]} {
    %mul3A = arith.constant 40000 : i32
    %mul3A_0 = arith.muli %arg0, %mul3A : i32
    "tpu.region"() ({
      %run_scoped3A = tpu.sem_alloc : memref<!tpu.dma_semaphore, #tpu.memory_space<semaphore_mem>>
      %dma_start3A = tpu.memref_slice %arg2[%mul3A_0] : memref<80000xf32, #tpu.memory_space<hbm>> -> memref<40000xf32, #tpu.memory_space<hbm>>
      %dma_start3A_83 = tpu.memref_slice %arg2[%mul3A_0] : memref<80000xf32, #tpu.memory_space<hbm>> -> memref<40000xf32, #tpu.memory_space<hbm>>
      tpu.enqueue_dma source(%dma_start3A_83 : memref<40000xf32, #tpu.memory_space<hbm>>) target(%arg8 : memref<40000xf32, #tpu.memory_space<vmem>>) target_semaphore(%run_scoped3A : memref<!tpu.dma_semaphore, #tpu.memory_space<semaphore_mem>>)
      %dma_wait3A = tpu.memref_slice %arg2[%mul3A_0] : memref<80000xf32, #tpu.memory_space<hbm>> -> memref<40000xf32, #tpu.memory_space<hbm>>
      %dma_wait3A_84 = tpu.memref_slice %arg2[%mul3A_0] : memref<80000xf32, #tpu.memory_space<hbm>> -> memref<40000xf32, #tpu.memory_space<hbm>>
      tpu.wait_dma2 semaphore(%run_scoped3A : memref<!tpu.dma_semaphore, #tpu.memory_space<semaphore_mem>>) src(%dma_wait3A_84 : memref<40000xf32, #tpu.memory_space<hbm>>) dst(%arg8 : memref<40000xf32, #tpu.memory_space<vmem>>)
      tpu.yield
    }) : () -> ()
    %mul3A_1 = arith.constant 40000 : i32
    %mul3A_2 = arith.muli %arg0, %mul3A_1 : i32
    "tpu.region"() ({
      %run_scoped3A = tpu.sem_alloc : memref<!tpu.dma_semaphore, #tpu.memory_space<semaphore_mem>>
      %dma_start3A = tpu.memref_slice %arg3[%mul3A_2] : memref<80000xf32, #tpu.memory_space<hbm>> -> memref<40000xf32, #tpu.memory_space<hbm>>
      %dma_start3A_83 = tpu.memref_slice %arg3[%mul3A_2] : memref<80000xf32, #tpu.memory_space<hbm>> -> memref<40000xf32, #tpu.memory_space<hbm>>
      tpu.enqueue_dma source(%dma_start3A_83 : memref<40000xf32, #tpu.memory_space<hbm>>) target(%arg9 : memref<40000xf32, #tpu.memory_space<vmem>>) target_semaphore(%run_scoped3A : memref<!tpu.dma_semaphore, #tpu.memory_space<semaphore_mem>>)
      %dma_wait3A = tpu.memref_slice %arg3[%mul3A_2] : memref<80000xf32, #tpu.memory_space<hbm>> -> memref<40000xf32, #tpu.memory_space<hbm>>
      %dma_wait3A_84 = tpu.memref_slice %arg3[%mul3A_2] : memref<80000xf32, #tpu.memory_space<hbm>> -> memref<40000xf32, #tpu.memory_space<hbm>>
      tpu.wait_dma2 semaphore(%run_scoped3A : memref<!tpu.dma_semaphore, #tpu.memory_space<semaphore_mem>>) src(%dma_wait3A_84 : memref<40000xf32, #tpu.memory_space<hbm>>) dst(%arg9 : memref<40000xf32, #tpu.memory_space<vmem>>)
      tpu.yield
    }) : () -> ()
    "tpu.region"() ({
      %run_scoped3A = tpu.sem_alloc : memref<!tpu.dma_semaphore, #tpu.memory_space<semaphore_mem>>
      tpu.enqueue_dma source(%arg6 : memref<128xf32, #tpu.memory_space<hbm>>) target(%arg13 : memref<128xf32, #tpu.memory_space<vmem>>) target_semaphore(%run_scoped3A : memref<!tpu.dma_semaphore, #tpu.memory_space<semaphore_mem>>)
      tpu.wait_dma2 semaphore(%run_scoped3A : memref<!tpu.dma_semaphore, #tpu.memory_space<semaphore_mem>>) src(%arg6 : memref<128xf32, #tpu.memory_space<hbm>>) dst(%arg13 : memref<128xf32, #tpu.memory_space<vmem>>)
      tpu.yield
    }) : () -> ()
    %scan3A = arith.constant 0 : i32
    %scan3A_3 = arith.constant 0 : i32
    %scan3A_4 = arith.constant 3120 : i32
    %scan3A_5 = arith.addi %scan3A_3, %scan3A_4 : i32
    %scan3A_6 = arith.constant 8 : i32
    scf.for %scan3A_83 = %scan3A_3 to %scan3A_5 step %scan3A_6  : i32 {
      %broadcast_in_dim3A_84 = arith.constant 0.000000e+00 : f32
      %broadcast_in_dim3A_85 = vector.broadcast %broadcast_in_dim3A_84 : f32 to vector<16xf32>
      %mul3A_86 = arith.constant 16 : i32
      %mul3A_87 = arith.muli %scan3A_83, %mul3A_86 : i32
      %swap3A_88 = arith.index_cast %mul3A_87 : i32 to index
      %swap3A_89 = tpu.vector_load %arg10[%swap3A_88] {strides = array<i32>} : memref<50000xf32, #tpu.memory_space<vmem>>, vector<16xf32>,
      tpu.vector_store %arg10[%swap3A_88], %broadcast_in_dim3A_85 {strides = array<i32>} : memref<50000xf32, #tpu.memory_space<vmem>>, vector<16xf32>,
      %scan3A_90 = arith.constant 1 : i32
      %scan3A_91 = arith.addi %scan3A_83, %scan3A_90 : i32
      %broadcast_in_dim3A_92 = arith.constant 0.000000e+00 : f32
      %broadcast_in_dim3A_93 = vector.broadcast %broadcast_in_dim3A_92 : f32 to vector<16xf32>
      %mul3A_94 = arith.constant 16 : i32
      %mul3A_95 = arith.muli %scan3A_91, %mul3A_94 : i32
      %swap3A_96 = arith.index_cast %mul3A_95 : i32 to index
      %swap3A_97 = tpu.vector_load %arg10[%swap3A_96] {strides = array<i32>} : memref<50000xf32, #tpu.memory_space<vmem>>, vector<16xf32>,
      tpu.vector_store %arg10[%swap3A_96], %broadcast_in_dim3A_93 {strides = array<i32>} : memref<50000xf32, #tpu.memory_space<vmem>>, vector<16xf32>,
      %scan3A_98 = arith.constant 2 : i32
      %scan3A_99 = arith.addi %scan3A_83, %scan3A_98 : i32
      %broadcast_in_dim3A_100 = arith.constant 0.000000e+00 : f32
      %broadcast_in_dim3A_101 = vector.broadcast %broadcast_in_dim3A_100 : f32 to vector<16xf32>
      %mul3A_102 = arith.constant 16 : i32
      %mul3A_103 = arith.muli %scan3A_99, %mul3A_102 : i32
      %swap3A_104 = arith.index_cast %mul3A_103 : i32 to index
      %swap3A_105 = tpu.vector_load %arg10[%swap3A_104] {strides = array<i32>} : memref<50000xf32, #tpu.memory_space<vmem>>, vector<16xf32>,
      tpu.vector_store %arg10[%swap3A_104], %broadcast_in_dim3A_101 {strides = array<i32>} : memref<50000xf32, #tpu.memory_space<vmem>>, vector<16xf32>,
      %scan3A_106 = arith.constant 3 : i32
      %scan3A_107 = arith.addi %scan3A_83, %scan3A_106 : i32
      %broadcast_in_dim3A_108 = arith.constant 0.000000e+00 : f32
      %broadcast_in_dim3A_109 = vector.broadcast %broadcast_in_dim3A_108 : f32 to vector<16xf32>
      %mul3A_110 = arith.constant 16 : i32
      %mul3A_111 = arith.muli %scan3A_107, %mul3A_110 : i32
      %swap3A_112 = arith.index_cast %mul3A_111 : i32 to index
      %swap3A_113 = tpu.vector_load %arg10[%swap3A_112] {strides = array<i32>} : memref<50000xf32, #tpu.memory_space<vmem>>, vector<16xf32>,
      tpu.vector_store %arg10[%swap3A_112], %broadcast_in_dim3A_109 {strides = array<i32>} : memref<50000xf32, #tpu.memory_space<vmem>>, vector<16xf32>,
      %scan3A_114 = arith.constant 4 : i32
      %scan3A_115 = arith.addi %scan3A_83, %scan3A_114 : i32
      %broadcast_in_dim3A_116 = arith.constant 0.000000e+00 : f32
      %broadcast_in_dim3A_117 = vector.broadcast %broadcast_in_dim3A_116 : f32 to vector<16xf32>
      %mul3A_118 = arith.constant 16 : i32
      %mul3A_119 = arith.muli %scan3A_115, %mul3A_118 : i32
      %swap3A_120 = arith.index_cast %mul3A_119 : i32 to index
      %swap3A_121 = tpu.vector_load %arg10[%swap3A_120] {strides = array<i32>} : memref<50000xf32, #tpu.memory_space<vmem>>, vector<16xf32>,
      tpu.vector_store %arg10[%swap3A_120], %broadcast_in_dim3A_117 {strides = array<i32>} : memref<50000xf32, #tpu.memory_space<vmem>>, vector<16xf32>,
      %scan3A_122 = arith.constant 5 : i32
      %scan3A_123 = arith.addi %scan3A_83, %scan3A_122 : i32
      %broadcast_in_dim3A_124 = arith.constant 0.000000e+00 : f32
      %broadcast_in_dim3A_125 = vector.broadcast %broadcast_in_dim3A_124 : f32 to vector<16xf32>
      %mul3A_126 = arith.constant 16 : i32
      %mul3A_127 = arith.muli %scan3A_123, %mul3A_126 : i32
      %swap3A_128 = arith.index_cast %mul3A_127 : i32 to index
      %swap3A_129 = tpu.vector_load %arg10[%swap3A_128] {strides = array<i32>} : memref<50000xf32, #tpu.memory_space<vmem>>, vector<16xf32>,
      tpu.vector_store %arg10[%swap3A_128], %broadcast_in_dim3A_125 {strides = array<i32>} : memref<50000xf32, #tpu.memory_space<vmem>>, vector<16xf32>,
      %scan3A_130 = arith.constant 6 : i32
      %scan3A_131 = arith.addi %scan3A_83, %scan3A_130 : i32
      %broadcast_in_dim3A_132 = arith.constant 0.000000e+00 : f32
      %broadcast_in_dim3A_133 = vector.broadcast %broadcast_in_dim3A_132 : f32 to vector<16xf32>
      %mul3A_134 = arith.constant 16 : i32
      %mul3A_135 = arith.muli %scan3A_131, %mul3A_134 : i32
      %swap3A_136 = arith.index_cast %mul3A_135 : i32 to index
      %swap3A_137 = tpu.vector_load %arg10[%swap3A_136] {strides = array<i32>} : memref<50000xf32, #tpu.memory_space<vmem>>, vector<16xf32>,
      tpu.vector_store %arg10[%swap3A_136], %broadcast_in_dim3A_133 {strides = array<i32>} : memref<50000xf32, #tpu.memory_space<vmem>>, vector<16xf32>,
      %scan3A_138 = arith.constant 7 : i32
      %scan3A_139 = arith.addi %scan3A_83, %scan3A_138 : i32
      %broadcast_in_dim3A_140 = arith.constant 0.000000e+00 : f32
      %broadcast_in_dim3A_141 = vector.broadcast %broadcast_in_dim3A_140 : f32 to vector<16xf32>
      %mul3A_142 = arith.constant 16 : i32
      %mul3A_143 = arith.muli %scan3A_139, %mul3A_142 : i32
      %swap3A_144 = arith.index_cast %mul3A_143 : i32 to index
      %swap3A_145 = tpu.vector_load %arg10[%swap3A_144] {strides = array<i32>} : memref<50000xf32, #tpu.memory_space<vmem>>, vector<16xf32>,
      tpu.vector_store %arg10[%swap3A_144], %broadcast_in_dim3A_141 {strides = array<i32>} : memref<50000xf32, #tpu.memory_space<vmem>>, vector<16xf32>,
    }
    %scan3A_7 = arith.constant 3120 : i32
    %scan3A_8 = arith.addi %scan3A_3, %scan3A_7 : i32
    %broadcast_in_dim3A = arith.constant 0.000000e+00 : f32
    %broadcast_in_dim3A_9 = vector.broadcast %broadcast_in_dim3A : f32 to vector<16xf32>
    %mul3A_10 = arith.constant 16 : i32
    %mul3A_11 = arith.muli %scan3A_8, %mul3A_10 : i32
    %swap3A = arith.index_cast %mul3A_11 : i32 to index
    %swap3A_12 = tpu.vector_load %arg10[%swap3A] {strides = array<i32>} : memref<50000xf32, #tpu.memory_space<vmem>>, vector<16xf32>,
    tpu.vector_store %arg10[%swap3A], %broadcast_in_dim3A_9 {strides = array<i32>} : memref<50000xf32, #tpu.memory_space<vmem>>, vector<16xf32>,
    %scan3A_13 = arith.constant 3121 : i32
    %scan3A_14 = arith.addi %scan3A_3, %scan3A_13 : i32
    %broadcast_in_dim3A_15 = arith.constant 0.000000e+00 : f32
    %broadcast_in_dim3A_16 = vector.broadcast %broadcast_in_dim3A_15 : f32 to vector<16xf32>
    %mul3A_17 = arith.constant 16 : i32
    %mul3A_18 = arith.muli %scan3A_14, %mul3A_17 : i32
    %swap3A_19 = arith.index_cast %mul3A_18 : i32 to index
    %swap3A_20 = tpu.vector_load %arg10[%swap3A_19] {strides = array<i32>} : memref<50000xf32, #tpu.memory_space<vmem>>, vector<16xf32>,
    tpu.vector_store %arg10[%swap3A_19], %broadcast_in_dim3A_16 {strides = array<i32>} : memref<50000xf32, #tpu.memory_space<vmem>>, vector<16xf32>,
    %scan3A_21 = arith.constant 3122 : i32
    %scan3A_22 = arith.addi %scan3A_3, %scan3A_21 : i32
    %broadcast_in_dim3A_23 = arith.constant 0.000000e+00 : f32
    %broadcast_in_dim3A_24 = vector.broadcast %broadcast_in_dim3A_23 : f32 to vector<16xf32>
    %mul3A_25 = arith.constant 16 : i32
    %mul3A_26 = arith.muli %scan3A_22, %mul3A_25 : i32
    %swap3A_27 = arith.index_cast %mul3A_26 : i32 to index
    %swap3A_28 = tpu.vector_load %arg10[%swap3A_27] {strides = array<i32>} : memref<50000xf32, #tpu.memory_space<vmem>>, vector<16xf32>,
    tpu.vector_store %arg10[%swap3A_27], %broadcast_in_dim3A_24 {strides = array<i32>} : memref<50000xf32, #tpu.memory_space<vmem>>, vector<16xf32>,
    %scan3A_29 = arith.constant 3123 : i32
    %scan3A_30 = arith.addi %scan3A_3, %scan3A_29 : i32
    %broadcast_in_dim3A_31 = arith.constant 0.000000e+00 : f32
    %broadcast_in_dim3A_32 = vector.broadcast %broadcast_in_dim3A_31 : f32 to vector<16xf32>
    %mul3A_33 = arith.constant 16 : i32
    %mul3A_34 = arith.muli %scan3A_30, %mul3A_33 : i32
    %swap3A_35 = arith.index_cast %mul3A_34 : i32 to index
    %swap3A_36 = tpu.vector_load %arg10[%swap3A_35] {strides = array<i32>} : memref<50000xf32, #tpu.memory_space<vmem>>, vector<16xf32>,
    tpu.vector_store %arg10[%swap3A_35], %broadcast_in_dim3A_32 {strides = array<i32>} : memref<50000xf32, #tpu.memory_space<vmem>>, vector<16xf32>,
    %scan3A_37 = arith.constant 3124 : i32
    %scan3A_38 = arith.addi %scan3A_3, %scan3A_37 : i32
    %broadcast_in_dim3A_39 = arith.constant 0.000000e+00 : f32
    %broadcast_in_dim3A_40 = vector.broadcast %broadcast_in_dim3A_39 : f32 to vector<16xf32>
    %mul3A_41 = arith.constant 16 : i32
    %mul3A_42 = arith.muli %scan3A_38, %mul3A_41 : i32
    %swap3A_43 = arith.index_cast %mul3A_42 : i32 to index
    %swap3A_44 = tpu.vector_load %arg10[%swap3A_43] {strides = array<i32>} : memref<50000xf32, #tpu.memory_space<vmem>>, vector<16xf32>,
    tpu.vector_store %arg10[%swap3A_43], %broadcast_in_dim3A_40 {strides = array<i32>} : memref<50000xf32, #tpu.memory_space<vmem>>, vector<16xf32>,
    %scan3A_45 = arith.constant 3125 : i32
    %eq3A = arith.constant 0 : i32
    %eq3A_46 = arith.cmpi eq, %arg0, %eq3A : i32
    %get3A = arith.constant 0 : index
    %get3A_47 = tpu.vector_load %arg13[%get3A] {strides = array<i32>} : memref<128xf32, #tpu.memory_space<vmem>>, vector<16xf32>,
    %get3A_48 = arith.constant 64 : index
    %get3A_49 = tpu.vector_load %arg13[%get3A_48] {strides = array<i32>} : memref<128xf32, #tpu.memory_space<vmem>>, vector<16xf32>,
    %select_n3A = arith.select %eq3A_46, %get3A_47, %get3A_49 : vector<16xf32>
    %eq3A_50 = arith.constant 0 : i32
    %eq3A_51 = arith.cmpi eq, %arg0, %eq3A_50 : i32
    %get3A_52 = arith.constant 16 : index
    %get3A_53 = tpu.vector_load %arg13[%get3A_52] {strides = array<i32>} : memref<128xf32, #tpu.memory_space<vmem>>, vector<16xf32>,
    %get3A_54 = arith.constant 80 : index
    %get3A_55 = tpu.vector_load %arg13[%get3A_54] {strides = array<i32>} : memref<128xf32, #tpu.memory_space<vmem>>, vector<16xf32>,
    %select_n3A_56 = arith.select %eq3A_51, %get3A_53, %get3A_55 : vector<16xf32>
    %eq3A_57 = arith.constant 0 : i32
    %eq3A_58 = arith.cmpi eq, %arg0, %eq3A_57 : i32
    %get3A_59 = arith.constant 32 : index
    %get3A_60 = tpu.vector_load %arg13[%get3A_59] {strides = array<i32>} : memref<128xf32, #tpu.memory_space<vmem>>, vector<16xf32>,
    %get3A_61 = arith.constant 96 : index
    %get3A_62 = tpu.vector_load %arg13[%get3A_61] {strides = array<i32>} : memref<128xf32, #tpu.memory_space<vmem>>, vector<16xf32>,
    %select_n3A_63 = arith.select %eq3A_58, %get3A_60, %get3A_62 : vector<16xf32>
    %eq3A_64 = arith.constant 0 : i32
    %eq3A_65 = arith.cmpi eq, %arg0, %eq3A_64 : i32
    %get3A_66 = arith.constant 48 : index
    %get3A_67 = tpu.vector_load %arg13[%get3A_66] {strides = array<i32>} : memref<128xf32, #tpu.memory_space<vmem>>, vector<16xf32>,
    %get3A_68 = arith.constant 112 : index
    %get3A_69 = tpu.vector_load %arg13[%get3A_68] {strides = array<i32>} : memref<128xf32, #tpu.memory_space<vmem>>, vector<16xf32>,
    %select_n3A_70 = arith.select %eq3A_65, %get3A_67, %get3A_69 : vector<16xf32>
    %mul3A_71 = arith.constant 20000 : i32
    %mul3A_72 = arith.muli %arg1, %mul3A_71 : i32
    %scan3A_73 = arith.constant 0 : i32
    %scan3A_74 = arith.constant 0 : i32
    %scan3A_75 = arith.constant 105 : i32
    %scan3A_76 = arith.addi %scan3A_74, %scan3A_75 : i32
    %scan3A_77 = arith.constant 1 : i32
    scf.for %scan3A_83 = %scan3A_74 to %scan3A_76 step %scan3A_77  : i32 {
      %mul3A_84 = arith.constant 192 : i32
      %mul3A_85 = arith.muli %scan3A_83, %mul3A_84 : i32
      %add3A_86 = arith.addi %mul3A_72, %mul3A_85 : i32
      %add3A_87 = arith.addi %mul3A_72, %mul3A_85 : i32
      %dma_start3A = tpu.memref_slice %arg4[%add3A_86] : memref<323072xi32, #tpu.memory_space<hbm>> -> memref<192xi32, #tpu.memory_space<hbm>>
      %dma_start3A_88 = tpu.memref_slice %arg4[%add3A_86] : memref<323072xi32, #tpu.memory_space<hbm>> -> memref<192xi32, #tpu.memory_space<hbm>>
      tpu.enqueue_dma source(%dma_start3A_88 : memref<192xi32, #tpu.memory_space<hbm>>) target(%arg11 : memref<192xi32, #tpu.memory_space<vmem>>) target_semaphore(%arg14 : memref<!tpu.dma_semaphore, #tpu.memory_space<semaphore_mem>>)
      %dma_start3A_89 = tpu.memref_slice %arg5[%add3A_87] : memref<323072xi32, #tpu.memory_space<hbm>> -> memref<192xi32, #tpu.memory_space<hbm>>
      %dma_start3A_90 = tpu.memref_slice %arg5[%add3A_87] : memref<323072xi32, #tpu.memory_space<hbm>> -> memref<192xi32, #tpu.memory_space<hbm>>
      tpu.enqueue_dma source(%dma_start3A_90 : memref<192xi32, #tpu.memory_space<hbm>>) target(%arg12 : memref<192xi32, #tpu.memory_space<vmem>>) target_semaphore(%arg15 : memref<!tpu.dma_semaphore, #tpu.memory_space<semaphore_mem>>)
      %dma_wait3A = tpu.memref_slice %arg4[%add3A_86] : memref<323072xi32, #tpu.memory_space<hbm>> -> memref<192xi32, #tpu.memory_space<hbm>>
      %dma_wait3A_91 = tpu.memref_slice %arg4[%add3A_86] : memref<323072xi32, #tpu.memory_space<hbm>> -> memref<192xi32, #tpu.memory_space<hbm>>
      tpu.wait_dma2 semaphore(%arg14 : memref<!tpu.dma_semaphore, #tpu.memory_space<semaphore_mem>>) src(%dma_wait3A_91 : memref<192xi32, #tpu.memory_space<hbm>>) dst(%arg11 : memref<192xi32, #tpu.memory_space<vmem>>)
      %dma_wait3A_92 = tpu.memref_slice %arg5[%add3A_87] : memref<323072xi32, #tpu.memory_space<hbm>> -> memref<192xi32, #tpu.memory_space<hbm>>
      %dma_wait3A_93 = tpu.memref_slice %arg5[%add3A_87] : memref<323072xi32, #tpu.memory_space<hbm>> -> memref<192xi32, #tpu.memory_space<hbm>>
      tpu.wait_dma2 semaphore(%arg15 : memref<!tpu.dma_semaphore, #tpu.memory_space<semaphore_mem>>) src(%dma_wait3A_93 : memref<192xi32, #tpu.memory_space<hbm>>) dst(%arg12 : memref<192xi32, #tpu.memory_space<vmem>>)
      %scan3A_94 = arith.constant 0 : i32
      %scan3A_95 = arith.constant 0 : i32
      %scan3A_96 = arith.constant 12 : i32
      %scan3A_97 = arith.addi %scan3A_95, %scan3A_96 : i32
      %scan3A_98 = arith.constant 2 : i32
      scf.for %scan3A_100 = %scan3A_95 to %scan3A_97 step %scan3A_98  : i32 {
        %mul3A_101 = arith.constant 16 : i32
        %mul3A_102 = arith.muli %scan3A_100, %mul3A_101 : i32
        %get3A_103 = arith.index_cast %mul3A_102 : i32 to index
        %get3A_104 = tpu.vector_load %arg11[%get3A_103] {strides = array<i32>} : memref<192xi32, #tpu.memory_space<vmem>>, vector<16xi32>,
        %mul3A_105 = arith.constant 16 : i32
        %mul3A_106 = arith.muli %scan3A_100, %mul3A_105 : i32
        %get3A_107 = arith.index_cast %mul3A_106 : i32 to index
        %get3A_108 = tpu.vector_load %arg12[%get3A_107] {strides = array<i32>} : memref<192xi32, #tpu.memory_space<vmem>>, vector<16xi32>,
        %mul3A_109 = arith.constant 16 : i32
        %mul3A_110 = arith.muli %scan3A_100, %mul3A_109 : i32
        %add3A_111 = arith.addi %mul3A_85, %mul3A_110 : i32
        %iota3A = tpu.iota {dimensions = array<i32: 0>} : vector<16xi32>
        %add3A_112 = vector.broadcast %add3A_111 : i32 to vector<16xi32>
        %add3A_113 = arith.addi %add3A_112, %iota3A : vector<16xi32>
        %lt3A = arith.constant 20000 : i32
        %lt3A_114 = vector.broadcast %lt3A : i32 to vector<16xi32>
        %lt3A_115 = arith.cmpi slt, %add3A_113, %lt3A_114 : vector<16xi32>
        %add3A_116 = vector.broadcast %mul3A_72 : i32 to vector<16xi32>
        %add3A_117 = arith.addi %add3A_116, %add3A_113 : vector<16xi32>
        %lt3A_118 = arith.constant 320000 : i32
        %lt3A_119 = vector.broadcast %lt3A_118 : i32 to vector<16xi32>
        %lt3A_120 = arith.cmpi slt, %add3A_117, %lt3A_119 : vector<16xi32>
        %and3A = arith.andi %lt3A_115, %lt3A_120 : vector<16xi1>
        %mul3A_121 = arith.constant 4 : i32
        %mul3A_122 = vector.broadcast %mul3A_121 : i32 to vector<16xi32>
        %mul3A_123 = arith.muli %get3A_104, %mul3A_122 : vector<16xi32>
        %mul3A_124 = arith.constant 4 : i32
        %mul3A_125 = vector.broadcast %mul3A_124 : i32 to vector<16xi32>
        %mul3A_126 = arith.muli %get3A_108, %mul3A_125 : vector<16xi32>
        %add3A_127 = arith.constant 0 : i32
        %add3A_128 = vector.broadcast %add3A_127 : i32 to vector<16xi32>
        %add3A_129 = arith.addi %mul3A_123, %add3A_128 : vector<16xi32>
        %gather3A = tpu.vector_load_idx %arg8[%add3A_129] : memref<40000xf32, #tpu.memory_space<vmem>>[vector<16xi32>], vector<16xf32>,
        %add3A_130 = arith.constant 1 : i32
        %add3A_131 = vector.broadcast %add3A_130 : i32 to vector<16xi32>
        %add3A_132 = arith.addi %mul3A_123, %add3A_131 : vector<16xi32>
        %gather3A_133 = tpu.vector_load_idx %arg8[%add3A_132] : memref<40000xf32, #tpu.memory_space<vmem>>[vector<16xi32>], vector<16xf32>,
        %add3A_134 = arith.constant 2 : i32
        %add3A_135 = vector.broadcast %add3A_134 : i32 to vector<16xi32>
        %add3A_136 = arith.addi %mul3A_123, %add3A_135 : vector<16xi32>
        %gather3A_137 = tpu.vector_load_idx %arg8[%add3A_136] : memref<40000xf32, #tpu.memory_space<vmem>>[vector<16xi32>], vector<16xf32>,
        %add3A_138 = arith.constant 3 : i32
        %add3A_139 = vector.broadcast %add3A_138 : i32 to vector<16xi32>
        %add3A_140 = arith.addi %mul3A_123, %add3A_139 : vector<16xi32>
        %gather3A_141 = tpu.vector_load_idx %arg8[%add3A_140] : memref<40000xf32, #tpu.memory_space<vmem>>[vector<16xi32>], vector<16xf32>,
        %add3A_142 = arith.constant 0 : i32
        %add3A_143 = vector.broadcast %add3A_142 : i32 to vector<16xi32>
        %add3A_144 = arith.addi %mul3A_126, %add3A_143 : vector<16xi32>
        %gather3A_145 = tpu.vector_load_idx %arg9[%add3A_144] : memref<40000xf32, #tpu.memory_space<vmem>>[vector<16xi32>], vector<16xf32>,
        %add3A_146 = arith.constant 1 : i32
        %add3A_147 = vector.broadcast %add3A_146 : i32 to vector<16xi32>
        %add3A_148 = arith.addi %mul3A_126, %add3A_147 : vector<16xi32>
        %gather3A_149 = tpu.vector_load_idx %arg9[%add3A_148] : memref<40000xf32, #tpu.memory_space<vmem>>[vector<16xi32>], vector<16xf32>,
        %add3A_150 = arith.constant 2 : i32
        %add3A_151 = vector.broadcast %add3A_150 : i32 to vector<16xi32>
        %add3A_152 = arith.addi %mul3A_126, %add3A_151 : vector<16xi32>
        %gather3A_153 = tpu.vector_load_idx %arg9[%add3A_152] : memref<40000xf32, #tpu.memory_space<vmem>>[vector<16xi32>], vector<16xf32>,
        %add3A_154 = arith.constant 3 : i32
        %add3A_155 = vector.broadcast %add3A_154 : i32 to vector<16xi32>
        %add3A_156 = arith.addi %mul3A_126, %add3A_155 : vector<16xi32>
        %gather3A_157 = tpu.vector_load_idx %arg9[%add3A_156] : memref<40000xf32, #tpu.memory_space<vmem>>[vector<16xi32>], vector<16xf32>,
        %add3A_158 = arith.addf %gather3A, %gather3A_145 : vector<16xf32>
        %ge3A = arith.constant 0.000000e+00 : f32
        %ge3A_159 = vector.broadcast %ge3A : f32 to vector<16xf32>
        %ge3A_160 = arith.cmpf oge, %add3A_158, %ge3A_159 : vector<16xf32>
        %mul3A_161 = arith.constant 2.000000e-01 : f32
        %mul3A_162 = vector.broadcast %mul3A_161 : f32 to vector<16xf32>
        %mul3A_163 = arith.mulf %mul3A_162, %add3A_158 : vector<16xf32>
        %select_n3A_164 = arith.select %ge3A_160, %add3A_158, %mul3A_163 : vector<16xi1>, vector<16xf32>
        %mul3A_165 = arith.mulf %select_n3A_164, %select_n3A : vector<16xf32>
        %add3A_166 = arith.addf %gather3A_133, %gather3A_149 : vector<16xf32>
        %ge3A_167 = arith.constant 0.000000e+00 : f32
        %ge3A_168 = vector.broadcast %ge3A_167 : f32 to vector<16xf32>
        %ge3A_169 = arith.cmpf oge, %add3A_166, %ge3A_168 : vector<16xf32>
        %mul3A_170 = arith.constant 2.000000e-01 : f32
        %mul3A_171 = vector.broadcast %mul3A_170 : f32 to vector<16xf32>
        %mul3A_172 = arith.mulf %mul3A_171, %add3A_166 : vector<16xf32>
        %select_n3A_173 = arith.select %ge3A_169, %add3A_166, %mul3A_172 : vector<16xi1>, vector<16xf32>
        %mul3A_174 = arith.mulf %select_n3A_173, %select_n3A_56 : vector<16xf32>
        %add3A_175 = arith.addf %mul3A_165, %mul3A_174 : vector<16xf32>
        %add3A_176 = arith.addf %gather3A_137, %gather3A_153 : vector<16xf32>
        %ge3A_177 = arith.constant 0.000000e+00 : f32
        %ge3A_178 = vector.broadcast %ge3A_177 : f32 to vector<16xf32>
        %ge3A_179 = arith.cmpf oge, %add3A_176, %ge3A_178 : vector<16xf32>
        %mul3A_180 = arith.constant 2.000000e-01 : f32
        %mul3A_181 = vector.broadcast %mul3A_180 : f32 to vector<16xf32>
        %mul3A_182 = arith.mulf %mul3A_181, %add3A_176 : vector<16xf32>
        %select_n3A_183 = arith.select %ge3A_179, %add3A_176, %mul3A_182 : vector<16xi1>, vector<16xf32>
        %mul3A_184 = arith.mulf %select_n3A_183, %select_n3A_63 : vector<16xf32>
        %add3A_185 = arith.addf %add3A_175, %mul3A_184 : vector<16xf32>
        %add3A_186 = arith.addf %gather3A_141, %gather3A_157 : vector<16xf32>
        %ge3A_187 = arith.constant 0.000000e+00 : f32
        %ge3A_188 = vector.broadcast %ge3A_187 : f32 to vector<16xf32>
        %ge3A_189 = arith.cmpf oge, %add3A_186, %ge3A_188 : vector<16xf32>
        %mul3A_190 = arith.constant 2.000000e-01 : f32
        %mul3A_191 = vector.broadcast %mul3A_190 : f32 to vector<16xf32>
        %mul3A_192 = arith.mulf %mul3A_191, %add3A_186 : vector<16xf32>
        %select_n3A_193 = arith.select %ge3A_189, %add3A_186, %mul3A_192 : vector<16xi1>, vector<16xf32>
        %mul3A_194 = arith.mulf %select_n3A_193, %select_n3A_70 : vector<16xf32>
        %add3A_195 = arith.addf %add3A_185, %mul3A_194 : vector<16xf32>
        %exp3A = math.exp %add3A_195 : vector<16xf32>
        %mul3A_196 = arith.mulf %exp3A, %gather3A : vector<16xf32>
        %mul3A_197 = arith.mulf %exp3A, %gather3A_133 : vector<16xf32>
        %mul3A_198 = arith.mulf %exp3A, %gather3A_137 : vector<16xf32>
        %mul3A_199 = arith.mulf %exp3A, %gather3A_141 : vector<16xf32>
        %mul3A_200 = arith.constant 5 : i32
        %mul3A_201 = vector.broadcast %mul3A_200 : i32 to vector<16xi32>
        %mul3A_202 = arith.muli %get3A_108, %mul3A_201 : vector<16xi32>
        %unique3A, %unique3A_203 = tpu.scan_count mask(%and3A : vector<16xi1>) value(%get3A_108 : vector<16xi32>) : vector<16xi1>, vector<16xi32>
        %jit3A = arith.constant 0 : i32
        %broadcast_in_dim3A_204 = vector.broadcast %jit3A : i32 to vector<16xi32>
        %select_n3A_205 = arith.select %and3A, %unique3A_203, %broadcast_in_dim3A_204 : vector<16xi1>, vector<16xi32>
        %reduce_max3A = arith.constant true
        %reduce_max3A_206 = vector.broadcast %reduce_max3A : i1 to vector<16xi1>
        %reduce_max3A_207 = arith.constant -2147483648 : i32
        %reduce_max3A_208 = vector.broadcast %reduce_max3A_207 : i32 to vector<16xi32>
        %reduce_max3A_209 = arith.xori %select_n3A_205, %reduce_max3A_208 : vector<16xi32>
        %reduce_max3A_210 = tpu.scan <max>, %reduce_max3A_209 masked %reduce_max3A_206 : vector<16xi32>, vector<16xi1> -> vector<16xi32>
        %reduce_max3A_211 = arith.xori %reduce_max3A_210, %reduce_max3A_208 : vector<16xi32>
        %reduce_max3A_212 = vector.extract %reduce_max3A_211[15] : i32 from vector<16xi32>
        %add3A_213 = arith.constant 1 : i32
        %add3A_214 = arith.addi %reduce_max3A_212, %add3A_213 : i32
        %while3A = arith.constant 0 : i32
        %while3A_215 = arith.constant 1 : i32
        %while3A_216 = arith.subi %add3A_214, %while3A_215 : i32
        %while3A_217 = arith.addi %while3A_215, %while3A_216 : i32
        %while3A_218 = arith.constant 1 : i32
        %while3A_219 = arith.divsi %while3A_216, %while3A_218 : i32
        %while3A_220 = arith.muli %while3A_219, %while3A_218 : i32
        %while3A_221 = arith.addi %while3A_215, %while3A_220 : i32
        %while3A_222 = arith.constant 1 : i32
        scf.for %while3A_359 = %while3A_215 to %while3A_221 step %while3A_222  : i32 {
          %eq3A_360 = vector.broadcast %while3A_359 : i32 to vector<16xi32>
          %eq3A_361 = arith.cmpi eq, %unique3A_203, %eq3A_360 : vector<16xi32>
          %and3A_362 = arith.andi %and3A, %eq3A_361 : vector<16xi1>
          %add3A_363 = arith.constant 0 : i32
          %add3A_364 = vector.broadcast %add3A_363 : i32 to vector<16xi32>
          %add3A_365 = arith.addi %mul3A_202, %add3A_364 : vector<16xi32>
          tpu.vector_store_idx %arg10[%add3A_365], %mul3A_196 masked %and3A_362 {add = true} : memref<50000xf32, #tpu.memory_space<vmem>>[vector<16xi32>], vector<16xf32>, vector<16xi1>
          %add3A_366 = arith.constant 1 : i32
          %add3A_367 = vector.broadcast %add3A_366 : i32 to vector<16xi32>
          %add3A_368 = arith.addi %mul3A_202, %add3A_367 : vector<16xi32>
          tpu.vector_store_idx %arg10[%add3A_368], %mul3A_197 masked %and3A_362 {add = true} : memref<50000xf32, #tpu.memory_space<vmem>>[vector<16xi32>], vector<16xf32>, vector<16xi1>
          %add3A_369 = arith.constant 2 : i32
          %add3A_370 = vector.broadcast %add3A_369 : i32 to vector<16xi32>
          %add3A_371 = arith.addi %mul3A_202, %add3A_370 : vector<16xi32>
          tpu.vector_store_idx %arg10[%add3A_371], %mul3A_198 masked %and3A_362 {add = true} : memref<50000xf32, #tpu.memory_space<vmem>>[vector<16xi32>], vector<16xf32>, vector<16xi1>
          %add3A_372 = arith.constant 3 : i32
          %add3A_373 = vector.broadcast %add3A_372 : i32 to vector<16xi32>
          %add3A_374 = arith.addi %mul3A_202, %add3A_373 : vector<16xi32>
          tpu.vector_store_idx %arg10[%add3A_374], %mul3A_199 masked %and3A_362 {add = true} : memref<50000xf32, #tpu.memory_space<vmem>>[vector<16xi32>], vector<16xf32>, vector<16xi1>
          %add3A_375 = arith.constant 4 : i32
          %add3A_376 = vector.broadcast %add3A_375 : i32 to vector<16xi32>
          %add3A_377 = arith.addi %mul3A_202, %add3A_376 : vector<16xi32>
          tpu.vector_store_idx %arg10[%add3A_377], %exp3A masked %and3A_362 {add = true} : memref<50000xf32, #tpu.memory_space<vmem>>[vector<16xi32>], vector<16xf32>, vector<16xi1>
        }
        %while3A_223 = arith.constant 1 : i32
        scf.for %while3A_359 = %while3A_221 to %while3A_217 step %while3A_223  : i32 {
          %eq3A_360 = vector.broadcast %while3A_359 : i32 to vector<16xi32>
          %eq3A_361 = arith.cmpi eq, %unique3A_203, %eq3A_360 : vector<16xi32>
          %and3A_362 = arith.andi %and3A, %eq3A_361 : vector<16xi1>
          %add3A_363 = arith.constant 0 : i32
          %add3A_364 = vector.broadcast %add3A_363 : i32 to vector<16xi32>
          %add3A_365 = arith.addi %mul3A_202, %add3A_364 : vector<16xi32>
          tpu.vector_store_idx %arg10[%add3A_365], %mul3A_196 masked %and3A_362 {add = true} : memref<50000xf32, #tpu.memory_space<vmem>>[vector<16xi32>], vector<16xf32>, vector<16xi1>
          %add3A_366 = arith.constant 1 : i32
          %add3A_367 = vector.broadcast %add3A_366 : i32 to vector<16xi32>
          %add3A_368 = arith.addi %mul3A_202, %add3A_367 : vector<16xi32>
          tpu.vector_store_idx %arg10[%add3A_368], %mul3A_197 masked %and3A_362 {add = true} : memref<50000xf32, #tpu.memory_space<vmem>>[vector<16xi32>], vector<16xf32>, vector<16xi1>
          %add3A_369 = arith.constant 2 : i32
          %add3A_370 = vector.broadcast %add3A_369 : i32 to vector<16xi32>
          %add3A_371 = arith.addi %mul3A_202, %add3A_370 : vector<16xi32>
          tpu.vector_store_idx %arg10[%add3A_371], %mul3A_198 masked %and3A_362 {add = true} : memref<50000xf32, #tpu.memory_space<vmem>>[vector<16xi32>], vector<16xf32>, vector<16xi1>
          %add3A_372 = arith.constant 3 : i32
          %add3A_373 = vector.broadcast %add3A_372 : i32 to vector<16xi32>
          %add3A_374 = arith.addi %mul3A_202, %add3A_373 : vector<16xi32>
          tpu.vector_store_idx %arg10[%add3A_374], %mul3A_199 masked %and3A_362 {add = true} : memref<50000xf32, #tpu.memory_space<vmem>>[vector<16xi32>], vector<16xf32>, vector<16xi1>
          %add3A_375 = arith.constant 4 : i32
          %add3A_376 = vector.broadcast %add3A_375 : i32 to vector<16xi32>
          %add3A_377 = arith.addi %mul3A_202, %add3A_376 : vector<16xi32>
          tpu.vector_store_idx %arg10[%add3A_377], %exp3A masked %and3A_362 {add = true} : memref<50000xf32, #tpu.memory_space<vmem>>[vector<16xi32>], vector<16xf32>, vector<16xi1>
        }
        %scan3A_224 = arith.constant 1 : i32
        %scan3A_225 = arith.addi %scan3A_100, %scan3A_224 : i32
        %mul3A_226 = arith.constant 16 : i32
        %mul3A_227 = arith.muli %scan3A_225, %mul3A_226 : i32
        %get3A_228 = arith.index_cast %mul3A_227 : i32 to index
        %get3A_229 = tpu.vector_load %arg11[%get3A_228] {strides = array<i32>} : memref<192xi32, #tpu.memory_space<vmem>>, vector<16xi32>,
        %mul3A_230 = arith.constant 16 : i32
        %mul3A_231 = arith.muli %scan3A_225, %mul3A_230 : i32
        %get3A_232 = arith.index_cast %mul3A_231 : i32 to index
        %get3A_233 = tpu.vector_load %arg12[%get3A_232] {strides = array<i32>} : memref<192xi32, #tpu.memory_space<vmem>>, vector<16xi32>,
        %mul3A_234 = arith.constant 16 : i32
        %mul3A_235 = arith.muli %scan3A_225, %mul3A_234 : i32
        %add3A_236 = arith.addi %mul3A_85, %mul3A_235 : i32
        %iota3A_237 = tpu.iota {dimensions = array<i32: 0>} : vector<16xi32>
        %add3A_238 = vector.broadcast %add3A_236 : i32 to vector<16xi32>
        %add3A_239 = arith.addi %add3A_238, %iota3A_237 : vector<16xi32>
        %lt3A_240 = arith.constant 20000 : i32
        %lt3A_241 = vector.broadcast %lt3A_240 : i32 to vector<16xi32>
        %lt3A_242 = arith.cmpi slt, %add3A_239, %lt3A_241 : vector<16xi32>
        %add3A_243 = vector.broadcast %mul3A_72 : i32 to vector<16xi32>
        %add3A_244 = arith.addi %add3A_243, %add3A_239 : vector<16xi32>
        %lt3A_245 = arith.constant 320000 : i32
        %lt3A_246 = vector.broadcast %lt3A_245 : i32 to vector<16xi32>
        %lt3A_247 = arith.cmpi slt, %add3A_244, %lt3A_246 : vector<16xi32>
        %and3A_248 = arith.andi %lt3A_242, %lt3A_247 : vector<16xi1>
        %mul3A_249 = arith.constant 4 : i32
        %mul3A_250 = vector.broadcast %mul3A_249 : i32 to vector<16xi32>
        %mul3A_251 = arith.muli %get3A_229, %mul3A_250 : vector<16xi32>
        %mul3A_252 = arith.constant 4 : i32
        %mul3A_253 = vector.broadcast %mul3A_252 : i32 to vector<16xi32>
        %mul3A_254 = arith.muli %get3A_233, %mul3A_253 : vector<16xi32>
        %add3A_255 = arith.constant 0 : i32
        %add3A_256 = vector.broadcast %add3A_255 : i32 to vector<16xi32>
        %add3A_257 = arith.addi %mul3A_251, %add3A_256 : vector<16xi32>
        %gather3A_258 = tpu.vector_load_idx %arg8[%add3A_257] : memref<40000xf32, #tpu.memory_space<vmem>>[vector<16xi32>], vector<16xf32>,
        %add3A_259 = arith.constant 1 : i32
        %add3A_260 = vector.broadcast %add3A_259 : i32 to vector<16xi32>
        %add3A_261 = arith.addi %mul3A_251, %add3A_260 : vector<16xi32>
        %gather3A_262 = tpu.vector_load_idx %arg8[%add3A_261] : memref<40000xf32, #tpu.memory_space<vmem>>[vector<16xi32>], vector<16xf32>,
        %add3A_263 = arith.constant 2 : i32
        %add3A_264 = vector.broadcast %add3A_263 : i32 to vector<16xi32>
        %add3A_265 = arith.addi %mul3A_251, %add3A_264 : vector<16xi32>
        %gather3A_266 = tpu.vector_load_idx %arg8[%add3A_265] : memref<40000xf32, #tpu.memory_space<vmem>>[vector<16xi32>], vector<16xf32>,
        %add3A_267 = arith.constant 3 : i32
        %add3A_268 = vector.broadcast %add3A_267 : i32 to vector<16xi32>
        %add3A_269 = arith.addi %mul3A_251, %add3A_268 : vector<16xi32>
        %gather3A_270 = tpu.vector_load_idx %arg8[%add3A_269] : memref<40000xf32, #tpu.memory_space<vmem>>[vector<16xi32>], vector<16xf32>,
        %add3A_271 = arith.constant 0 : i32
        %add3A_272 = vector.broadcast %add3A_271 : i32 to vector<16xi32>
        %add3A_273 = arith.addi %mul3A_254, %add3A_272 : vector<16xi32>
        %gather3A_274 = tpu.vector_load_idx %arg9[%add3A_273] : memref<40000xf32, #tpu.memory_space<vmem>>[vector<16xi32>], vector<16xf32>,
        %add3A_275 = arith.constant 1 : i32
        %add3A_276 = vector.broadcast %add3A_275 : i32 to vector<16xi32>
        %add3A_277 = arith.addi %mul3A_254, %add3A_276 : vector<16xi32>
        %gather3A_278 = tpu.vector_load_idx %arg9[%add3A_277] : memref<40000xf32, #tpu.memory_space<vmem>>[vector<16xi32>], vector<16xf32>,
        %add3A_279 = arith.constant 2 : i32
        %add3A_280 = vector.broadcast %add3A_279 : i32 to vector<16xi32>
        %add3A_281 = arith.addi %mul3A_254, %add3A_280 : vector<16xi32>
        %gather3A_282 = tpu.vector_load_idx %arg9[%add3A_281] : memref<40000xf32, #tpu.memory_space<vmem>>[vector<16xi32>], vector<16xf32>,
        %add3A_283 = arith.constant 3 : i32
        %add3A_284 = vector.broadcast %add3A_283 : i32 to vector<16xi32>
        %add3A_285 = arith.addi %mul3A_254, %add3A_284 : vector<16xi32>
        %gather3A_286 = tpu.vector_load_idx %arg9[%add3A_285] : memref<40000xf32, #tpu.memory_space<vmem>>[vector<16xi32>], vector<16xf32>,
        %add3A_287 = arith.addf %gather3A_258, %gather3A_274 : vector<16xf32>
        %ge3A_288 = arith.constant 0.000000e+00 : f32
        %ge3A_289 = vector.broadcast %ge3A_288 : f32 to vector<16xf32>
        %ge3A_290 = arith.cmpf oge, %add3A_287, %ge3A_289 : vector<16xf32>
        %mul3A_291 = arith.constant 2.000000e-01 : f32
        %mul3A_292 = vector.broadcast %mul3A_291 : f32 to vector<16xf32>
        %mul3A_293 = arith.mulf %mul3A_292, %add3A_287 : vector<16xf32>
        %select_n3A_294 = arith.select %ge3A_290, %add3A_287, %mul3A_293 : vector<16xi1>, vector<16xf32>
        %mul3A_295 = arith.mulf %select_n3A_294, %select_n3A : vector<16xf32>
        %add3A_296 = arith.addf %gather3A_262, %gather3A_278 : vector<16xf32>
        %ge3A_297 = arith.constant 0.000000e+00 : f32
        %ge3A_298 = vector.broadcast %ge3A_297 : f32 to vector<16xf32>
        %ge3A_299 = arith.cmpf oge, %add3A_296, %ge3A_298 : vector<16xf32>
        %mul3A_300 = arith.constant 2.000000e-01 : f32
        %mul3A_301 = vector.broadcast %mul3A_300 : f32 to vector<16xf32>
        %mul3A_302 = arith.mulf %mul3A_301, %add3A_296 : vector<16xf32>
        %select_n3A_303 = arith.select %ge3A_299, %add3A_296, %mul3A_302 : vector<16xi1>, vector<16xf32>
        %mul3A_304 = arith.mulf %select_n3A_303, %select_n3A_56 : vector<16xf32>
        %add3A_305 = arith.addf %mul3A_295, %mul3A_304 : vector<16xf32>
        %add3A_306 = arith.addf %gather3A_266, %gather3A_282 : vector<16xf32>
        %ge3A_307 = arith.constant 0.000000e+00 : f32
        %ge3A_308 = vector.broadcast %ge3A_307 : f32 to vector<16xf32>
        %ge3A_309 = arith.cmpf oge, %add3A_306, %ge3A_308 : vector<16xf32>
        %mul3A_310 = arith.constant 2.000000e-01 : f32
        %mul3A_311 = vector.broadcast %mul3A_310 : f32 to vector<16xf32>
        %mul3A_312 = arith.mulf %mul3A_311, %add3A_306 : vector<16xf32>
        %select_n3A_313 = arith.select %ge3A_309, %add3A_306, %mul3A_312 : vector<16xi1>, vector<16xf32>
        %mul3A_314 = arith.mulf %select_n3A_313, %select_n3A_63 : vector<16xf32>
        %add3A_315 = arith.addf %add3A_305, %mul3A_314 : vector<16xf32>
        %add3A_316 = arith.addf %gather3A_270, %gather3A_286 : vector<16xf32>
        %ge3A_317 = arith.constant 0.000000e+00 : f32
        %ge3A_318 = vector.broadcast %ge3A_317 : f32 to vector<16xf32>
        %ge3A_319 = arith.cmpf oge, %add3A_316, %ge3A_318 : vector<16xf32>
        %mul3A_320 = arith.constant 2.000000e-01 : f32
        %mul3A_321 = vector.broadcast %mul3A_320 : f32 to vector<16xf32>
        %mul3A_322 = arith.mulf %mul3A_321, %add3A_316 : vector<16xf32>
        %select_n3A_323 = arith.select %ge3A_319, %add3A_316, %mul3A_322 : vector<16xi1>, vector<16xf32>
        %mul3A_324 = arith.mulf %select_n3A_323, %select_n3A_70 : vector<16xf32>
        %add3A_325 = arith.addf %add3A_315, %mul3A_324 : vector<16xf32>
        %exp3A_326 = math.exp %add3A_325 : vector<16xf32>
        %mul3A_327 = arith.mulf %exp3A_326, %gather3A_258 : vector<16xf32>
        %mul3A_328 = arith.mulf %exp3A_326, %gather3A_262 : vector<16xf32>
        %mul3A_329 = arith.mulf %exp3A_326, %gather3A_266 : vector<16xf32>
        %mul3A_330 = arith.mulf %exp3A_326, %gather3A_270 : vector<16xf32>
        %mul3A_331 = arith.constant 5 : i32
        %mul3A_332 = vector.broadcast %mul3A_331 : i32 to vector<16xi32>
        %mul3A_333 = arith.muli %get3A_233, %mul3A_332 : vector<16xi32>
        %unique3A_334, %unique3A_335 = tpu.scan_count mask(%and3A_248 : vector<16xi1>) value(%get3A_233 : vector<16xi32>) : vector<16xi1>, vector<16xi32>
        %jit3A_336 = arith.constant 0 : i32
        %broadcast_in_dim3A_337 = vector.broadcast %jit3A_336 : i32 to vector<16xi32>
        %select_n3A_338 = arith.select %and3A_248, %unique3A_335, %broadcast_in_dim3A_337 : vector<16xi1>, vector<16xi32>
        %reduce_max3A_339 = arith.constant true
        %reduce_max3A_340 = vector.broadcast %reduce_max3A_339 : i1 to vector<16xi1>
        %reduce_max3A_341 = arith.constant -2147483648 : i32
        %reduce_max3A_342 = vector.broadcast %reduce_max3A_341 : i32 to vector<16xi32>
        %reduce_max3A_343 = arith.xori %select_n3A_338, %reduce_max3A_342 : vector<16xi32>
        %reduce_max3A_344 = tpu.scan <max>, %reduce_max3A_343 masked %reduce_max3A_340 : vector<16xi32>, vector<16xi1> -> vector<16xi32>
        %reduce_max3A_345 = arith.xori %reduce_max3A_344, %reduce_max3A_342 : vector<16xi32>
        %reduce_max3A_346 = vector.extract %reduce_max3A_345[15] : i32 from vector<16xi32>
        %add3A_347 = arith.constant 1 : i32
        %add3A_348 = arith.addi %reduce_max3A_346, %add3A_347 : i32
        %while3A_349 = arith.constant 0 : i32
        %while3A_350 = arith.constant 1 : i32
        %while3A_351 = arith.subi %add3A_348, %while3A_350 : i32
        %while3A_352 = arith.addi %while3A_350, %while3A_351 : i32
        %while3A_353 = arith.constant 1 : i32
        %while3A_354 = arith.divsi %while3A_351, %while3A_353 : i32
        %while3A_355 = arith.muli %while3A_354, %while3A_353 : i32
        %while3A_356 = arith.addi %while3A_350, %while3A_355 : i32
        %while3A_357 = arith.constant 1 : i32
        scf.for %while3A_359 = %while3A_350 to %while3A_356 step %while3A_357  : i32 {
          %eq3A_360 = vector.broadcast %while3A_359 : i32 to vector<16xi32>
          %eq3A_361 = arith.cmpi eq, %unique3A_335, %eq3A_360 : vector<16xi32>
          %and3A_362 = arith.andi %and3A_248, %eq3A_361 : vector<16xi1>
          %add3A_363 = arith.constant 0 : i32
          %add3A_364 = vector.broadcast %add3A_363 : i32 to vector<16xi32>
          %add3A_365 = arith.addi %mul3A_333, %add3A_364 : vector<16xi32>
          tpu.vector_store_idx %arg10[%add3A_365], %mul3A_327 masked %and3A_362 {add = true} : memref<50000xf32, #tpu.memory_space<vmem>>[vector<16xi32>], vector<16xf32>, vector<16xi1>
          %add3A_366 = arith.constant 1 : i32
          %add3A_367 = vector.broadcast %add3A_366 : i32 to vector<16xi32>
          %add3A_368 = arith.addi %mul3A_333, %add3A_367 : vector<16xi32>
          tpu.vector_store_idx %arg10[%add3A_368], %mul3A_328 masked %and3A_362 {add = true} : memref<50000xf32, #tpu.memory_space<vmem>>[vector<16xi32>], vector<16xf32>, vector<16xi1>
          %add3A_369 = arith.constant 2 : i32
          %add3A_370 = vector.broadcast %add3A_369 : i32 to vector<16xi32>
          %add3A_371 = arith.addi %mul3A_333, %add3A_370 : vector<16xi32>
          tpu.vector_store_idx %arg10[%add3A_371], %mul3A_329 masked %and3A_362 {add = true} : memref<50000xf32, #tpu.memory_space<vmem>>[vector<16xi32>], vector<16xf32>, vector<16xi1>
          %add3A_372 = arith.constant 3 : i32
          %add3A_373 = vector.broadcast %add3A_372 : i32 to vector<16xi32>
          %add3A_374 = arith.addi %mul3A_333, %add3A_373 : vector<16xi32>
          tpu.vector_store_idx %arg10[%add3A_374], %mul3A_330 masked %and3A_362 {add = true} : memref<50000xf32, #tpu.memory_space<vmem>>[vector<16xi32>], vector<16xf32>, vector<16xi1>
          %add3A_375 = arith.constant 4 : i32
          %add3A_376 = vector.broadcast %add3A_375 : i32 to vector<16xi32>
          %add3A_377 = arith.addi %mul3A_333, %add3A_376 : vector<16xi32>
          tpu.vector_store_idx %arg10[%add3A_377], %exp3A_326 masked %and3A_362 {add = true} : memref<50000xf32, #tpu.memory_space<vmem>>[vector<16xi32>], vector<16xf32>, vector<16xi1>
        }
        %while3A_358 = arith.constant 1 : i32
        scf.for %while3A_359 = %while3A_356 to %while3A_352 step %while3A_358  : i32 {
          %eq3A_360 = vector.broadcast %while3A_359 : i32 to vector<16xi32>
          %eq3A_361 = arith.cmpi eq, %unique3A_335, %eq3A_360 : vector<16xi32>
          %and3A_362 = arith.andi %and3A_248, %eq3A_361 : vector<16xi1>
          %add3A_363 = arith.constant 0 : i32
          %add3A_364 = vector.broadcast %add3A_363 : i32 to vector<16xi32>
          %add3A_365 = arith.addi %mul3A_333, %add3A_364 : vector<16xi32>
          tpu.vector_store_idx %arg10[%add3A_365], %mul3A_327 masked %and3A_362 {add = true} : memref<50000xf32, #tpu.memory_space<vmem>>[vector<16xi32>], vector<16xf32>, vector<16xi1>
          %add3A_366 = arith.constant 1 : i32
          %add3A_367 = vector.broadcast %add3A_366 : i32 to vector<16xi32>
          %add3A_368 = arith.addi %mul3A_333, %add3A_367 : vector<16xi32>
          tpu.vector_store_idx %arg10[%add3A_368], %mul3A_328 masked %and3A_362 {add = true} : memref<50000xf32, #tpu.memory_space<vmem>>[vector<16xi32>], vector<16xf32>, vector<16xi1>
          %add3A_369 = arith.constant 2 : i32
          %add3A_370 = vector.broadcast %add3A_369 : i32 to vector<16xi32>
          %add3A_371 = arith.addi %mul3A_333, %add3A_370 : vector<16xi32>
          tpu.vector_store_idx %arg10[%add3A_371], %mul3A_329 masked %and3A_362 {add = true} : memref<50000xf32, #tpu.memory_space<vmem>>[vector<16xi32>], vector<16xf32>, vector<16xi1>
          %add3A_372 = arith.constant 3 : i32
          %add3A_373 = vector.broadcast %add3A_372 : i32 to vector<16xi32>
          %add3A_374 = arith.addi %mul3A_333, %add3A_373 : vector<16xi32>
          tpu.vector_store_idx %arg10[%add3A_374], %mul3A_330 masked %and3A_362 {add = true} : memref<50000xf32, #tpu.memory_space<vmem>>[vector<16xi32>], vector<16xf32>, vector<16xi1>
          %add3A_375 = arith.constant 4 : i32
          %add3A_376 = vector.broadcast %add3A_375 : i32 to vector<16xi32>
          %add3A_377 = arith.addi %mul3A_333, %add3A_376 : vector<16xi32>
          tpu.vector_store_idx %arg10[%add3A_377], %exp3A_326 masked %and3A_362 {add = true} : memref<50000xf32, #tpu.memory_space<vmem>>[vector<16xi32>], vector<16xf32>, vector<16xi1>
        }
      }
      %scan3A_99 = arith.constant 12 : i32
    }
    %scan3A_78 = arith.constant 105 : i32
    %mul3A_79 = arith.constant 16 : i32
    %mul3A_80 = arith.muli %arg0, %mul3A_79 : i32
    %add3A = arith.addi %mul3A_80, %arg1 : i32
    %mul3A_81 = arith.constant 50000 : i32
    %mul3A_82 = arith.muli %add3A, %mul3A_81 : i32
    "tpu.region"() ({
      %run_scoped3A = tpu.sem_alloc : memref<!tpu.dma_semaphore, #tpu.memory_space<semaphore_mem>>
      %dma_start3A = tpu.memref_slice %arg7[%mul3A_82] : memref<1600000xf32, #tpu.memory_space<hbm>> -> memref<50000xf32, #tpu.memory_space<hbm>>
      %dma_start3A_83 = tpu.memref_slice %arg7[%mul3A_82] : memref<1600000xf32, #tpu.memory_space<hbm>> -> memref<50000xf32, #tpu.memory_space<hbm>>
      tpu.enqueue_dma source(%arg10 : memref<50000xf32, #tpu.memory_space<vmem>>) target(%dma_start3A_83 : memref<50000xf32, #tpu.memory_space<hbm>>) target_semaphore(%run_scoped3A : memref<!tpu.dma_semaphore, #tpu.memory_space<semaphore_mem>>)
      %dma_wait3A = tpu.memref_slice %arg7[%mul3A_82] : memref<1600000xf32, #tpu.memory_space<hbm>> -> memref<50000xf32, #tpu.memory_space<hbm>>
      %dma_wait3A_84 = tpu.memref_slice %arg7[%mul3A_82] : memref<1600000xf32, #tpu.memory_space<hbm>> -> memref<50000xf32, #tpu.memory_space<hbm>>
      tpu.wait_dma2 semaphore(%run_scoped3A : memref<!tpu.dma_semaphore, #tpu.memory_space<semaphore_mem>>) src(%arg10 : memref<50000xf32, #tpu.memory_space<vmem>>) dst(%dma_wait3A_84 : memref<50000xf32, #tpu.memory_space<hbm>>)
      tpu.yield
    }) : () -> ()
    return
  }
}

#map = affine_map<(d0, d1) -> (0)>
module attributes {stable_mosaic.version = 14 : i64} {
  func.func @_edge2_body(%arg0: i32, %arg1: i32, %arg2: memref<10000xf32, #tpu.memory_space<hbm>>, %arg3: memref<323072xi32, #tpu.memory_space<hbm>>, %arg4: memref<323072xi32, #tpu.memory_space<hbm>>, %arg5: memref<640xf32, #tpu.memory_space<hbm>>, %arg6: memref<1280000xf32, #tpu.memory_space<hbm>>, %arg7: memref<10000xf32, #tpu.memory_space<vmem>>, %arg8: memref<40000xf32, #tpu.memory_space<vmem>>, %arg9: memref<192xi32, #tpu.memory_space<vmem>>, %arg10: memref<192xi32, #tpu.memory_space<vmem>>, %arg11: memref<640xf32, #tpu.memory_space<vmem>>, %arg12: memref<!tpu.dma_semaphore, #tpu.memory_space<semaphore_mem>>, %arg13: memref<!tpu.dma_semaphore, #tpu.memory_space<semaphore_mem>>) attributes {dimension_semantics = [#tpu.dimension_semantics<core_parallel>, #tpu.dimension_semantics<subcore_parallel>], iteration_bounds = array<i64: 2, 16>, scalar_prefetch = 0 : i64, scratch_operands = 7 : i64, tpu.core_type = #tpu.core_type<sc_vector_subcore>, window_params = [{transform_indices = #map}, {transform_indices = #map}, {transform_indices = #map}, {transform_indices = #map}, {transform_indices = #map}]} {
    %mul3A = arith.constant 16 : i32
    %mul3A_0 = arith.muli %arg0, %mul3A : i32
    %add3A = arith.addi %mul3A_0, %arg1 : i32
    "tpu.region"() ({
      %run_scoped3A = tpu.sem_alloc : memref<!tpu.dma_semaphore, #tpu.memory_space<semaphore_mem>>
      tpu.enqueue_dma source(%arg2 : memref<10000xf32, #tpu.memory_space<hbm>>) target(%arg7 : memref<10000xf32, #tpu.memory_space<vmem>>) target_semaphore(%run_scoped3A : memref<!tpu.dma_semaphore, #tpu.memory_space<semaphore_mem>>)
      tpu.wait_dma2 semaphore(%run_scoped3A : memref<!tpu.dma_semaphore, #tpu.memory_space<semaphore_mem>>) src(%arg2 : memref<10000xf32, #tpu.memory_space<hbm>>) dst(%arg7 : memref<10000xf32, #tpu.memory_space<vmem>>)
      tpu.yield
    }) : () -> ()
    "tpu.region"() ({
      %run_scoped3A = tpu.sem_alloc : memref<!tpu.dma_semaphore, #tpu.memory_space<semaphore_mem>>
      tpu.enqueue_dma source(%arg5 : memref<640xf32, #tpu.memory_space<hbm>>) target(%arg11 : memref<640xf32, #tpu.memory_space<vmem>>) target_semaphore(%run_scoped3A : memref<!tpu.dma_semaphore, #tpu.memory_space<semaphore_mem>>)
      tpu.wait_dma2 semaphore(%run_scoped3A : memref<!tpu.dma_semaphore, #tpu.memory_space<semaphore_mem>>) src(%arg5 : memref<640xf32, #tpu.memory_space<hbm>>) dst(%arg11 : memref<640xf32, #tpu.memory_space<vmem>>)
      tpu.yield
    }) : () -> ()
    %scan3A = arith.constant 0 : i32
    %scan3A_1 = arith.constant 0 : i32
    %scan3A_2 = arith.constant 2496 : i32
    %scan3A_3 = arith.addi %scan3A_1, %scan3A_2 : i32
    %scan3A_4 = arith.constant 8 : i32
    scf.for %scan3A_133 = %scan3A_1 to %scan3A_3 step %scan3A_4  : i32 {
      %broadcast_in_dim3A_134 = arith.constant 0.000000e+00 : f32
      %broadcast_in_dim3A_135 = vector.broadcast %broadcast_in_dim3A_134 : f32 to vector<16xf32>
      %mul3A_136 = arith.constant 16 : i32
      %mul3A_137 = arith.muli %scan3A_133, %mul3A_136 : i32
      %swap3A_138 = arith.index_cast %mul3A_137 : i32 to index
      %swap3A_139 = tpu.vector_load %arg8[%swap3A_138] {strides = array<i32>} : memref<40000xf32, #tpu.memory_space<vmem>>, vector<16xf32>,
      tpu.vector_store %arg8[%swap3A_138], %broadcast_in_dim3A_135 {strides = array<i32>} : memref<40000xf32, #tpu.memory_space<vmem>>, vector<16xf32>,
      %scan3A_140 = arith.constant 1 : i32
      %scan3A_141 = arith.addi %scan3A_133, %scan3A_140 : i32
      %broadcast_in_dim3A_142 = arith.constant 0.000000e+00 : f32
      %broadcast_in_dim3A_143 = vector.broadcast %broadcast_in_dim3A_142 : f32 to vector<16xf32>
      %mul3A_144 = arith.constant 16 : i32
      %mul3A_145 = arith.muli %scan3A_141, %mul3A_144 : i32
      %swap3A_146 = arith.index_cast %mul3A_145 : i32 to index
      %swap3A_147 = tpu.vector_load %arg8[%swap3A_146] {strides = array<i32>} : memref<40000xf32, #tpu.memory_space<vmem>>, vector<16xf32>,
      tpu.vector_store %arg8[%swap3A_146], %broadcast_in_dim3A_143 {strides = array<i32>} : memref<40000xf32, #tpu.memory_space<vmem>>, vector<16xf32>,
      %scan3A_148 = arith.constant 2 : i32
      %scan3A_149 = arith.addi %scan3A_133, %scan3A_148 : i32
      %broadcast_in_dim3A_150 = arith.constant 0.000000e+00 : f32
      %broadcast_in_dim3A_151 = vector.broadcast %broadcast_in_dim3A_150 : f32 to vector<16xf32>
      %mul3A_152 = arith.constant 16 : i32
      %mul3A_153 = arith.muli %scan3A_149, %mul3A_152 : i32
      %swap3A_154 = arith.index_cast %mul3A_153 : i32 to index
      %swap3A_155 = tpu.vector_load %arg8[%swap3A_154] {strides = array<i32>} : memref<40000xf32, #tpu.memory_space<vmem>>, vector<16xf32>,
      tpu.vector_store %arg8[%swap3A_154], %broadcast_in_dim3A_151 {strides = array<i32>} : memref<40000xf32, #tpu.memory_space<vmem>>, vector<16xf32>,
      %scan3A_156 = arith.constant 3 : i32
      %scan3A_157 = arith.addi %scan3A_133, %scan3A_156 : i32
      %broadcast_in_dim3A_158 = arith.constant 0.000000e+00 : f32
      %broadcast_in_dim3A_159 = vector.broadcast %broadcast_in_dim3A_158 : f32 to vector<16xf32>
      %mul3A_160 = arith.constant 16 : i32
      %mul3A_161 = arith.muli %scan3A_157, %mul3A_160 : i32
      %swap3A_162 = arith.index_cast %mul3A_161 : i32 to index
      %swap3A_163 = tpu.vector_load %arg8[%swap3A_162] {strides = array<i32>} : memref<40000xf32, #tpu.memory_space<vmem>>, vector<16xf32>,
      tpu.vector_store %arg8[%swap3A_162], %broadcast_in_dim3A_159 {strides = array<i32>} : memref<40000xf32, #tpu.memory_space<vmem>>, vector<16xf32>,
      %scan3A_164 = arith.constant 4 : i32
      %scan3A_165 = arith.addi %scan3A_133, %scan3A_164 : i32
      %broadcast_in_dim3A_166 = arith.constant 0.000000e+00 : f32
      %broadcast_in_dim3A_167 = vector.broadcast %broadcast_in_dim3A_166 : f32 to vector<16xf32>
      %mul3A_168 = arith.constant 16 : i32
      %mul3A_169 = arith.muli %scan3A_165, %mul3A_168 : i32
      %swap3A_170 = arith.index_cast %mul3A_169 : i32 to index
      %swap3A_171 = tpu.vector_load %arg8[%swap3A_170] {strides = array<i32>} : memref<40000xf32, #tpu.memory_space<vmem>>, vector<16xf32>,
      tpu.vector_store %arg8[%swap3A_170], %broadcast_in_dim3A_167 {strides = array<i32>} : memref<40000xf32, #tpu.memory_space<vmem>>, vector<16xf32>,
      %scan3A_172 = arith.constant 5 : i32
      %scan3A_173 = arith.addi %scan3A_133, %scan3A_172 : i32
      %broadcast_in_dim3A_174 = arith.constant 0.000000e+00 : f32
      %broadcast_in_dim3A_175 = vector.broadcast %broadcast_in_dim3A_174 : f32 to vector<16xf32>
      %mul3A_176 = arith.constant 16 : i32
      %mul3A_177 = arith.muli %scan3A_173, %mul3A_176 : i32
      %swap3A_178 = arith.index_cast %mul3A_177 : i32 to index
      %swap3A_179 = tpu.vector_load %arg8[%swap3A_178] {strides = array<i32>} : memref<40000xf32, #tpu.memory_space<vmem>>, vector<16xf32>,
      tpu.vector_store %arg8[%swap3A_178], %broadcast_in_dim3A_175 {strides = array<i32>} : memref<40000xf32, #tpu.memory_space<vmem>>, vector<16xf32>,
      %scan3A_180 = arith.constant 6 : i32
      %scan3A_181 = arith.addi %scan3A_133, %scan3A_180 : i32
      %broadcast_in_dim3A_182 = arith.constant 0.000000e+00 : f32
      %broadcast_in_dim3A_183 = vector.broadcast %broadcast_in_dim3A_182 : f32 to vector<16xf32>
      %mul3A_184 = arith.constant 16 : i32
      %mul3A_185 = arith.muli %scan3A_181, %mul3A_184 : i32
      %swap3A_186 = arith.index_cast %mul3A_185 : i32 to index
      %swap3A_187 = tpu.vector_load %arg8[%swap3A_186] {strides = array<i32>} : memref<40000xf32, #tpu.memory_space<vmem>>, vector<16xf32>,
      tpu.vector_store %arg8[%swap3A_186], %broadcast_in_dim3A_183 {strides = array<i32>} : memref<40000xf32, #tpu.memory_space<vmem>>, vector<16xf32>,
      %scan3A_188 = arith.constant 7 : i32
      %scan3A_189 = arith.addi %scan3A_133, %scan3A_188 : i32
      %broadcast_in_dim3A_190 = arith.constant 0.000000e+00 : f32
      %broadcast_in_dim3A_191 = vector.broadcast %broadcast_in_dim3A_190 : f32 to vector<16xf32>
      %mul3A_192 = arith.constant 16 : i32
      %mul3A_193 = arith.muli %scan3A_189, %mul3A_192 : i32
      %swap3A_194 = arith.index_cast %mul3A_193 : i32 to index
      %swap3A_195 = tpu.vector_load %arg8[%swap3A_194] {strides = array<i32>} : memref<40000xf32, #tpu.memory_space<vmem>>, vector<16xf32>,
      tpu.vector_store %arg8[%swap3A_194], %broadcast_in_dim3A_191 {strides = array<i32>} : memref<40000xf32, #tpu.memory_space<vmem>>, vector<16xf32>,
    }
    %scan3A_5 = arith.constant 2496 : i32
    %scan3A_6 = arith.addi %scan3A_1, %scan3A_5 : i32
    %broadcast_in_dim3A = arith.constant 0.000000e+00 : f32
    %broadcast_in_dim3A_7 = vector.broadcast %broadcast_in_dim3A : f32 to vector<16xf32>
    %mul3A_8 = arith.constant 16 : i32
    %mul3A_9 = arith.muli %scan3A_6, %mul3A_8 : i32
    %swap3A = arith.index_cast %mul3A_9 : i32 to index
    %swap3A_10 = tpu.vector_load %arg8[%swap3A] {strides = array<i32>} : memref<40000xf32, #tpu.memory_space<vmem>>, vector<16xf32>,
    tpu.vector_store %arg8[%swap3A], %broadcast_in_dim3A_7 {strides = array<i32>} : memref<40000xf32, #tpu.memory_space<vmem>>, vector<16xf32>,
    %scan3A_11 = arith.constant 2497 : i32
    %scan3A_12 = arith.addi %scan3A_1, %scan3A_11 : i32
    %broadcast_in_dim3A_13 = arith.constant 0.000000e+00 : f32
    %broadcast_in_dim3A_14 = vector.broadcast %broadcast_in_dim3A_13 : f32 to vector<16xf32>
    %mul3A_15 = arith.constant 16 : i32
    %mul3A_16 = arith.muli %scan3A_12, %mul3A_15 : i32
    %swap3A_17 = arith.index_cast %mul3A_16 : i32 to index
    %swap3A_18 = tpu.vector_load %arg8[%swap3A_17] {strides = array<i32>} : memref<40000xf32, #tpu.memory_space<vmem>>, vector<16xf32>,
    tpu.vector_store %arg8[%swap3A_17], %broadcast_in_dim3A_14 {strides = array<i32>} : memref<40000xf32, #tpu.memory_space<vmem>>, vector<16xf32>,
    %scan3A_19 = arith.constant 2498 : i32
    %scan3A_20 = arith.addi %scan3A_1, %scan3A_19 : i32
    %broadcast_in_dim3A_21 = arith.constant 0.000000e+00 : f32
    %broadcast_in_dim3A_22 = vector.broadcast %broadcast_in_dim3A_21 : f32 to vector<16xf32>
    %mul3A_23 = arith.constant 16 : i32
    %mul3A_24 = arith.muli %scan3A_20, %mul3A_23 : i32
    %swap3A_25 = arith.index_cast %mul3A_24 : i32 to index
    %swap3A_26 = tpu.vector_load %arg8[%swap3A_25] {strides = array<i32>} : memref<40000xf32, #tpu.memory_space<vmem>>, vector<16xf32>,
    tpu.vector_store %arg8[%swap3A_25], %broadcast_in_dim3A_22 {strides = array<i32>} : memref<40000xf32, #tpu.memory_space<vmem>>, vector<16xf32>,
    %scan3A_27 = arith.constant 2499 : i32
    %scan3A_28 = arith.addi %scan3A_1, %scan3A_27 : i32
    %broadcast_in_dim3A_29 = arith.constant 0.000000e+00 : f32
    %broadcast_in_dim3A_30 = vector.broadcast %broadcast_in_dim3A_29 : f32 to vector<16xf32>
    %mul3A_31 = arith.constant 16 : i32
    %mul3A_32 = arith.muli %scan3A_28, %mul3A_31 : i32
    %swap3A_33 = arith.index_cast %mul3A_32 : i32 to index
    %swap3A_34 = tpu.vector_load %arg8[%swap3A_33] {strides = array<i32>} : memref<40000xf32, #tpu.memory_space<vmem>>, vector<16xf32>,
    tpu.vector_store %arg8[%swap3A_33], %broadcast_in_dim3A_30 {strides = array<i32>} : memref<40000xf32, #tpu.memory_space<vmem>>, vector<16xf32>,
    %scan3A_35 = arith.constant 2500 : i32
    %get3A = arith.constant 0 : index
    %get3A_36 = tpu.vector_load %arg11[%get3A] {strides = array<i32>} : memref<640xf32, #tpu.memory_space<vmem>>, vector<16xf32>,
    %get3A_37 = arith.constant 16 : index
    %get3A_38 = tpu.vector_load %arg11[%get3A_37] {strides = array<i32>} : memref<640xf32, #tpu.memory_space<vmem>>, vector<16xf32>,
    %get3A_39 = arith.constant 32 : index
    %get3A_40 = tpu.vector_load %arg11[%get3A_39] {strides = array<i32>} : memref<640xf32, #tpu.memory_space<vmem>>, vector<16xf32>,
    %get3A_41 = arith.constant 48 : index
    %get3A_42 = tpu.vector_load %arg11[%get3A_41] {strides = array<i32>} : memref<640xf32, #tpu.memory_space<vmem>>, vector<16xf32>,
    %get3A_43 = arith.constant 64 : index
    %get3A_44 = tpu.vector_load %arg11[%get3A_43] {strides = array<i32>} : memref<640xf32, #tpu.memory_space<vmem>>, vector<16xf32>,
    %get3A_45 = arith.constant 80 : index
    %get3A_46 = tpu.vector_load %arg11[%get3A_45] {strides = array<i32>} : memref<640xf32, #tpu.memory_space<vmem>>, vector<16xf32>,
    %get3A_47 = arith.constant 96 : index
    %get3A_48 = tpu.vector_load %arg11[%get3A_47] {strides = array<i32>} : memref<640xf32, #tpu.memory_space<vmem>>, vector<16xf32>,
    %get3A_49 = arith.constant 112 : index
    %get3A_50 = tpu.vector_load %arg11[%get3A_49] {strides = array<i32>} : memref<640xf32, #tpu.memory_space<vmem>>, vector<16xf32>,
    %get3A_51 = arith.constant 128 : index
    %get3A_52 = tpu.vector_load %arg11[%get3A_51] {strides = array<i32>} : memref<640xf32, #tpu.memory_space<vmem>>, vector<16xf32>,
    %get3A_53 = arith.constant 144 : index
    %get3A_54 = tpu.vector_load %arg11[%get3A_53] {strides = array<i32>} : memref<640xf32, #tpu.memory_space<vmem>>, vector<16xf32>,
    %get3A_55 = arith.constant 160 : index
    %get3A_56 = tpu.vector_load %arg11[%get3A_55] {strides = array<i32>} : memref<640xf32, #tpu.memory_space<vmem>>, vector<16xf32>,
    %get3A_57 = arith.constant 176 : index
    %get3A_58 = tpu.vector_load %arg11[%get3A_57] {strides = array<i32>} : memref<640xf32, #tpu.memory_space<vmem>>, vector<16xf32>,
    %get3A_59 = arith.constant 192 : index
    %get3A_60 = tpu.vector_load %arg11[%get3A_59] {strides = array<i32>} : memref<640xf32, #tpu.memory_space<vmem>>, vector<16xf32>,
    %get3A_61 = arith.constant 208 : index
    %get3A_62 = tpu.vector_load %arg11[%get3A_61] {strides = array<i32>} : memref<640xf32, #tpu.memory_space<vmem>>, vector<16xf32>,
    %get3A_63 = arith.constant 224 : index
    %get3A_64 = tpu.vector_load %arg11[%get3A_63] {strides = array<i32>} : memref<640xf32, #tpu.memory_space<vmem>>, vector<16xf32>,
    %get3A_65 = arith.constant 240 : index
    %get3A_66 = tpu.vector_load %arg11[%get3A_65] {strides = array<i32>} : memref<640xf32, #tpu.memory_space<vmem>>, vector<16xf32>,
    %get3A_67 = arith.constant 256 : index
    %get3A_68 = tpu.vector_load %arg11[%get3A_67] {strides = array<i32>} : memref<640xf32, #tpu.memory_space<vmem>>, vector<16xf32>,
    %get3A_69 = arith.constant 384 : index
    %get3A_70 = tpu.vector_load %arg11[%get3A_69] {strides = array<i32>} : memref<640xf32, #tpu.memory_space<vmem>>, vector<16xf32>,
    %add3A_71 = arith.addf %get3A_68, %get3A_70 : vector<16xf32>
    %get3A_72 = arith.constant 272 : index
    %get3A_73 = tpu.vector_load %arg11[%get3A_72] {strides = array<i32>} : memref<640xf32, #tpu.memory_space<vmem>>, vector<16xf32>,
    %get3A_74 = arith.constant 400 : index
    %get3A_75 = tpu.vector_load %arg11[%get3A_74] {strides = array<i32>} : memref<640xf32, #tpu.memory_space<vmem>>, vector<16xf32>,
    %add3A_76 = arith.addf %get3A_73, %get3A_75 : vector<16xf32>
    %get3A_77 = arith.constant 288 : index
    %get3A_78 = tpu.vector_load %arg11[%get3A_77] {strides = array<i32>} : memref<640xf32, #tpu.memory_space<vmem>>, vector<16xf32>,
    %get3A_79 = arith.constant 416 : index
    %get3A_80 = tpu.vector_load %arg11[%get3A_79] {strides = array<i32>} : memref<640xf32, #tpu.memory_space<vmem>>, vector<16xf32>,
    %add3A_81 = arith.addf %get3A_78, %get3A_80 : vector<16xf32>
    %get3A_82 = arith.constant 304 : index
    %get3A_83 = tpu.vector_load %arg11[%get3A_82] {strides = array<i32>} : memref<640xf32, #tpu.memory_space<vmem>>, vector<16xf32>,
    %get3A_84 = arith.constant 432 : index
    %get3A_85 = tpu.vector_load %arg11[%get3A_84] {strides = array<i32>} : memref<640xf32, #tpu.memory_space<vmem>>, vector<16xf32>,
    %add3A_86 = arith.addf %get3A_83, %get3A_85 : vector<16xf32>
    %get3A_87 = arith.constant 320 : index
    %get3A_88 = tpu.vector_load %arg11[%get3A_87] {strides = array<i32>} : memref<640xf32, #tpu.memory_space<vmem>>, vector<16xf32>,
    %get3A_89 = arith.constant 448 : index
    %get3A_90 = tpu.vector_load %arg11[%get3A_89] {strides = array<i32>} : memref<640xf32, #tpu.memory_space<vmem>>, vector<16xf32>,
    %add3A_91 = arith.addf %get3A_88, %get3A_90 : vector<16xf32>
    %get3A_92 = arith.constant 336 : index
    %get3A_93 = tpu.vector_load %arg11[%get3A_92] {strides = array<i32>} : memref<640xf32, #tpu.memory_space<vmem>>, vector<16xf32>,
    %get3A_94 = arith.constant 464 : index
    %get3A_95 = tpu.vector_load %arg11[%get3A_94] {strides = array<i32>} : memref<640xf32, #tpu.memory_space<vmem>>, vector<16xf32>,
    %add3A_96 = arith.addf %get3A_93, %get3A_95 : vector<16xf32>
    %get3A_97 = arith.constant 352 : index
    %get3A_98 = tpu.vector_load %arg11[%get3A_97] {strides = array<i32>} : memref<640xf32, #tpu.memory_space<vmem>>, vector<16xf32>,
    %get3A_99 = arith.constant 480 : index
    %get3A_100 = tpu.vector_load %arg11[%get3A_99] {strides = array<i32>} : memref<640xf32, #tpu.memory_space<vmem>>, vector<16xf32>,
    %add3A_101 = arith.addf %get3A_98, %get3A_100 : vector<16xf32>
    %get3A_102 = arith.constant 368 : index
    %get3A_103 = tpu.vector_load %arg11[%get3A_102] {strides = array<i32>} : memref<640xf32, #tpu.memory_space<vmem>>, vector<16xf32>,
    %get3A_104 = arith.constant 496 : index
    %get3A_105 = tpu.vector_load %arg11[%get3A_104] {strides = array<i32>} : memref<640xf32, #tpu.memory_space<vmem>>, vector<16xf32>,
    %add3A_106 = arith.addf %get3A_103, %get3A_105 : vector<16xf32>
    %get3A_107 = arith.constant 512 : index
    %get3A_108 = tpu.vector_load %arg11[%get3A_107] {strides = array<i32>} : memref<640xf32, #tpu.memory_space<vmem>>, vector<16xf32>,
    %get3A_109 = arith.constant 528 : index
    %get3A_110 = tpu.vector_load %arg11[%get3A_109] {strides = array<i32>} : memref<640xf32, #tpu.memory_space<vmem>>, vector<16xf32>,
    %get3A_111 = arith.constant 544 : index
    %get3A_112 = tpu.vector_load %arg11[%get3A_111] {strides = array<i32>} : memref<640xf32, #tpu.memory_space<vmem>>, vector<16xf32>,
    %get3A_113 = arith.constant 560 : index
    %get3A_114 = tpu.vector_load %arg11[%get3A_113] {strides = array<i32>} : memref<640xf32, #tpu.memory_space<vmem>>, vector<16xf32>,
    %get3A_115 = arith.constant 576 : index
    %get3A_116 = tpu.vector_load %arg11[%get3A_115] {strides = array<i32>} : memref<640xf32, #tpu.memory_space<vmem>>, vector<16xf32>,
    %get3A_117 = arith.constant 592 : index
    %get3A_118 = tpu.vector_load %arg11[%get3A_117] {strides = array<i32>} : memref<640xf32, #tpu.memory_space<vmem>>, vector<16xf32>,
    %get3A_119 = arith.constant 608 : index
    %get3A_120 = tpu.vector_load %arg11[%get3A_119] {strides = array<i32>} : memref<640xf32, #tpu.memory_space<vmem>>, vector<16xf32>,
    %get3A_121 = arith.constant 624 : index
    %get3A_122 = tpu.vector_load %arg11[%get3A_121] {strides = array<i32>} : memref<640xf32, #tpu.memory_space<vmem>>, vector<16xf32>,
    %mul3A_123 = arith.constant 10000 : i32
    %mul3A_124 = arith.muli %add3A, %mul3A_123 : i32
    %scan3A_125 = arith.constant 0 : i32
    %scan3A_126 = arith.constant 0 : i32
    %scan3A_127 = arith.constant 53 : i32
    %scan3A_128 = arith.addi %scan3A_126, %scan3A_127 : i32
    %scan3A_129 = arith.constant 1 : i32
    scf.for %scan3A_133 = %scan3A_126 to %scan3A_128 step %scan3A_129  : i32 {
      %mul3A_134 = arith.constant 192 : i32
      %mul3A_135 = arith.muli %scan3A_133, %mul3A_134 : i32
      %add3A_136 = arith.addi %mul3A_124, %mul3A_135 : i32
      %add3A_137 = arith.addi %mul3A_124, %mul3A_135 : i32
      %dma_start3A = tpu.memref_slice %arg3[%add3A_136] : memref<323072xi32, #tpu.memory_space<hbm>> -> memref<192xi32, #tpu.memory_space<hbm>>
      %dma_start3A_138 = tpu.memref_slice %arg3[%add3A_136] : memref<323072xi32, #tpu.memory_space<hbm>> -> memref<192xi32, #tpu.memory_space<hbm>>
      tpu.enqueue_dma source(%dma_start3A_138 : memref<192xi32, #tpu.memory_space<hbm>>) target(%arg9 : memref<192xi32, #tpu.memory_space<vmem>>) target_semaphore(%arg12 : memref<!tpu.dma_semaphore, #tpu.memory_space<semaphore_mem>>)
      %dma_start3A_139 = tpu.memref_slice %arg4[%add3A_137] : memref<323072xi32, #tpu.memory_space<hbm>> -> memref<192xi32, #tpu.memory_space<hbm>>
      %dma_start3A_140 = tpu.memref_slice %arg4[%add3A_137] : memref<323072xi32, #tpu.memory_space<hbm>> -> memref<192xi32, #tpu.memory_space<hbm>>
      tpu.enqueue_dma source(%dma_start3A_140 : memref<192xi32, #tpu.memory_space<hbm>>) target(%arg10 : memref<192xi32, #tpu.memory_space<vmem>>) target_semaphore(%arg13 : memref<!tpu.dma_semaphore, #tpu.memory_space<semaphore_mem>>)
      %dma_wait3A = tpu.memref_slice %arg3[%add3A_136] : memref<323072xi32, #tpu.memory_space<hbm>> -> memref<192xi32, #tpu.memory_space<hbm>>
      %dma_wait3A_141 = tpu.memref_slice %arg3[%add3A_136] : memref<323072xi32, #tpu.memory_space<hbm>> -> memref<192xi32, #tpu.memory_space<hbm>>
      tpu.wait_dma2 semaphore(%arg12 : memref<!tpu.dma_semaphore, #tpu.memory_space<semaphore_mem>>) src(%dma_wait3A_141 : memref<192xi32, #tpu.memory_space<hbm>>) dst(%arg9 : memref<192xi32, #tpu.memory_space<vmem>>)
      %dma_wait3A_142 = tpu.memref_slice %arg4[%add3A_137] : memref<323072xi32, #tpu.memory_space<hbm>> -> memref<192xi32, #tpu.memory_space<hbm>>
      %dma_wait3A_143 = tpu.memref_slice %arg4[%add3A_137] : memref<323072xi32, #tpu.memory_space<hbm>> -> memref<192xi32, #tpu.memory_space<hbm>>
      tpu.wait_dma2 semaphore(%arg13 : memref<!tpu.dma_semaphore, #tpu.memory_space<semaphore_mem>>) src(%dma_wait3A_143 : memref<192xi32, #tpu.memory_space<hbm>>) dst(%arg10 : memref<192xi32, #tpu.memory_space<vmem>>)
      %scan3A_144 = arith.constant 0 : i32
      %scan3A_145 = arith.constant 0 : i32
      %scan3A_146 = arith.constant 12 : i32
      %scan3A_147 = arith.addi %scan3A_145, %scan3A_146 : i32
      %scan3A_148 = arith.constant 2 : i32
      scf.for %scan3A_150 = %scan3A_145 to %scan3A_147 step %scan3A_148  : i32 {
        %mul3A_151 = arith.constant 16 : i32
        %mul3A_152 = arith.muli %scan3A_150, %mul3A_151 : i32
        %get3A_153 = arith.index_cast %mul3A_152 : i32 to index
        %get3A_154 = tpu.vector_load %arg9[%get3A_153] {strides = array<i32>} : memref<192xi32, #tpu.memory_space<vmem>>, vector<16xi32>,
        %mul3A_155 = arith.constant 16 : i32
        %mul3A_156 = arith.muli %scan3A_150, %mul3A_155 : i32
        %get3A_157 = arith.index_cast %mul3A_156 : i32 to index
        %get3A_158 = tpu.vector_load %arg10[%get3A_157] {strides = array<i32>} : memref<192xi32, #tpu.memory_space<vmem>>, vector<16xi32>,
        %mul3A_159 = arith.constant 16 : i32
        %mul3A_160 = arith.muli %scan3A_150, %mul3A_159 : i32
        %add3A_161 = arith.addi %mul3A_135, %mul3A_160 : i32
        %iota3A = tpu.iota {dimensions = array<i32: 0>} : vector<16xi32>
        %add3A_162 = vector.broadcast %add3A_161 : i32 to vector<16xi32>
        %add3A_163 = arith.addi %add3A_162, %iota3A : vector<16xi32>
        %lt3A = arith.constant 10000 : i32
        %lt3A_164 = vector.broadcast %lt3A : i32 to vector<16xi32>
        %lt3A_165 = arith.cmpi slt, %add3A_163, %lt3A_164 : vector<16xi32>
        %add3A_166 = vector.broadcast %mul3A_124 : i32 to vector<16xi32>
        %add3A_167 = arith.addi %add3A_166, %add3A_163 : vector<16xi32>
        %lt3A_168 = arith.constant 320000 : i32
        %lt3A_169 = vector.broadcast %lt3A_168 : i32 to vector<16xi32>
        %lt3A_170 = arith.cmpi slt, %add3A_167, %lt3A_169 : vector<16xi32>
        %and3A = arith.andi %lt3A_165, %lt3A_170 : vector<16xi1>
        %gather3A = tpu.vector_load_idx %arg7[%get3A_154] : memref<10000xf32, #tpu.memory_space<vmem>>[vector<16xi32>], vector<16xf32>,
        %gather3A_171 = tpu.vector_load_idx %arg7[%get3A_158] : memref<10000xf32, #tpu.memory_space<vmem>>[vector<16xi32>], vector<16xf32>,
        %mul3A_172 = arith.mulf %gather3A, %get3A_36 : vector<16xf32>
        %mul3A_173 = arith.mulf %gather3A_171, %get3A_52 : vector<16xf32>
        %add3A_174 = arith.addf %mul3A_172, %mul3A_173 : vector<16xf32>
        %add3A_175 = arith.addf %add3A_174, %add3A_71 : vector<16xf32>
        %ge3A = arith.constant 0.000000e+00 : f32
        %ge3A_176 = vector.broadcast %ge3A : f32 to vector<16xf32>
        %ge3A_177 = arith.cmpf oge, %add3A_175, %ge3A_176 : vector<16xf32>
        %mul3A_178 = arith.constant 2.000000e-01 : f32
        %mul3A_179 = vector.broadcast %mul3A_178 : f32 to vector<16xf32>
        %mul3A_180 = arith.mulf %mul3A_179, %add3A_175 : vector<16xf32>
        %select_n3A = arith.select %ge3A_177, %add3A_175, %mul3A_180 : vector<16xi1>, vector<16xf32>
        %mul3A_181 = arith.mulf %select_n3A, %get3A_108 : vector<16xf32>
        %mul3A_182 = arith.mulf %gather3A, %get3A_38 : vector<16xf32>
        %mul3A_183 = arith.mulf %gather3A_171, %get3A_54 : vector<16xf32>
        %add3A_184 = arith.addf %mul3A_182, %mul3A_183 : vector<16xf32>
        %add3A_185 = arith.addf %add3A_184, %add3A_76 : vector<16xf32>
        %ge3A_186 = arith.constant 0.000000e+00 : f32
        %ge3A_187 = vector.broadcast %ge3A_186 : f32 to vector<16xf32>
        %ge3A_188 = arith.cmpf oge, %add3A_185, %ge3A_187 : vector<16xf32>
        %mul3A_189 = arith.constant 2.000000e-01 : f32
        %mul3A_190 = vector.broadcast %mul3A_189 : f32 to vector<16xf32>
        %mul3A_191 = arith.mulf %mul3A_190, %add3A_185 : vector<16xf32>
        %select_n3A_192 = arith.select %ge3A_188, %add3A_185, %mul3A_191 : vector<16xi1>, vector<16xf32>
        %mul3A_193 = arith.mulf %select_n3A_192, %get3A_110 : vector<16xf32>
        %add3A_194 = arith.addf %mul3A_181, %mul3A_193 : vector<16xf32>
        %mul3A_195 = arith.mulf %gather3A, %get3A_40 : vector<16xf32>
        %mul3A_196 = arith.mulf %gather3A_171, %get3A_56 : vector<16xf32>
        %add3A_197 = arith.addf %mul3A_195, %mul3A_196 : vector<16xf32>
        %add3A_198 = arith.addf %add3A_197, %add3A_81 : vector<16xf32>
        %ge3A_199 = arith.constant 0.000000e+00 : f32
        %ge3A_200 = vector.broadcast %ge3A_199 : f32 to vector<16xf32>
        %ge3A_201 = arith.cmpf oge, %add3A_198, %ge3A_200 : vector<16xf32>
        %mul3A_202 = arith.constant 2.000000e-01 : f32
        %mul3A_203 = vector.broadcast %mul3A_202 : f32 to vector<16xf32>
        %mul3A_204 = arith.mulf %mul3A_203, %add3A_198 : vector<16xf32>
        %select_n3A_205 = arith.select %ge3A_201, %add3A_198, %mul3A_204 : vector<16xi1>, vector<16xf32>
        %mul3A_206 = arith.mulf %select_n3A_205, %get3A_112 : vector<16xf32>
        %add3A_207 = arith.addf %add3A_194, %mul3A_206 : vector<16xf32>
        %mul3A_208 = arith.mulf %gather3A, %get3A_42 : vector<16xf32>
        %mul3A_209 = arith.mulf %gather3A_171, %get3A_58 : vector<16xf32>
        %add3A_210 = arith.addf %mul3A_208, %mul3A_209 : vector<16xf32>
        %add3A_211 = arith.addf %add3A_210, %add3A_86 : vector<16xf32>
        %ge3A_212 = arith.constant 0.000000e+00 : f32
        %ge3A_213 = vector.broadcast %ge3A_212 : f32 to vector<16xf32>
        %ge3A_214 = arith.cmpf oge, %add3A_211, %ge3A_213 : vector<16xf32>
        %mul3A_215 = arith.constant 2.000000e-01 : f32
        %mul3A_216 = vector.broadcast %mul3A_215 : f32 to vector<16xf32>
        %mul3A_217 = arith.mulf %mul3A_216, %add3A_211 : vector<16xf32>
        %select_n3A_218 = arith.select %ge3A_214, %add3A_211, %mul3A_217 : vector<16xi1>, vector<16xf32>
        %mul3A_219 = arith.mulf %select_n3A_218, %get3A_114 : vector<16xf32>
        %add3A_220 = arith.addf %add3A_207, %mul3A_219 : vector<16xf32>
        %exp3A = math.exp %add3A_220 : vector<16xf32>
        %mul3A_221 = arith.mulf %gather3A, %get3A_44 : vector<16xf32>
        %mul3A_222 = arith.mulf %gather3A_171, %get3A_60 : vector<16xf32>
        %add3A_223 = arith.addf %mul3A_221, %mul3A_222 : vector<16xf32>
        %add3A_224 = arith.addf %add3A_223, %add3A_91 : vector<16xf32>
        %ge3A_225 = arith.constant 0.000000e+00 : f32
        %ge3A_226 = vector.broadcast %ge3A_225 : f32 to vector<16xf32>
        %ge3A_227 = arith.cmpf oge, %add3A_224, %ge3A_226 : vector<16xf32>
        %mul3A_228 = arith.constant 2.000000e-01 : f32
        %mul3A_229 = vector.broadcast %mul3A_228 : f32 to vector<16xf32>
        %mul3A_230 = arith.mulf %mul3A_229, %add3A_224 : vector<16xf32>
        %select_n3A_231 = arith.select %ge3A_227, %add3A_224, %mul3A_230 : vector<16xi1>, vector<16xf32>
        %mul3A_232 = arith.mulf %select_n3A_231, %get3A_116 : vector<16xf32>
        %mul3A_233 = arith.mulf %gather3A, %get3A_46 : vector<16xf32>
        %mul3A_234 = arith.mulf %gather3A_171, %get3A_62 : vector<16xf32>
        %add3A_235 = arith.addf %mul3A_233, %mul3A_234 : vector<16xf32>
        %add3A_236 = arith.addf %add3A_235, %add3A_96 : vector<16xf32>
        %ge3A_237 = arith.constant 0.000000e+00 : f32
        %ge3A_238 = vector.broadcast %ge3A_237 : f32 to vector<16xf32>
        %ge3A_239 = arith.cmpf oge, %add3A_236, %ge3A_238 : vector<16xf32>
        %mul3A_240 = arith.constant 2.000000e-01 : f32
        %mul3A_241 = vector.broadcast %mul3A_240 : f32 to vector<16xf32>
        %mul3A_242 = arith.mulf %mul3A_241, %add3A_236 : vector<16xf32>
        %select_n3A_243 = arith.select %ge3A_239, %add3A_236, %mul3A_242 : vector<16xi1>, vector<16xf32>
        %mul3A_244 = arith.mulf %select_n3A_243, %get3A_118 : vector<16xf32>
        %add3A_245 = arith.addf %mul3A_232, %mul3A_244 : vector<16xf32>
        %mul3A_246 = arith.mulf %gather3A, %get3A_48 : vector<16xf32>
        %mul3A_247 = arith.mulf %gather3A_171, %get3A_64 : vector<16xf32>
        %add3A_248 = arith.addf %mul3A_246, %mul3A_247 : vector<16xf32>
        %add3A_249 = arith.addf %add3A_248, %add3A_101 : vector<16xf32>
        %ge3A_250 = arith.constant 0.000000e+00 : f32
        %ge3A_251 = vector.broadcast %ge3A_250 : f32 to vector<16xf32>
        %ge3A_252 = arith.cmpf oge, %add3A_249, %ge3A_251 : vector<16xf32>
        %mul3A_253 = arith.constant 2.000000e-01 : f32
        %mul3A_254 = vector.broadcast %mul3A_253 : f32 to vector<16xf32>
        %mul3A_255 = arith.mulf %mul3A_254, %add3A_249 : vector<16xf32>
        %select_n3A_256 = arith.select %ge3A_252, %add3A_249, %mul3A_255 : vector<16xi1>, vector<16xf32>
        %mul3A_257 = arith.mulf %select_n3A_256, %get3A_120 : vector<16xf32>
        %add3A_258 = arith.addf %add3A_245, %mul3A_257 : vector<16xf32>
        %mul3A_259 = arith.mulf %gather3A, %get3A_50 : vector<16xf32>
        %mul3A_260 = arith.mulf %gather3A_171, %get3A_66 : vector<16xf32>
        %add3A_261 = arith.addf %mul3A_259, %mul3A_260 : vector<16xf32>
        %add3A_262 = arith.addf %add3A_261, %add3A_106 : vector<16xf32>
        %ge3A_263 = arith.constant 0.000000e+00 : f32
        %ge3A_264 = vector.broadcast %ge3A_263 : f32 to vector<16xf32>
        %ge3A_265 = arith.cmpf oge, %add3A_262, %ge3A_264 : vector<16xf32>
        %mul3A_266 = arith.constant 2.000000e-01 : f32
        %mul3A_267 = vector.broadcast %mul3A_266 : f32 to vector<16xf32>
        %mul3A_268 = arith.mulf %mul3A_267, %add3A_262 : vector<16xf32>
        %select_n3A_269 = arith.select %ge3A_265, %add3A_262, %mul3A_268 : vector<16xi1>, vector<16xf32>
        %mul3A_270 = arith.mulf %select_n3A_269, %get3A_122 : vector<16xf32>
        %add3A_271 = arith.addf %add3A_258, %mul3A_270 : vector<16xf32>
        %exp3A_272 = math.exp %add3A_271 : vector<16xf32>
        %mul3A_273 = arith.mulf %exp3A, %gather3A : vector<16xf32>
        %mul3A_274 = arith.mulf %exp3A_272, %gather3A : vector<16xf32>
        %mul3A_275 = arith.constant 4 : i32
        %mul3A_276 = vector.broadcast %mul3A_275 : i32 to vector<16xi32>
        %mul3A_277 = arith.muli %get3A_158, %mul3A_276 : vector<16xi32>
        %unique3A, %unique3A_278 = tpu.scan_count mask(%and3A : vector<16xi1>) value(%get3A_158 : vector<16xi32>) : vector<16xi1>, vector<16xi32>
        %jit3A = arith.constant 0 : i32
        %broadcast_in_dim3A_279 = vector.broadcast %jit3A : i32 to vector<16xi32>
        %select_n3A_280 = arith.select %and3A, %unique3A_278, %broadcast_in_dim3A_279 : vector<16xi1>, vector<16xi32>
        %reduce_max3A = arith.constant true
        %reduce_max3A_281 = vector.broadcast %reduce_max3A : i1 to vector<16xi1>
        %reduce_max3A_282 = arith.constant -2147483648 : i32
        %reduce_max3A_283 = vector.broadcast %reduce_max3A_282 : i32 to vector<16xi32>
        %reduce_max3A_284 = arith.xori %select_n3A_280, %reduce_max3A_283 : vector<16xi32>
        %reduce_max3A_285 = tpu.scan <max>, %reduce_max3A_284 masked %reduce_max3A_281 : vector<16xi32>, vector<16xi1> -> vector<16xi32>
        %reduce_max3A_286 = arith.xori %reduce_max3A_285, %reduce_max3A_283 : vector<16xi32>
        %reduce_max3A_287 = vector.extract %reduce_max3A_286[15] : i32 from vector<16xi32>
        %add3A_288 = arith.constant 1 : i32
        %add3A_289 = arith.addi %reduce_max3A_287, %add3A_288 : i32
        %while3A = arith.constant 0 : i32
        %while3A_290 = arith.constant 1 : i32
        %while3A_291 = arith.subi %add3A_289, %while3A_290 : i32
        %while3A_292 = arith.addi %while3A_290, %while3A_291 : i32
        %while3A_293 = arith.constant 1 : i32
        %while3A_294 = arith.divsi %while3A_291, %while3A_293 : i32
        %while3A_295 = arith.muli %while3A_294, %while3A_293 : i32
        %while3A_296 = arith.addi %while3A_290, %while3A_295 : i32
        %while3A_297 = arith.constant 1 : i32
        scf.for %while3A_460 = %while3A_290 to %while3A_296 step %while3A_297  : i32 {
          %eq3A = vector.broadcast %while3A_460 : i32 to vector<16xi32>
          %eq3A_461 = arith.cmpi eq, %unique3A_278, %eq3A : vector<16xi32>
          %and3A_462 = arith.andi %and3A, %eq3A_461 : vector<16xi1>
          %add3A_463 = arith.constant 0 : i32
          %add3A_464 = vector.broadcast %add3A_463 : i32 to vector<16xi32>
          %add3A_465 = arith.addi %mul3A_277, %add3A_464 : vector<16xi32>
          tpu.vector_store_idx %arg8[%add3A_465], %exp3A masked %and3A_462 {add = true} : memref<40000xf32, #tpu.memory_space<vmem>>[vector<16xi32>], vector<16xf32>, vector<16xi1>
          %add3A_466 = arith.constant 1 : i32
          %add3A_467 = vector.broadcast %add3A_466 : i32 to vector<16xi32>
          %add3A_468 = arith.addi %mul3A_277, %add3A_467 : vector<16xi32>
          tpu.vector_store_idx %arg8[%add3A_468], %mul3A_273 masked %and3A_462 {add = true} : memref<40000xf32, #tpu.memory_space<vmem>>[vector<16xi32>], vector<16xf32>, vector<16xi1>
          %add3A_469 = arith.constant 2 : i32
          %add3A_470 = vector.broadcast %add3A_469 : i32 to vector<16xi32>
          %add3A_471 = arith.addi %mul3A_277, %add3A_470 : vector<16xi32>
          tpu.vector_store_idx %arg8[%add3A_471], %exp3A_272 masked %and3A_462 {add = true} : memref<40000xf32, #tpu.memory_space<vmem>>[vector<16xi32>], vector<16xf32>, vector<16xi1>
          %add3A_472 = arith.constant 3 : i32
          %add3A_473 = vector.broadcast %add3A_472 : i32 to vector<16xi32>
          %add3A_474 = arith.addi %mul3A_277, %add3A_473 : vector<16xi32>
          tpu.vector_store_idx %arg8[%add3A_474], %mul3A_274 masked %and3A_462 {add = true} : memref<40000xf32, #tpu.memory_space<vmem>>[vector<16xi32>], vector<16xf32>, vector<16xi1>
        }
        %while3A_298 = arith.constant 1 : i32
        scf.for %while3A_460 = %while3A_296 to %while3A_292 step %while3A_298  : i32 {
          %eq3A = vector.broadcast %while3A_460 : i32 to vector<16xi32>
          %eq3A_461 = arith.cmpi eq, %unique3A_278, %eq3A : vector<16xi32>
          %and3A_462 = arith.andi %and3A, %eq3A_461 : vector<16xi1>
          %add3A_463 = arith.constant 0 : i32
          %add3A_464 = vector.broadcast %add3A_463 : i32 to vector<16xi32>
          %add3A_465 = arith.addi %mul3A_277, %add3A_464 : vector<16xi32>
          tpu.vector_store_idx %arg8[%add3A_465], %exp3A masked %and3A_462 {add = true} : memref<40000xf32, #tpu.memory_space<vmem>>[vector<16xi32>], vector<16xf32>, vector<16xi1>
          %add3A_466 = arith.constant 1 : i32
          %add3A_467 = vector.broadcast %add3A_466 : i32 to vector<16xi32>
          %add3A_468 = arith.addi %mul3A_277, %add3A_467 : vector<16xi32>
          tpu.vector_store_idx %arg8[%add3A_468], %mul3A_273 masked %and3A_462 {add = true} : memref<40000xf32, #tpu.memory_space<vmem>>[vector<16xi32>], vector<16xf32>, vector<16xi1>
          %add3A_469 = arith.constant 2 : i32
          %add3A_470 = vector.broadcast %add3A_469 : i32 to vector<16xi32>
          %add3A_471 = arith.addi %mul3A_277, %add3A_470 : vector<16xi32>
          tpu.vector_store_idx %arg8[%add3A_471], %exp3A_272 masked %and3A_462 {add = true} : memref<40000xf32, #tpu.memory_space<vmem>>[vector<16xi32>], vector<16xf32>, vector<16xi1>
          %add3A_472 = arith.constant 3 : i32
          %add3A_473 = vector.broadcast %add3A_472 : i32 to vector<16xi32>
          %add3A_474 = arith.addi %mul3A_277, %add3A_473 : vector<16xi32>
          tpu.vector_store_idx %arg8[%add3A_474], %mul3A_274 masked %and3A_462 {add = true} : memref<40000xf32, #tpu.memory_space<vmem>>[vector<16xi32>], vector<16xf32>, vector<16xi1>
        }
        %scan3A_299 = arith.constant 1 : i32
        %scan3A_300 = arith.addi %scan3A_150, %scan3A_299 : i32
        %mul3A_301 = arith.constant 16 : i32
        %mul3A_302 = arith.muli %scan3A_300, %mul3A_301 : i32
        %get3A_303 = arith.index_cast %mul3A_302 : i32 to index
        %get3A_304 = tpu.vector_load %arg9[%get3A_303] {strides = array<i32>} : memref<192xi32, #tpu.memory_space<vmem>>, vector<16xi32>,
        %mul3A_305 = arith.constant 16 : i32
        %mul3A_306 = arith.muli %scan3A_300, %mul3A_305 : i32
        %get3A_307 = arith.index_cast %mul3A_306 : i32 to index
        %get3A_308 = tpu.vector_load %arg10[%get3A_307] {strides = array<i32>} : memref<192xi32, #tpu.memory_space<vmem>>, vector<16xi32>,
        %mul3A_309 = arith.constant 16 : i32
        %mul3A_310 = arith.muli %scan3A_300, %mul3A_309 : i32
        %add3A_311 = arith.addi %mul3A_135, %mul3A_310 : i32
        %iota3A_312 = tpu.iota {dimensions = array<i32: 0>} : vector<16xi32>
        %add3A_313 = vector.broadcast %add3A_311 : i32 to vector<16xi32>
        %add3A_314 = arith.addi %add3A_313, %iota3A_312 : vector<16xi32>
        %lt3A_315 = arith.constant 10000 : i32
        %lt3A_316 = vector.broadcast %lt3A_315 : i32 to vector<16xi32>
        %lt3A_317 = arith.cmpi slt, %add3A_314, %lt3A_316 : vector<16xi32>
        %add3A_318 = vector.broadcast %mul3A_124 : i32 to vector<16xi32>
        %add3A_319 = arith.addi %add3A_318, %add3A_314 : vector<16xi32>
        %lt3A_320 = arith.constant 320000 : i32
        %lt3A_321 = vector.broadcast %lt3A_320 : i32 to vector<16xi32>
        %lt3A_322 = arith.cmpi slt, %add3A_319, %lt3A_321 : vector<16xi32>
        %and3A_323 = arith.andi %lt3A_317, %lt3A_322 : vector<16xi1>
        %gather3A_324 = tpu.vector_load_idx %arg7[%get3A_304] : memref<10000xf32, #tpu.memory_space<vmem>>[vector<16xi32>], vector<16xf32>,
        %gather3A_325 = tpu.vector_load_idx %arg7[%get3A_308] : memref<10000xf32, #tpu.memory_space<vmem>>[vector<16xi32>], vector<16xf32>,
        %mul3A_326 = arith.mulf %gather3A_324, %get3A_36 : vector<16xf32>
        %mul3A_327 = arith.mulf %gather3A_325, %get3A_52 : vector<16xf32>
        %add3A_328 = arith.addf %mul3A_326, %mul3A_327 : vector<16xf32>
        %add3A_329 = arith.addf %add3A_328, %add3A_71 : vector<16xf32>
        %ge3A_330 = arith.constant 0.000000e+00 : f32
        %ge3A_331 = vector.broadcast %ge3A_330 : f32 to vector<16xf32>
        %ge3A_332 = arith.cmpf oge, %add3A_329, %ge3A_331 : vector<16xf32>
        %mul3A_333 = arith.constant 2.000000e-01 : f32
        %mul3A_334 = vector.broadcast %mul3A_333 : f32 to vector<16xf32>
        %mul3A_335 = arith.mulf %mul3A_334, %add3A_329 : vector<16xf32>
        %select_n3A_336 = arith.select %ge3A_332, %add3A_329, %mul3A_335 : vector<16xi1>, vector<16xf32>
        %mul3A_337 = arith.mulf %select_n3A_336, %get3A_108 : vector<16xf32>
        %mul3A_338 = arith.mulf %gather3A_324, %get3A_38 : vector<16xf32>
        %mul3A_339 = arith.mulf %gather3A_325, %get3A_54 : vector<16xf32>
        %add3A_340 = arith.addf %mul3A_338, %mul3A_339 : vector<16xf32>
        %add3A_341 = arith.addf %add3A_340, %add3A_76 : vector<16xf32>
        %ge3A_342 = arith.constant 0.000000e+00 : f32
        %ge3A_343 = vector.broadcast %ge3A_342 : f32 to vector<16xf32>
        %ge3A_344 = arith.cmpf oge, %add3A_341, %ge3A_343 : vector<16xf32>
        %mul3A_345 = arith.constant 2.000000e-01 : f32
        %mul3A_346 = vector.broadcast %mul3A_345 : f32 to vector<16xf32>
        %mul3A_347 = arith.mulf %mul3A_346, %add3A_341 : vector<16xf32>
        %select_n3A_348 = arith.select %ge3A_344, %add3A_341, %mul3A_347 : vector<16xi1>, vector<16xf32>
        %mul3A_349 = arith.mulf %select_n3A_348, %get3A_110 : vector<16xf32>
        %add3A_350 = arith.addf %mul3A_337, %mul3A_349 : vector<16xf32>
        %mul3A_351 = arith.mulf %gather3A_324, %get3A_40 : vector<16xf32>
        %mul3A_352 = arith.mulf %gather3A_325, %get3A_56 : vector<16xf32>
        %add3A_353 = arith.addf %mul3A_351, %mul3A_352 : vector<16xf32>
        %add3A_354 = arith.addf %add3A_353, %add3A_81 : vector<16xf32>
        %ge3A_355 = arith.constant 0.000000e+00 : f32
        %ge3A_356 = vector.broadcast %ge3A_355 : f32 to vector<16xf32>
        %ge3A_357 = arith.cmpf oge, %add3A_354, %ge3A_356 : vector<16xf32>
        %mul3A_358 = arith.constant 2.000000e-01 : f32
        %mul3A_359 = vector.broadcast %mul3A_358 : f32 to vector<16xf32>
        %mul3A_360 = arith.mulf %mul3A_359, %add3A_354 : vector<16xf32>
        %select_n3A_361 = arith.select %ge3A_357, %add3A_354, %mul3A_360 : vector<16xi1>, vector<16xf32>
        %mul3A_362 = arith.mulf %select_n3A_361, %get3A_112 : vector<16xf32>
        %add3A_363 = arith.addf %add3A_350, %mul3A_362 : vector<16xf32>
        %mul3A_364 = arith.mulf %gather3A_324, %get3A_42 : vector<16xf32>
        %mul3A_365 = arith.mulf %gather3A_325, %get3A_58 : vector<16xf32>
        %add3A_366 = arith.addf %mul3A_364, %mul3A_365 : vector<16xf32>
        %add3A_367 = arith.addf %add3A_366, %add3A_86 : vector<16xf32>
        %ge3A_368 = arith.constant 0.000000e+00 : f32
        %ge3A_369 = vector.broadcast %ge3A_368 : f32 to vector<16xf32>
        %ge3A_370 = arith.cmpf oge, %add3A_367, %ge3A_369 : vector<16xf32>
        %mul3A_371 = arith.constant 2.000000e-01 : f32
        %mul3A_372 = vector.broadcast %mul3A_371 : f32 to vector<16xf32>
        %mul3A_373 = arith.mulf %mul3A_372, %add3A_367 : vector<16xf32>
        %select_n3A_374 = arith.select %ge3A_370, %add3A_367, %mul3A_373 : vector<16xi1>, vector<16xf32>
        %mul3A_375 = arith.mulf %select_n3A_374, %get3A_114 : vector<16xf32>
        %add3A_376 = arith.addf %add3A_363, %mul3A_375 : vector<16xf32>
        %exp3A_377 = math.exp %add3A_376 : vector<16xf32>
        %mul3A_378 = arith.mulf %gather3A_324, %get3A_44 : vector<16xf32>
        %mul3A_379 = arith.mulf %gather3A_325, %get3A_60 : vector<16xf32>
        %add3A_380 = arith.addf %mul3A_378, %mul3A_379 : vector<16xf32>
        %add3A_381 = arith.addf %add3A_380, %add3A_91 : vector<16xf32>
        %ge3A_382 = arith.constant 0.000000e+00 : f32
        %ge3A_383 = vector.broadcast %ge3A_382 : f32 to vector<16xf32>
        %ge3A_384 = arith.cmpf oge, %add3A_381, %ge3A_383 : vector<16xf32>
        %mul3A_385 = arith.constant 2.000000e-01 : f32
        %mul3A_386 = vector.broadcast %mul3A_385 : f32 to vector<16xf32>
        %mul3A_387 = arith.mulf %mul3A_386, %add3A_381 : vector<16xf32>
        %select_n3A_388 = arith.select %ge3A_384, %add3A_381, %mul3A_387 : vector<16xi1>, vector<16xf32>
        %mul3A_389 = arith.mulf %select_n3A_388, %get3A_116 : vector<16xf32>
        %mul3A_390 = arith.mulf %gather3A_324, %get3A_46 : vector<16xf32>
        %mul3A_391 = arith.mulf %gather3A_325, %get3A_62 : vector<16xf32>
        %add3A_392 = arith.addf %mul3A_390, %mul3A_391 : vector<16xf32>
        %add3A_393 = arith.addf %add3A_392, %add3A_96 : vector<16xf32>
        %ge3A_394 = arith.constant 0.000000e+00 : f32
        %ge3A_395 = vector.broadcast %ge3A_394 : f32 to vector<16xf32>
        %ge3A_396 = arith.cmpf oge, %add3A_393, %ge3A_395 : vector<16xf32>
        %mul3A_397 = arith.constant 2.000000e-01 : f32
        %mul3A_398 = vector.broadcast %mul3A_397 : f32 to vector<16xf32>
        %mul3A_399 = arith.mulf %mul3A_398, %add3A_393 : vector<16xf32>
        %select_n3A_400 = arith.select %ge3A_396, %add3A_393, %mul3A_399 : vector<16xi1>, vector<16xf32>
        %mul3A_401 = arith.mulf %select_n3A_400, %get3A_118 : vector<16xf32>
        %add3A_402 = arith.addf %mul3A_389, %mul3A_401 : vector<16xf32>
        %mul3A_403 = arith.mulf %gather3A_324, %get3A_48 : vector<16xf32>
        %mul3A_404 = arith.mulf %gather3A_325, %get3A_64 : vector<16xf32>
        %add3A_405 = arith.addf %mul3A_403, %mul3A_404 : vector<16xf32>
        %add3A_406 = arith.addf %add3A_405, %add3A_101 : vector<16xf32>
        %ge3A_407 = arith.constant 0.000000e+00 : f32
        %ge3A_408 = vector.broadcast %ge3A_407 : f32 to vector<16xf32>
        %ge3A_409 = arith.cmpf oge, %add3A_406, %ge3A_408 : vector<16xf32>
        %mul3A_410 = arith.constant 2.000000e-01 : f32
        %mul3A_411 = vector.broadcast %mul3A_410 : f32 to vector<16xf32>
        %mul3A_412 = arith.mulf %mul3A_411, %add3A_406 : vector<16xf32>
        %select_n3A_413 = arith.select %ge3A_409, %add3A_406, %mul3A_412 : vector<16xi1>, vector<16xf32>
        %mul3A_414 = arith.mulf %select_n3A_413, %get3A_120 : vector<16xf32>
        %add3A_415 = arith.addf %add3A_402, %mul3A_414 : vector<16xf32>
        %mul3A_416 = arith.mulf %gather3A_324, %get3A_50 : vector<16xf32>
        %mul3A_417 = arith.mulf %gather3A_325, %get3A_66 : vector<16xf32>
        %add3A_418 = arith.addf %mul3A_416, %mul3A_417 : vector<16xf32>
        %add3A_419 = arith.addf %add3A_418, %add3A_106 : vector<16xf32>
        %ge3A_420 = arith.constant 0.000000e+00 : f32
        %ge3A_421 = vector.broadcast %ge3A_420 : f32 to vector<16xf32>
        %ge3A_422 = arith.cmpf oge, %add3A_419, %ge3A_421 : vector<16xf32>
        %mul3A_423 = arith.constant 2.000000e-01 : f32
        %mul3A_424 = vector.broadcast %mul3A_423 : f32 to vector<16xf32>
        %mul3A_425 = arith.mulf %mul3A_424, %add3A_419 : vector<16xf32>
        %select_n3A_426 = arith.select %ge3A_422, %add3A_419, %mul3A_425 : vector<16xi1>, vector<16xf32>
        %mul3A_427 = arith.mulf %select_n3A_426, %get3A_122 : vector<16xf32>
        %add3A_428 = arith.addf %add3A_415, %mul3A_427 : vector<16xf32>
        %exp3A_429 = math.exp %add3A_428 : vector<16xf32>
        %mul3A_430 = arith.mulf %exp3A_377, %gather3A_324 : vector<16xf32>
        %mul3A_431 = arith.mulf %exp3A_429, %gather3A_324 : vector<16xf32>
        %mul3A_432 = arith.constant 4 : i32
        %mul3A_433 = vector.broadcast %mul3A_432 : i32 to vector<16xi32>
        %mul3A_434 = arith.muli %get3A_308, %mul3A_433 : vector<16xi32>
        %unique3A_435, %unique3A_436 = tpu.scan_count mask(%and3A_323 : vector<16xi1>) value(%get3A_308 : vector<16xi32>) : vector<16xi1>, vector<16xi32>
        %jit3A_437 = arith.constant 0 : i32
        %broadcast_in_dim3A_438 = vector.broadcast %jit3A_437 : i32 to vector<16xi32>
        %select_n3A_439 = arith.select %and3A_323, %unique3A_436, %broadcast_in_dim3A_438 : vector<16xi1>, vector<16xi32>
        %reduce_max3A_440 = arith.constant true
        %reduce_max3A_441 = vector.broadcast %reduce_max3A_440 : i1 to vector<16xi1>
        %reduce_max3A_442 = arith.constant -2147483648 : i32
        %reduce_max3A_443 = vector.broadcast %reduce_max3A_442 : i32 to vector<16xi32>
        %reduce_max3A_444 = arith.xori %select_n3A_439, %reduce_max3A_443 : vector<16xi32>
        %reduce_max3A_445 = tpu.scan <max>, %reduce_max3A_444 masked %reduce_max3A_441 : vector<16xi32>, vector<16xi1> -> vector<16xi32>
        %reduce_max3A_446 = arith.xori %reduce_max3A_445, %reduce_max3A_443 : vector<16xi32>
        %reduce_max3A_447 = vector.extract %reduce_max3A_446[15] : i32 from vector<16xi32>
        %add3A_448 = arith.constant 1 : i32
        %add3A_449 = arith.addi %reduce_max3A_447, %add3A_448 : i32
        %while3A_450 = arith.constant 0 : i32
        %while3A_451 = arith.constant 1 : i32
        %while3A_452 = arith.subi %add3A_449, %while3A_451 : i32
        %while3A_453 = arith.addi %while3A_451, %while3A_452 : i32
        %while3A_454 = arith.constant 1 : i32
        %while3A_455 = arith.divsi %while3A_452, %while3A_454 : i32
        %while3A_456 = arith.muli %while3A_455, %while3A_454 : i32
        %while3A_457 = arith.addi %while3A_451, %while3A_456 : i32
        %while3A_458 = arith.constant 1 : i32
        scf.for %while3A_460 = %while3A_451 to %while3A_457 step %while3A_458  : i32 {
          %eq3A = vector.broadcast %while3A_460 : i32 to vector<16xi32>
          %eq3A_461 = arith.cmpi eq, %unique3A_436, %eq3A : vector<16xi32>
          %and3A_462 = arith.andi %and3A_323, %eq3A_461 : vector<16xi1>
          %add3A_463 = arith.constant 0 : i32
          %add3A_464 = vector.broadcast %add3A_463 : i32 to vector<16xi32>
          %add3A_465 = arith.addi %mul3A_434, %add3A_464 : vector<16xi32>
          tpu.vector_store_idx %arg8[%add3A_465], %exp3A_377 masked %and3A_462 {add = true} : memref<40000xf32, #tpu.memory_space<vmem>>[vector<16xi32>], vector<16xf32>, vector<16xi1>
          %add3A_466 = arith.constant 1 : i32
          %add3A_467 = vector.broadcast %add3A_466 : i32 to vector<16xi32>
          %add3A_468 = arith.addi %mul3A_434, %add3A_467 : vector<16xi32>
          tpu.vector_store_idx %arg8[%add3A_468], %mul3A_430 masked %and3A_462 {add = true} : memref<40000xf32, #tpu.memory_space<vmem>>[vector<16xi32>], vector<16xf32>, vector<16xi1>
          %add3A_469 = arith.constant 2 : i32
          %add3A_470 = vector.broadcast %add3A_469 : i32 to vector<16xi32>
          %add3A_471 = arith.addi %mul3A_434, %add3A_470 : vector<16xi32>
          tpu.vector_store_idx %arg8[%add3A_471], %exp3A_429 masked %and3A_462 {add = true} : memref<40000xf32, #tpu.memory_space<vmem>>[vector<16xi32>], vector<16xf32>, vector<16xi1>
          %add3A_472 = arith.constant 3 : i32
          %add3A_473 = vector.broadcast %add3A_472 : i32 to vector<16xi32>
          %add3A_474 = arith.addi %mul3A_434, %add3A_473 : vector<16xi32>
          tpu.vector_store_idx %arg8[%add3A_474], %mul3A_431 masked %and3A_462 {add = true} : memref<40000xf32, #tpu.memory_space<vmem>>[vector<16xi32>], vector<16xf32>, vector<16xi1>
        }
        %while3A_459 = arith.constant 1 : i32
        scf.for %while3A_460 = %while3A_457 to %while3A_453 step %while3A_459  : i32 {
          %eq3A = vector.broadcast %while3A_460 : i32 to vector<16xi32>
          %eq3A_461 = arith.cmpi eq, %unique3A_436, %eq3A : vector<16xi32>
          %and3A_462 = arith.andi %and3A_323, %eq3A_461 : vector<16xi1>
          %add3A_463 = arith.constant 0 : i32
          %add3A_464 = vector.broadcast %add3A_463 : i32 to vector<16xi32>
          %add3A_465 = arith.addi %mul3A_434, %add3A_464 : vector<16xi32>
          tpu.vector_store_idx %arg8[%add3A_465], %exp3A_377 masked %and3A_462 {add = true} : memref<40000xf32, #tpu.memory_space<vmem>>[vector<16xi32>], vector<16xf32>, vector<16xi1>
          %add3A_466 = arith.constant 1 : i32
          %add3A_467 = vector.broadcast %add3A_466 : i32 to vector<16xi32>
          %add3A_468 = arith.addi %mul3A_434, %add3A_467 : vector<16xi32>
          tpu.vector_store_idx %arg8[%add3A_468], %mul3A_430 masked %and3A_462 {add = true} : memref<40000xf32, #tpu.memory_space<vmem>>[vector<16xi32>], vector<16xf32>, vector<16xi1>
          %add3A_469 = arith.constant 2 : i32
          %add3A_470 = vector.broadcast %add3A_469 : i32 to vector<16xi32>
          %add3A_471 = arith.addi %mul3A_434, %add3A_470 : vector<16xi32>
          tpu.vector_store_idx %arg8[%add3A_471], %exp3A_429 masked %and3A_462 {add = true} : memref<40000xf32, #tpu.memory_space<vmem>>[vector<16xi32>], vector<16xf32>, vector<16xi1>
          %add3A_472 = arith.constant 3 : i32
          %add3A_473 = vector.broadcast %add3A_472 : i32 to vector<16xi32>
          %add3A_474 = arith.addi %mul3A_434, %add3A_473 : vector<16xi32>
          tpu.vector_store_idx %arg8[%add3A_474], %mul3A_431 masked %and3A_462 {add = true} : memref<40000xf32, #tpu.memory_space<vmem>>[vector<16xi32>], vector<16xf32>, vector<16xi1>
        }
      }
      %scan3A_149 = arith.constant 12 : i32
    }
    %scan3A_130 = arith.constant 53 : i32
    %mul3A_131 = arith.constant 40000 : i32
    %mul3A_132 = arith.muli %add3A, %mul3A_131 : i32
    "tpu.region"() ({
      %run_scoped3A = tpu.sem_alloc : memref<!tpu.dma_semaphore, #tpu.memory_space<semaphore_mem>>
      %dma_start3A = tpu.memref_slice %arg6[%mul3A_132] : memref<1280000xf32, #tpu.memory_space<hbm>> -> memref<40000xf32, #tpu.memory_space<hbm>>
      %dma_start3A_133 = tpu.memref_slice %arg6[%mul3A_132] : memref<1280000xf32, #tpu.memory_space<hbm>> -> memref<40000xf32, #tpu.memory_space<hbm>>
      tpu.enqueue_dma source(%arg8 : memref<40000xf32, #tpu.memory_space<vmem>>) target(%dma_start3A_133 : memref<40000xf32, #tpu.memory_space<hbm>>) target_semaphore(%run_scoped3A : memref<!tpu.dma_semaphore, #tpu.memory_space<semaphore_mem>>)
      %dma_wait3A = tpu.memref_slice %arg6[%mul3A_132] : memref<1280000xf32, #tpu.memory_space<hbm>> -> memref<40000xf32, #tpu.memory_space<hbm>>
      %dma_wait3A_134 = tpu.memref_slice %arg6[%mul3A_132] : memref<1280000xf32, #tpu.memory_space<hbm>> -> memref<40000xf32, #tpu.memory_space<hbm>>
      tpu.wait_dma2 semaphore(%run_scoped3A : memref<!tpu.dma_semaphore, #tpu.memory_space<semaphore_mem>>) src(%arg8 : memref<40000xf32, #tpu.memory_space<vmem>>) dst(%dma_wait3A_134 : memref<40000xf32, #tpu.memory_space<hbm>>)
      tpu.yield
    }) : () -> ()
    return
  }
}

module attributes {stable_mosaic.version = 14 : i64} {
  func.func @_proj_body(%arg0: i32, %arg1: memref<2000x128xf32, #tpu.memory_space<vmem>>, %arg2: memref<128x8xf32, #tpu.memory_space<vmem>>, %arg3: memref<128x8xf32, #tpu.memory_space<vmem>>, %arg4: memref<1x8xf32, #tpu.memory_space<vmem>>, %arg5: memref<1x8xf32, #tpu.memory_space<vmem>>, %arg6: memref<2000x4xf32, #tpu.memory_space<vmem>>, %arg7: memref<2000x4xf32, #tpu.memory_space<vmem>>, %arg8: memref<2000x4xf32, #tpu.memory_space<vmem>>, %arg9: memref<2000x4xf32, #tpu.memory_space<vmem>>) attributes {dimension_semantics = [#tpu.dimension_semantics<arbitrary>], iteration_bounds = array<i64: 5>, scalar_prefetch = 0 : i64, scratch_operands = 0 : i64, tpu.core_type = #tpu.core_type<tc>, window_params = [{transform_indices = @transform_0, window_bounds = array<i64: 2000, 128>}, {pipeline_mode = #tpu.pipeline_mode<synchronous>, transform_indices = @transform_1, window_bounds = array<i64: 128, 8>}, {pipeline_mode = #tpu.pipeline_mode<synchronous>, transform_indices = @transform_2, window_bounds = array<i64: 128, 8>}, {pipeline_mode = #tpu.pipeline_mode<synchronous>, transform_indices = @transform_3, window_bounds = array<i64: 1, 8>}, {pipeline_mode = #tpu.pipeline_mode<synchronous>, transform_indices = @transform_4, window_bounds = array<i64: 1, 8>}, {transform_indices = @transform_5, window_bounds = array<i64: 2000, 4>}, {transform_indices = @transform_6, window_bounds = array<i64: 2000, 4>}, {transform_indices = @transform_7, window_bounds = array<i64: 2000, 4>}, {transform_indices = @transform_8, window_bounds = array<i64: 2000, 4>}]} {
    %get3A = arith.constant 0 : index
    %get3A_0 = arith.constant 0 : index
    %get3A_1 = vector.load %arg1[%get3A, %get3A_0] : memref<2000x128xf32, #tpu.memory_space<vmem>>, vector<2000x128xf32>
    %get3A_2 = arith.constant 0 : index
    %get3A_3 = arith.constant 0 : index
    %get3A_4 = vector.load %arg2[%get3A_2, %get3A_3] : memref<128x8xf32, #tpu.memory_space<vmem>>, vector<128x8xf32>
    %dot_general3A = arith.constant dense<0.000000e+00> : vector<2000x8xf32>
    %dot_general3A_5 = tpu.matmul %get3A_1, %get3A_4, %dot_general3A {dimension_numbers = #tpu.dot_dimension_numbers<[1], [0], [0], [1], [0, 0, 1, 1], [], []>, transpose_lhs_hint = false} : vector<2000x128xf32>, vector<128x8xf32>, vector<2000x8xf32> -> vector<2000x8xf32>
    %get3A_6 = arith.constant 0 : index
    %get3A_7 = arith.constant 0 : index
    %get3A_8 = vector.load %arg4[%get3A_6, %get3A_7] : memref<1x8xf32, #tpu.memory_space<vmem>>, vector<1x8xf32>
    %add3A = vector.broadcast %get3A_8 : vector<1x8xf32> to vector<2000x8xf32>
    %add3A_9 = arith.addf %dot_general3A_5, %add3A : vector<2000x8xf32>
    %get3A_10 = arith.constant 0 : index
    %get3A_11 = arith.constant 0 : index
    %get3A_12 = vector.load %arg3[%get3A_10, %get3A_11] : memref<128x8xf32, #tpu.memory_space<vmem>>, vector<128x8xf32>
    %dot_general3A_13 = arith.constant dense<0.000000e+00> : vector<2000x8xf32>
    %dot_general3A_14 = tpu.matmul %get3A_1, %get3A_12, %dot_general3A_13 {dimension_numbers = #tpu.dot_dimension_numbers<[1], [0], [0], [1], [0, 0, 1, 1], [], []>, transpose_lhs_hint = false} : vector<2000x128xf32>, vector<128x8xf32>, vector<2000x8xf32> -> vector<2000x8xf32>
    %get3A_15 = arith.constant 0 : index
    %get3A_16 = arith.constant 0 : index
    %get3A_17 = vector.load %arg5[%get3A_15, %get3A_16] : memref<1x8xf32, #tpu.memory_space<vmem>>, vector<1x8xf32>
    %add3A_18 = vector.broadcast %get3A_17 : vector<1x8xf32> to vector<2000x8xf32>
    %add3A_19 = arith.addf %dot_general3A_14, %add3A_18 : vector<2000x8xf32>
    %slice3A = vector.extract_strided_slice %add3A_9 {offsets = [0, 0], sizes = [2000, 4], strides = [1, 1]} : vector<2000x8xf32> to vector<2000x4xf32>
    %swap3A = arith.constant 0 : index
    %swap3A_20 = arith.constant 0 : index
    %swap3A_21 = vector.load %arg6[%swap3A, %swap3A_20] : memref<2000x4xf32, #tpu.memory_space<vmem>>, vector<2000x4xf32>
    tpu.vector_store %arg6[%swap3A, %swap3A_20], %slice3A {strides = array<i32>} : memref<2000x4xf32, #tpu.memory_space<vmem>>, vector<2000x4xf32>,
    %slice3A_22 = vector.extract_strided_slice %add3A_9 {offsets = [0, 4], sizes = [2000, 4], strides = [1, 1]} : vector<2000x8xf32> to vector<2000x4xf32>
    %swap3A_23 = arith.constant 0 : index
    %swap3A_24 = arith.constant 0 : index
    %swap3A_25 = vector.load %arg7[%swap3A_23, %swap3A_24] : memref<2000x4xf32, #tpu.memory_space<vmem>>, vector<2000x4xf32>
    tpu.vector_store %arg7[%swap3A_23, %swap3A_24], %slice3A_22 {strides = array<i32>} : memref<2000x4xf32, #tpu.memory_space<vmem>>, vector<2000x4xf32>,
    %slice3A_26 = vector.extract_strided_slice %add3A_19 {offsets = [0, 0], sizes = [2000, 4], strides = [1, 1]} : vector<2000x8xf32> to vector<2000x4xf32>
    %swap3A_27 = arith.constant 0 : index
    %swap3A_28 = arith.constant 0 : index
    %swap3A_29 = vector.load %arg8[%swap3A_27, %swap3A_28] : memref<2000x4xf32, #tpu.memory_space<vmem>>, vector<2000x4xf32>
    tpu.vector_store %arg8[%swap3A_27, %swap3A_28], %slice3A_26 {strides = array<i32>} : memref<2000x4xf32, #tpu.memory_space<vmem>>, vector<2000x4xf32>,
    %slice3A_30 = vector.extract_strided_slice %add3A_19 {offsets = [0, 4], sizes = [2000, 4], strides = [1, 1]} : vector<2000x8xf32> to vector<2000x4xf32>
    %swap3A_31 = arith.constant 0 : index
    %swap3A_32 = arith.constant 0 : index
    %swap3A_33 = vector.load %arg9[%swap3A_31, %swap3A_32] : memref<2000x4xf32, #tpu.memory_space<vmem>>, vector<2000x4xf32>
    tpu.vector_store %arg9[%swap3A_31, %swap3A_32], %slice3A_30 {strides = array<i32>} : memref<2000x4xf32, #tpu.memory_space<vmem>>, vector<2000x4xf32>,
    return
  }
  func.func @transform_0(%arg0: i32) -> (i32, i32) {
    %c0_i32 = arith.constant 0 : i32
    %c0_i32_0 = arith.constant 0 : i32
    return %arg0, %c0_i32 : i32, i32
  }
  func.func @transform_1(%arg0: i32) -> (i32, i32) {
    %c0_i32 = arith.constant 0 : i32
    %c0_i32_0 = arith.constant 0 : i32
    %c0_i32_1 = arith.constant 0 : i32
    return %c0_i32, %c0_i32_0 : i32, i32
  }
  func.func @transform_2(%arg0: i32) -> (i32, i32) {
    %c0_i32 = arith.constant 0 : i32
    %c0_i32_0 = arith.constant 0 : i32
    %c0_i32_1 = arith.constant 0 : i32
    return %c0_i32, %c0_i32_0 : i32, i32
  }
  func.func @transform_3(%arg0: i32) -> (i32, i32) {
    %c0_i32 = arith.constant 0 : i32
    %c0_i32_0 = arith.constant 0 : i32
    %c0_i32_1 = arith.constant 0 : i32
    return %c0_i32, %c0_i32_0 : i32, i32
  }
  func.func @transform_4(%arg0: i32) -> (i32, i32) {
    %c0_i32 = arith.constant 0 : i32
    %c0_i32_0 = arith.constant 0 : i32
    %c0_i32_1 = arith.constant 0 : i32
    return %c0_i32, %c0_i32_0 : i32, i32
  }
  func.func @transform_5(%arg0: i32) -> (i32, i32) {
    %c0_i32 = arith.constant 0 : i32
    %c0_i32_0 = arith.constant 0 : i32
    return %arg0, %c0_i32 : i32, i32
  }
  func.func @transform_6(%arg0: i32) -> (i32, i32) {
    %c0_i32 = arith.constant 0 : i32
    %c0_i32_0 = arith.constant 0 : i32
    return %arg0, %c0_i32 : i32, i32
  }
  func.func @transform_7(%arg0: i32) -> (i32, i32) {
    %c0_i32 = arith.constant 0 : i32
    %c0_i32_0 = arith.constant 0 : i32
    return %arg0, %c0_i32 : i32, i32
  }
  func.func @transform_8(%arg0: i32) -> (i32, i32) {
    %c0_i32 = arith.constant 0 : i32
    %c0_i32_0 = arith.constant 0 : i32
    return %arg0, %c0_i32 : i32, i32
  }
}

module attributes {stable_mosaic.version = 14 : i64} {
  func.func @_fin1_body(%arg0: i32, %arg1: memref<200x4xf32, #tpu.memory_space<vmem>>, %arg2: memref<200x4xf32, #tpu.memory_space<vmem>>, %arg3: memref<200x4xf32, #tpu.memory_space<vmem>>, %arg4: memref<200x4xf32, #tpu.memory_space<vmem>>, %arg5: memref<32x200x5xf32, #tpu.memory_space<vmem>>, %arg6: memref<2x4xf32, #tpu.memory_space<vmem>>, %arg7: memref<1x8xf32, #tpu.memory_space<vmem>>, %arg8: memref<1x8xf32, #tpu.memory_space<vmem>>, %arg9: memref<1x1xf32, #tpu.memory_space<vmem>>, %arg10: memref<200x1xf32, #tpu.memory_space<vmem>>) attributes {dimension_semantics = [#tpu.dimension_semantics<arbitrary>], iteration_bounds = array<i64: 50>, scalar_prefetch = 0 : i64, scratch_operands = 0 : i64, tpu.core_type = #tpu.core_type<tc>, window_params = [{transform_indices = @transform_0, window_bounds = array<i64: 200, 4>}, {transform_indices = @transform_1, window_bounds = array<i64: 200, 4>}, {transform_indices = @transform_2, window_bounds = array<i64: 200, 4>}, {transform_indices = @transform_3, window_bounds = array<i64: 200, 4>}, {transform_indices = @transform_4, window_bounds = array<i64: 32, 200, 5>}, {pipeline_mode = #tpu.pipeline_mode<synchronous>, transform_indices = @transform_5, window_bounds = array<i64: 2, 4>}, {pipeline_mode = #tpu.pipeline_mode<synchronous>, transform_indices = @transform_6, window_bounds = array<i64: 1, 8>}, {pipeline_mode = #tpu.pipeline_mode<synchronous>, transform_indices = @transform_7, window_bounds = array<i64: 1, 8>}, {pipeline_mode = #tpu.pipeline_mode<synchronous>, transform_indices = @transform_8, window_bounds = array<i64: 1, 1>}, {transform_indices = @transform_9, window_bounds = array<i64: 200, 1>}]} {
    %get3A = arith.constant 0 : index
    %get3A_0 = arith.constant 0 : index
    %get3A_1 = arith.constant 0 : index
    %get3A_2 = vector.load %arg5[%get3A, %get3A_0, %get3A_1] : memref<32x200x5xf32, #tpu.memory_space<vmem>>, vector<32x200x5xf32>
    %slice3A = vector.extract_strided_slice %get3A_2 {offsets = [0, 0, 0], sizes = [16, 200, 5], strides = [1, 1, 1]} : vector<32x200x5xf32> to vector<16x200x5xf32>
    %reduce_sum3A = arith.constant dense<0.000000e+00> : vector<200x5xf32>
    %reduce_sum3A_3 = vector.multi_reduction <add>, %slice3A, %reduce_sum3A [0] : vector<16x200x5xf32> to vector<200x5xf32>
    %slice3A_4 = vector.extract_strided_slice %get3A_2 {offsets = [16, 0, 0], sizes = [16, 200, 5], strides = [1, 1, 1]} : vector<32x200x5xf32> to vector<16x200x5xf32>
    %reduce_sum3A_5 = arith.constant dense<0.000000e+00> : vector<200x5xf32>
    %reduce_sum3A_6 = vector.multi_reduction <add>, %slice3A_4, %reduce_sum3A_5 [0] : vector<16x200x5xf32> to vector<200x5xf32>
    %get3A_7 = arith.constant 0 : index
    %get3A_8 = arith.constant 0 : index
    %get3A_9 = vector.load %arg6[%get3A_7, %get3A_8] : memref<2x4xf32, #tpu.memory_space<vmem>>, vector<2x4xf32>
    %get3A_10 = arith.constant 0 : index
    %get3A_11 = arith.constant 0 : index
    %get3A_12 = vector.load %arg1[%get3A_10, %get3A_11] : memref<200x4xf32, #tpu.memory_space<vmem>>, vector<200x4xf32>
    %get3A_13 = arith.constant 0 : index
    %get3A_14 = arith.constant 0 : index
    %get3A_15 = vector.load %arg3[%get3A_13, %get3A_14] : memref<200x4xf32, #tpu.memory_space<vmem>>, vector<200x4xf32>
    %get3A_16 = arith.constant 0 : index
    %get3A_17 = arith.constant 0 : index
    %get3A_18 = vector.load %arg2[%get3A_16, %get3A_17] : memref<200x4xf32, #tpu.memory_space<vmem>>, vector<200x4xf32>
    %get3A_19 = arith.constant 0 : index
    %get3A_20 = arith.constant 0 : index
    %get3A_21 = vector.load %arg4[%get3A_19, %get3A_20] : memref<200x4xf32, #tpu.memory_space<vmem>>, vector<200x4xf32>
    %add3A = arith.addf %get3A_12, %get3A_15 : vector<200x4xf32>
    %ge3A = arith.constant 0.000000e+00 : f32
    %ge3A_22 = vector.broadcast %ge3A : f32 to vector<200x4xf32>
    %ge3A_23 = arith.cmpf oge, %add3A, %ge3A_22 : vector<200x4xf32>
    %mul3A = arith.constant 2.000000e-01 : f32
    %mul3A_24 = vector.broadcast %mul3A : f32 to vector<200x4xf32>
    %mul3A_25 = arith.mulf %mul3A_24, %add3A : vector<200x4xf32>
    %select_n3A = arith.select %ge3A_23, %add3A, %mul3A_25 : vector<200x4xi1>, vector<200x4xf32>
    %slice3A_26 = vector.extract_strided_slice %get3A_9 {offsets = [0, 0], sizes = [1, 4], strides = [1, 1]} : vector<2x4xf32> to vector<1x4xf32>
    %mul3A_27 = vector.broadcast %slice3A_26 : vector<1x4xf32> to vector<200x4xf32>
    %mul3A_28 = arith.mulf %select_n3A, %mul3A_27 : vector<200x4xf32>
    %reduce_sum3A_29 = arith.constant dense<0.000000e+00> : vector<200xf32>
    %reduce_sum3A_30 = vector.multi_reduction <add>, %mul3A_28, %reduce_sum3A_29 [1] : vector<200x4xf32> to vector<200xf32>
    %broadcast_in_dim3A = vector.shape_cast %reduce_sum3A_30 : vector<200xf32> to vector<200x1xf32>
    %exp3A = math.exp %broadcast_in_dim3A : vector<200x1xf32>
    %slice3A_31 = vector.extract_strided_slice %reduce_sum3A_3 {offsets = [0, 0], sizes = [200, 4], strides = [1, 1]} : vector<200x5xf32> to vector<200x4xf32>
    %mul3A_32 = vector.broadcast %exp3A : vector<200x1xf32> to vector<200x4xf32>
    %mul3A_33 = arith.mulf %mul3A_32, %get3A_12 : vector<200x4xf32>
    %add3A_34 = arith.addf %slice3A_31, %mul3A_33 : vector<200x4xf32>
    %slice3A_35 = vector.extract_strided_slice %reduce_sum3A_3 {offsets = [0, 4], sizes = [200, 1], strides = [1, 1]} : vector<200x5xf32> to vector<200x1xf32>
    %add3A_36 = arith.addf %slice3A_35, %exp3A : vector<200x1xf32>
    %add3A_37 = arith.constant 1.000000e-16 : f32
    %add3A_38 = vector.broadcast %add3A_37 : f32 to vector<200x1xf32>
    %add3A_39 = arith.addf %add3A_36, %add3A_38 : vector<200x1xf32>
    %div3A = vector.broadcast %add3A_39 : vector<200x1xf32> to vector<200x4xf32>
    %div3A_40 = arith.divf %add3A_34, %div3A : vector<200x4xf32>
    %add3A_41 = arith.addf %get3A_18, %get3A_21 : vector<200x4xf32>
    %ge3A_42 = arith.constant 0.000000e+00 : f32
    %ge3A_43 = vector.broadcast %ge3A_42 : f32 to vector<200x4xf32>
    %ge3A_44 = arith.cmpf oge, %add3A_41, %ge3A_43 : vector<200x4xf32>
    %mul3A_45 = arith.constant 2.000000e-01 : f32
    %mul3A_46 = vector.broadcast %mul3A_45 : f32 to vector<200x4xf32>
    %mul3A_47 = arith.mulf %mul3A_46, %add3A_41 : vector<200x4xf32>
    %select_n3A_48 = arith.select %ge3A_44, %add3A_41, %mul3A_47 : vector<200x4xi1>, vector<200x4xf32>
    %slice3A_49 = vector.extract_strided_slice %get3A_9 {offsets = [1, 0], sizes = [1, 4], strides = [1, 1]} : vector<2x4xf32> to vector<1x4xf32>
    %mul3A_50 = vector.broadcast %slice3A_49 : vector<1x4xf32> to vector<200x4xf32>
    %mul3A_51 = arith.mulf %select_n3A_48, %mul3A_50 : vector<200x4xf32>
    %reduce_sum3A_52 = arith.constant dense<0.000000e+00> : vector<200xf32>
    %reduce_sum3A_53 = vector.multi_reduction <add>, %mul3A_51, %reduce_sum3A_52 [1] : vector<200x4xf32> to vector<200xf32>
    %broadcast_in_dim3A_54 = vector.shape_cast %reduce_sum3A_53 : vector<200xf32> to vector<200x1xf32>
    %exp3A_55 = math.exp %broadcast_in_dim3A_54 : vector<200x1xf32>
    %slice3A_56 = vector.extract_strided_slice %reduce_sum3A_6 {offsets = [0, 0], sizes = [200, 4], strides = [1, 1]} : vector<200x5xf32> to vector<200x4xf32>
    %mul3A_57 = vector.broadcast %exp3A_55 : vector<200x1xf32> to vector<200x4xf32>
    %mul3A_58 = arith.mulf %mul3A_57, %get3A_18 : vector<200x4xf32>
    %add3A_59 = arith.addf %slice3A_56, %mul3A_58 : vector<200x4xf32>
    %slice3A_60 = vector.extract_strided_slice %reduce_sum3A_6 {offsets = [0, 4], sizes = [200, 1], strides = [1, 1]} : vector<200x5xf32> to vector<200x1xf32>
    %add3A_61 = arith.addf %slice3A_60, %exp3A_55 : vector<200x1xf32>
    %add3A_62 = arith.constant 1.000000e-16 : f32
    %add3A_63 = vector.broadcast %add3A_62 : f32 to vector<200x1xf32>
    %add3A_64 = arith.addf %add3A_61, %add3A_63 : vector<200x1xf32>
    %div3A_65 = vector.broadcast %add3A_64 : vector<200x1xf32> to vector<200x4xf32>
    %div3A_66 = arith.divf %add3A_59, %div3A_65 : vector<200x4xf32>
    %concatenate3A = tpu.concatenate %div3A_40, %div3A_66 in 1 : vector<200x4xf32>, vector<200x4xf32> -> vector<200x8xf32>
    %get3A_67 = arith.constant 0 : index
    %get3A_68 = arith.constant 0 : index
    %get3A_69 = vector.load %arg7[%get3A_67, %get3A_68] : memref<1x8xf32, #tpu.memory_space<vmem>>, vector<1x8xf32>
    %add3A_70 = vector.broadcast %get3A_69 : vector<1x8xf32> to vector<200x8xf32>
    %add3A_71 = arith.addf %concatenate3A, %add3A_70 : vector<200x8xf32>
    %max3A = arith.constant 0.000000e+00 : f32
    %max3A_72 = vector.broadcast %max3A : f32 to vector<200x8xf32>
    %max3A_73 = arith.maximumf %add3A_71, %max3A_72 : vector<200x8xf32>
    %get3A_74 = arith.constant 0 : index
    %get3A_75 = arith.constant 0 : index
    %get3A_76 = vector.load %arg8[%get3A_74, %get3A_75] : memref<1x8xf32, #tpu.memory_space<vmem>>, vector<1x8xf32>
    %mul3A_77 = vector.broadcast %get3A_76 : vector<1x8xf32> to vector<200x8xf32>
    %mul3A_78 = arith.mulf %max3A_73, %mul3A_77 : vector<200x8xf32>
    %reduce_sum3A_79 = arith.constant dense<0.000000e+00> : vector<200xf32>
    %reduce_sum3A_80 = vector.multi_reduction <add>, %mul3A_78, %reduce_sum3A_79 [1] : vector<200x8xf32> to vector<200xf32>
    %broadcast_in_dim3A_81 = vector.shape_cast %reduce_sum3A_80 : vector<200xf32> to vector<200x1xf32>
    %get3A_82 = arith.constant 0 : index
    %get3A_83 = arith.constant 0 : index
    %get3A_84 = vector.load %arg9[%get3A_82, %get3A_83] : memref<1x1xf32, #tpu.memory_space<vmem>>, vector<1x1xf32>
    %add3A_85 = vector.broadcast %get3A_84 : vector<1x1xf32> to vector<200x1xf32>
    %add3A_86 = arith.addf %broadcast_in_dim3A_81, %add3A_85 : vector<200x1xf32>
    %swap3A = arith.constant 0 : index
    %swap3A_87 = arith.constant 0 : index
    %swap3A_88 = vector.load %arg10[%swap3A, %swap3A_87] : memref<200x1xf32, #tpu.memory_space<vmem>>, vector<200x1xf32>
    tpu.vector_store %arg10[%swap3A, %swap3A_87], %add3A_86 {strides = array<i32>} : memref<200x1xf32, #tpu.memory_space<vmem>>, vector<200x1xf32>,
    return
  }
  func.func @transform_0(%arg0: i32) -> (i32, i32) {
    %c0_i32 = arith.constant 0 : i32
    %c0_i32_0 = arith.constant 0 : i32
    return %arg0, %c0_i32 : i32, i32
  }
  func.func @transform_1(%arg0: i32) -> (i32, i32) {
    %c0_i32 = arith.constant 0 : i32
    %c0_i32_0 = arith.constant 0 : i32
    return %arg0, %c0_i32 : i32, i32
  }
  func.func @transform_2(%arg0: i32) -> (i32, i32) {
    %c0_i32 = arith.constant 0 : i32
    %c0_i32_0 = arith.constant 0 : i32
    return %arg0, %c0_i32 : i32, i32
  }
  func.func @transform_3(%arg0: i32) -> (i32, i32) {
    %c0_i32 = arith.constant 0 : i32
    %c0_i32_0 = arith.constant 0 : i32
    return %arg0, %c0_i32 : i32, i32
  }
  func.func @transform_4(%arg0: i32) -> (i32, i32, i32) {
    %c0_i32 = arith.constant 0 : i32
    %c0_i32_0 = arith.constant 0 : i32
    %c0_i32_1 = arith.constant 0 : i32
    return %c0_i32, %arg0, %c0_i32_0 : i32, i32, i32
  }
  func.func @transform_5(%arg0: i32) -> (i32, i32) {
    %c0_i32 = arith.constant 0 : i32
    %c0_i32_0 = arith.constant 0 : i32
    %c0_i32_1 = arith.constant 0 : i32
    return %c0_i32, %c0_i32_0 : i32, i32
  }
  func.func @transform_6(%arg0: i32) -> (i32, i32) {
    %c0_i32 = arith.constant 0 : i32
    %c0_i32_0 = arith.constant 0 : i32
    %c0_i32_1 = arith.constant 0 : i32
    return %c0_i32, %c0_i32_0 : i32, i32
  }
  func.func @transform_7(%arg0: i32) -> (i32, i32) {
    %c0_i32 = arith.constant 0 : i32
    %c0_i32_0 = arith.constant 0 : i32
    %c0_i32_1 = arith.constant 0 : i32
    return %c0_i32, %c0_i32_0 : i32, i32
  }
  func.func @transform_8(%arg0: i32) -> (i32, i32) {
    %c0_i32 = arith.constant 0 : i32
    %c0_i32_0 = arith.constant 0 : i32
    %c0_i32_1 = arith.constant 0 : i32
    return %c0_i32, %c0_i32_0 : i32, i32
  }
  func.func @transform_9(%arg0: i32) -> (i32, i32) {
    %c0_i32 = arith.constant 0 : i32
    %c0_i32_0 = arith.constant 0 : i32
    return %arg0, %c0_i32 : i32, i32
  }
}

module attributes {stable_mosaic.version = 14 : i64} {
  func.func @_fin2_body(%arg0: i32, %arg1: memref<200x128xf32, #tpu.memory_space<vmem>>, %arg2: memref<200x1xf32, #tpu.memory_space<vmem>>, %arg3: memref<32x200x4xf32, #tpu.memory_space<vmem>>, %arg4: memref<1x8xf32, #tpu.memory_space<vmem>>, %arg5: memref<1x8xf32, #tpu.memory_space<vmem>>, %arg6: memref<1x8xf32, #tpu.memory_space<vmem>>, %arg7: memref<1x8xf32, #tpu.memory_space<vmem>>, %arg8: memref<1x8xf32, #tpu.memory_space<vmem>>, %arg9: memref<1x8xf32, #tpu.memory_space<vmem>>, %arg10: memref<1x8xf32, #tpu.memory_space<vmem>>, %arg11: memref<1x1xf32, #tpu.memory_space<vmem>>, %arg12: memref<128x64xf32, #tpu.memory_space<vmem>>, %arg13: memref<2x64xf32, #tpu.memory_space<vmem>>, %arg14: memref<1x64xf32, #tpu.memory_space<vmem>>, %arg15: memref<64x32xf32, #tpu.memory_space<vmem>>, %arg16: memref<1x32xf32, #tpu.memory_space<vmem>>, %arg17: memref<32x128xf32, #tpu.memory_space<vmem>>, %arg18: memref<1x128xf32, #tpu.memory_space<vmem>>, %arg19: memref<200x128xf32, #tpu.memory_space<vmem>>) attributes {dimension_semantics = [#tpu.dimension_semantics<arbitrary>], iteration_bounds = array<i64: 50>, scalar_prefetch = 0 : i64, scratch_operands = 0 : i64, tpu.core_type = #tpu.core_type<tc>, window_params = [{transform_indices = @transform_0, window_bounds = array<i64: 200, 128>}, {transform_indices = @transform_1, window_bounds = array<i64: 200, 1>}, {transform_indices = @transform_2, window_bounds = array<i64: 32, 200, 4>}, {pipeline_mode = #tpu.pipeline_mode<synchronous>, transform_indices = @transform_3, window_bounds = array<i64: 1, 8>}, {pipeline_mode = #tpu.pipeline_mode<synchronous>, transform_indices = @transform_4, window_bounds = array<i64: 1, 8>}, {pipeline_mode = #tpu.pipeline_mode<synchronous>, transform_indices = @transform_5, window_bounds = array<i64: 1, 8>}, {pipeline_mode = #tpu.pipeline_mode<synchronous>, transform_indices = @transform_6, window_bounds = array<i64: 1, 8>}, {pipeline_mode = #tpu.pipeline_mode<synchronous>, transform_indices = @transform_7, window_bounds = array<i64: 1, 8>}, {pipeline_mode = #tpu.pipeline_mode<synchronous>, transform_indices = @transform_8, window_bounds = array<i64: 1, 8>}, {pipeline_mode = #tpu.pipeline_mode<synchronous>, transform_indices = @transform_9, window_bounds = array<i64: 1, 8>}, {pipeline_mode = #tpu.pipeline_mode<synchronous>, transform_indices = @transform_10, window_bounds = array<i64: 1, 1>}, {pipeline_mode = #tpu.pipeline_mode<synchronous>, transform_indices = @transform_11, window_bounds = array<i64: 128, 64>}, {pipeline_mode = #tpu.pipeline_mode<synchronous>, transform_indices = @transform_12, window_bounds = array<i64: 2, 64>}, {pipeline_mode = #tpu.pipeline_mode<synchronous>, transform_indices = @transform_13, window_bounds = array<i64: 1, 64>}, {pipeline_mode = #tpu.pipeline_mode<synchronous>, transform_indices = @transform_14, window_bounds = array<i64: 64, 32>}, {pipeline_mode = #tpu.pipeline_mode<synchronous>, transform_indices = @transform_15, window_bounds = array<i64: 1, 32>}, {pipeline_mode = #tpu.pipeline_mode<synchronous>, transform_indices = @transform_16, window_bounds = array<i64: 32, 128>}, {pipeline_mode = #tpu.pipeline_mode<synchronous>, transform_indices = @transform_17, window_bounds = array<i64: 1, 128>}, {transform_indices = @transform_18, window_bounds = array<i64: 200, 128>}]} {
    %get3A = arith.constant 0 : index
    %get3A_0 = arith.constant 0 : index
    %get3A_1 = arith.constant 0 : index
    %get3A_2 = vector.load %arg3[%get3A, %get3A_0, %get3A_1] : memref<32x200x4xf32, #tpu.memory_space<vmem>>, vector<32x200x4xf32>
    %reduce_sum3A = arith.constant dense<0.000000e+00> : vector<200x4xf32>
    %reduce_sum3A_3 = vector.multi_reduction <add>, %get3A_2, %reduce_sum3A [0] : vector<32x200x4xf32> to vector<200x4xf32>
    %get3A_4 = arith.constant 0 : index
    %get3A_5 = arith.constant 0 : index
    %get3A_6 = vector.load %arg2[%get3A_4, %get3A_5] : memref<200x1xf32, #tpu.memory_space<vmem>>, vector<200x1xf32>
    %get3A_7 = arith.constant 0 : index
    %get3A_8 = arith.constant 0 : index
    %get3A_9 = vector.load %arg4[%get3A_7, %get3A_8] : memref<1x8xf32, #tpu.memory_space<vmem>>, vector<1x8xf32>
    %get3A_10 = arith.constant 0 : index
    %get3A_11 = arith.constant 0 : index
    %get3A_12 = vector.load %arg6[%get3A_10, %get3A_11] : memref<1x8xf32, #tpu.memory_space<vmem>>, vector<1x8xf32>
    %get3A_13 = arith.constant 0 : index
    %get3A_14 = arith.constant 0 : index
    %get3A_15 = vector.load %arg5[%get3A_13, %get3A_14] : memref<1x8xf32, #tpu.memory_space<vmem>>, vector<1x8xf32>
    %add3A = arith.addf %get3A_9, %get3A_15 : vector<1x8xf32>
    %mul3A = vector.broadcast %get3A_6 : vector<200x1xf32> to vector<200x8xf32>
    %mul3A_16 = vector.broadcast %add3A : vector<1x8xf32> to vector<200x8xf32>
    %mul3A_17 = arith.mulf %mul3A, %mul3A_16 : vector<200x8xf32>
    %add3A_18 = vector.broadcast %get3A_12 : vector<1x8xf32> to vector<200x8xf32>
    %add3A_19 = arith.addf %mul3A_17, %add3A_18 : vector<200x8xf32>
    %get3A_20 = arith.constant 0 : index
    %get3A_21 = arith.constant 0 : index
    %get3A_22 = vector.load %arg7[%get3A_20, %get3A_21] : memref<1x8xf32, #tpu.memory_space<vmem>>, vector<1x8xf32>
    %add3A_23 = vector.broadcast %get3A_22 : vector<1x8xf32> to vector<200x8xf32>
    %add3A_24 = arith.addf %add3A_19, %add3A_23 : vector<200x8xf32>
    %ge3A = arith.constant 0.000000e+00 : f32
    %ge3A_25 = vector.broadcast %ge3A : f32 to vector<200x8xf32>
    %ge3A_26 = arith.cmpf oge, %add3A_24, %ge3A_25 : vector<200x8xf32>
    %mul3A_27 = arith.constant 2.000000e-01 : f32
    %mul3A_28 = vector.broadcast %mul3A_27 : f32 to vector<200x8xf32>
    %mul3A_29 = arith.mulf %mul3A_28, %add3A_24 : vector<200x8xf32>
    %select_n3A = arith.select %ge3A_26, %add3A_24, %mul3A_29 : vector<200x8xi1>, vector<200x8xf32>
    %get3A_30 = arith.constant 0 : index
    %get3A_31 = arith.constant 0 : index
    %get3A_32 = vector.load %arg8[%get3A_30, %get3A_31] : memref<1x8xf32, #tpu.memory_space<vmem>>, vector<1x8xf32>
    %mul3A_33 = vector.broadcast %get3A_32 : vector<1x8xf32> to vector<200x8xf32>
    %mul3A_34 = arith.mulf %select_n3A, %mul3A_33 : vector<200x8xf32>
    %slice3A = vector.extract_strided_slice %mul3A_34 {offsets = [0, 0], sizes = [200, 4], strides = [1, 1]} : vector<200x8xf32> to vector<200x4xf32>
    %reduce_sum3A_35 = arith.constant dense<0.000000e+00> : vector<200xf32>
    %reduce_sum3A_36 = vector.multi_reduction <add>, %slice3A, %reduce_sum3A_35 [1] : vector<200x4xf32> to vector<200xf32>
    %broadcast_in_dim3A = vector.shape_cast %reduce_sum3A_36 : vector<200xf32> to vector<200x1xf32>
    %exp3A = math.exp %broadcast_in_dim3A : vector<200x1xf32>
    %slice3A_37 = vector.extract_strided_slice %reduce_sum3A_3 {offsets = [0, 0], sizes = [200, 1], strides = [1, 1]} : vector<200x4xf32> to vector<200x1xf32>
    %add3A_38 = arith.addf %slice3A_37, %exp3A : vector<200x1xf32>
    %slice3A_39 = vector.extract_strided_slice %reduce_sum3A_3 {offsets = [0, 1], sizes = [200, 1], strides = [1, 1]} : vector<200x4xf32> to vector<200x1xf32>
    %mul3A_40 = arith.mulf %exp3A, %get3A_6 : vector<200x1xf32>
    %add3A_41 = arith.addf %slice3A_39, %mul3A_40 : vector<200x1xf32>
    %slice3A_42 = vector.extract_strided_slice %get3A_9 {offsets = [0, 0], sizes = [1, 4], strides = [1, 1]} : vector<1x8xf32> to vector<1x4xf32>
    %slice3A_43 = vector.extract_strided_slice %get3A_12 {offsets = [0, 0], sizes = [1, 4], strides = [1, 1]} : vector<1x8xf32> to vector<1x4xf32>
    %mul3A_44 = vector.broadcast %slice3A_42 : vector<1x4xf32> to vector<200x4xf32>
    %mul3A_45 = vector.broadcast %add3A_41 : vector<200x1xf32> to vector<200x4xf32>
    %mul3A_46 = arith.mulf %mul3A_44, %mul3A_45 : vector<200x4xf32>
    %mul3A_47 = vector.broadcast %slice3A_43 : vector<1x4xf32> to vector<200x4xf32>
    %mul3A_48 = vector.broadcast %add3A_38 : vector<200x1xf32> to vector<200x4xf32>
    %mul3A_49 = arith.mulf %mul3A_47, %mul3A_48 : vector<200x4xf32>
    %add3A_50 = arith.addf %mul3A_46, %mul3A_49 : vector<200x4xf32>
    %add3A_51 = arith.constant 1.000000e-16 : f32
    %add3A_52 = vector.broadcast %add3A_51 : f32 to vector<200x1xf32>
    %add3A_53 = arith.addf %add3A_38, %add3A_52 : vector<200x1xf32>
    %div3A = vector.broadcast %add3A_53 : vector<200x1xf32> to vector<200x4xf32>
    %div3A_54 = arith.divf %add3A_50, %div3A : vector<200x4xf32>
    %slice3A_55 = vector.extract_strided_slice %mul3A_34 {offsets = [0, 4], sizes = [200, 4], strides = [1, 1]} : vector<200x8xf32> to vector<200x4xf32>
    %reduce_sum3A_56 = arith.constant dense<0.000000e+00> : vector<200xf32>
    %reduce_sum3A_57 = vector.multi_reduction <add>, %slice3A_55, %reduce_sum3A_56 [1] : vector<200x4xf32> to vector<200xf32>
    %broadcast_in_dim3A_58 = vector.shape_cast %reduce_sum3A_57 : vector<200xf32> to vector<200x1xf32>
    %exp3A_59 = math.exp %broadcast_in_dim3A_58 : vector<200x1xf32>
    %slice3A_60 = vector.extract_strided_slice %reduce_sum3A_3 {offsets = [0, 2], sizes = [200, 1], strides = [1, 1]} : vector<200x4xf32> to vector<200x1xf32>
    %add3A_61 = arith.addf %slice3A_60, %exp3A_59 : vector<200x1xf32>
    %slice3A_62 = vector.extract_strided_slice %reduce_sum3A_3 {offsets = [0, 3], sizes = [200, 1], strides = [1, 1]} : vector<200x4xf32> to vector<200x1xf32>
    %mul3A_63 = arith.mulf %exp3A_59, %get3A_6 : vector<200x1xf32>
    %add3A_64 = arith.addf %slice3A_62, %mul3A_63 : vector<200x1xf32>
    %slice3A_65 = vector.extract_strided_slice %get3A_9 {offsets = [0, 4], sizes = [1, 4], strides = [1, 1]} : vector<1x8xf32> to vector<1x4xf32>
    %slice3A_66 = vector.extract_strided_slice %get3A_12 {offsets = [0, 4], sizes = [1, 4], strides = [1, 1]} : vector<1x8xf32> to vector<1x4xf32>
    %mul3A_67 = vector.broadcast %slice3A_65 : vector<1x4xf32> to vector<200x4xf32>
    %mul3A_68 = vector.broadcast %add3A_64 : vector<200x1xf32> to vector<200x4xf32>
    %mul3A_69 = arith.mulf %mul3A_67, %mul3A_68 : vector<200x4xf32>
    %mul3A_70 = vector.broadcast %slice3A_66 : vector<1x4xf32> to vector<200x4xf32>
    %mul3A_71 = vector.broadcast %add3A_61 : vector<200x1xf32> to vector<200x4xf32>
    %mul3A_72 = arith.mulf %mul3A_70, %mul3A_71 : vector<200x4xf32>
    %add3A_73 = arith.addf %mul3A_69, %mul3A_72 : vector<200x4xf32>
    %add3A_74 = arith.constant 1.000000e-16 : f32
    %add3A_75 = vector.broadcast %add3A_74 : f32 to vector<200x1xf32>
    %add3A_76 = arith.addf %add3A_61, %add3A_75 : vector<200x1xf32>
    %div3A_77 = vector.broadcast %add3A_76 : vector<200x1xf32> to vector<200x4xf32>
    %div3A_78 = arith.divf %add3A_73, %div3A_77 : vector<200x4xf32>
    %concatenate3A = tpu.concatenate %div3A_54, %div3A_78 in 1 : vector<200x4xf32>, vector<200x4xf32> -> vector<200x8xf32>
    %get3A_79 = arith.constant 0 : index
    %get3A_80 = arith.constant 0 : index
    %get3A_81 = vector.load %arg9[%get3A_79, %get3A_80] : memref<1x8xf32, #tpu.memory_space<vmem>>, vector<1x8xf32>
    %add3A_82 = vector.broadcast %get3A_81 : vector<1x8xf32> to vector<200x8xf32>
    %add3A_83 = arith.addf %concatenate3A, %add3A_82 : vector<200x8xf32>
    %max3A = arith.constant 0.000000e+00 : f32
    %max3A_84 = vector.broadcast %max3A : f32 to vector<200x8xf32>
    %max3A_85 = arith.maximumf %add3A_83, %max3A_84 : vector<200x8xf32>
    %get3A_86 = arith.constant 0 : index
    %get3A_87 = arith.constant 0 : index
    %get3A_88 = vector.load %arg10[%get3A_86, %get3A_87] : memref<1x8xf32, #tpu.memory_space<vmem>>, vector<1x8xf32>
    %mul3A_89 = vector.broadcast %get3A_88 : vector<1x8xf32> to vector<200x8xf32>
    %mul3A_90 = arith.mulf %max3A_85, %mul3A_89 : vector<200x8xf32>
    %reduce_sum3A_91 = arith.constant dense<0.000000e+00> : vector<200xf32>
    %reduce_sum3A_92 = vector.multi_reduction <add>, %mul3A_90, %reduce_sum3A_91 [1] : vector<200x8xf32> to vector<200xf32>
    %broadcast_in_dim3A_93 = vector.shape_cast %reduce_sum3A_92 : vector<200xf32> to vector<200x1xf32>
    %get3A_94 = arith.constant 0 : index
    %get3A_95 = arith.constant 0 : index
    %get3A_96 = vector.load %arg11[%get3A_94, %get3A_95] : memref<1x1xf32, #tpu.memory_space<vmem>>, vector<1x1xf32>
    %add3A_97 = vector.broadcast %get3A_96 : vector<1x1xf32> to vector<200x1xf32>
    %add3A_98 = arith.addf %broadcast_in_dim3A_93, %add3A_97 : vector<200x1xf32>
    %get3A_99 = arith.constant 0 : index
    %get3A_100 = arith.constant 0 : index
    %get3A_101 = vector.load %arg1[%get3A_99, %get3A_100] : memref<200x128xf32, #tpu.memory_space<vmem>>, vector<200x128xf32>
    %get3A_102 = arith.constant 0 : index
    %get3A_103 = arith.constant 0 : index
    %get3A_104 = vector.load %arg12[%get3A_102, %get3A_103] : memref<128x64xf32, #tpu.memory_space<vmem>>, vector<128x64xf32>
    %dot_general3A = arith.constant dense<0.000000e+00> : vector<200x64xf32>
    %dot_general3A_105 = tpu.matmul %get3A_101, %get3A_104, %dot_general3A {dimension_numbers = #tpu.dot_dimension_numbers<[1], [0], [0], [1], [0, 0, 1, 1], [], []>, transpose_lhs_hint = false} : vector<200x128xf32>, vector<128x64xf32>, vector<200x64xf32> -> vector<200x64xf32>
    %get3A_106 = arith.constant 0 : index
    %get3A_107 = arith.constant 0 : index
    %get3A_108 = vector.load %arg13[%get3A_106, %get3A_107] : memref<2x64xf32, #tpu.memory_space<vmem>>, vector<1x64xf32>
    %mul3A_109 = vector.broadcast %get3A_6 : vector<200x1xf32> to vector<200x64xf32>
    %mul3A_110 = vector.broadcast %get3A_108 : vector<1x64xf32> to vector<200x64xf32>
    %mul3A_111 = arith.mulf %mul3A_109, %mul3A_110 : vector<200x64xf32>
    %add3A_112 = arith.addf %dot_general3A_105, %mul3A_111 : vector<200x64xf32>
    %get3A_113 = arith.constant 1 : index
    %get3A_114 = arith.constant 0 : index
    %get3A_115 = vector.load %arg13[%get3A_113, %get3A_114] : memref<2x64xf32, #tpu.memory_space<vmem>>, vector<1x64xf32>
    %mul3A_116 = vector.broadcast %add3A_98 : vector<200x1xf32> to vector<200x64xf32>
    %mul3A_117 = vector.broadcast %get3A_115 : vector<1x64xf32> to vector<200x64xf32>
    %mul3A_118 = arith.mulf %mul3A_116, %mul3A_117 : vector<200x64xf32>
    %add3A_119 = arith.addf %add3A_112, %mul3A_118 : vector<200x64xf32>
    %get3A_120 = arith.constant 0 : index
    %get3A_121 = arith.constant 0 : index
    %get3A_122 = vector.load %arg14[%get3A_120, %get3A_121] : memref<1x64xf32, #tpu.memory_space<vmem>>, vector<1x64xf32>
    %add3A_123 = vector.broadcast %get3A_122 : vector<1x64xf32> to vector<200x64xf32>
    %add3A_124 = arith.addf %add3A_119, %add3A_123 : vector<200x64xf32>
    %max3A_125 = arith.constant 0.000000e+00 : f32
    %max3A_126 = vector.broadcast %max3A_125 : f32 to vector<200x64xf32>
    %max3A_127 = arith.maximumf %add3A_124, %max3A_126 : vector<200x64xf32>
    %get3A_128 = arith.constant 0 : index
    %get3A_129 = arith.constant 0 : index
    %get3A_130 = vector.load %arg15[%get3A_128, %get3A_129] : memref<64x32xf32, #tpu.memory_space<vmem>>, vector<64x32xf32>
    %dot_general3A_131 = arith.constant dense<0.000000e+00> : vector<200x32xf32>
    %dot_general3A_132 = tpu.matmul %max3A_127, %get3A_130, %dot_general3A_131 {dimension_numbers = #tpu.dot_dimension_numbers<[1], [0], [0], [1], [0, 0, 1, 1], [], []>, transpose_lhs_hint = false} : vector<200x64xf32>, vector<64x32xf32>, vector<200x32xf32> -> vector<200x32xf32>
    %get3A_133 = arith.constant 0 : index
    %get3A_134 = arith.constant 0 : index
    %get3A_135 = vector.load %arg16[%get3A_133, %get3A_134] : memref<1x32xf32, #tpu.memory_space<vmem>>, vector<1x32xf32>
    %add3A_136 = vector.broadcast %get3A_135 : vector<1x32xf32> to vector<200x32xf32>
    %add3A_137 = arith.addf %dot_general3A_132, %add3A_136 : vector<200x32xf32>
    %max3A_138 = arith.constant 0.000000e+00 : f32
    %max3A_139 = vector.broadcast %max3A_138 : f32 to vector<200x32xf32>
    %max3A_140 = arith.maximumf %add3A_137, %max3A_139 : vector<200x32xf32>
    %get3A_141 = arith.constant 0 : index
    %get3A_142 = arith.constant 0 : index
    %get3A_143 = vector.load %arg17[%get3A_141, %get3A_142] : memref<32x128xf32, #tpu.memory_space<vmem>>, vector<32x128xf32>
    %dot_general3A_144 = arith.constant dense<0.000000e+00> : vector<200x128xf32>
    %dot_general3A_145 = tpu.matmul %max3A_140, %get3A_143, %dot_general3A_144 {dimension_numbers = #tpu.dot_dimension_numbers<[1], [0], [0], [1], [0, 0, 1, 1], [], []>, transpose_lhs_hint = false} : vector<200x32xf32>, vector<32x128xf32>, vector<200x128xf32> -> vector<200x128xf32>
    %get3A_146 = arith.constant 0 : index
    %get3A_147 = arith.constant 0 : index
    %get3A_148 = vector.load %arg18[%get3A_146, %get3A_147] : memref<1x128xf32, #tpu.memory_space<vmem>>, vector<1x128xf32>
    %add3A_149 = vector.broadcast %get3A_148 : vector<1x128xf32> to vector<200x128xf32>
    %add3A_150 = arith.addf %dot_general3A_145, %add3A_149 : vector<200x128xf32>
    %swap3A = arith.constant 0 : index
    %swap3A_151 = arith.constant 0 : index
    %swap3A_152 = vector.load %arg19[%swap3A, %swap3A_151] : memref<200x128xf32, #tpu.memory_space<vmem>>, vector<200x128xf32>
    tpu.vector_store %arg19[%swap3A, %swap3A_151], %add3A_150 {strides = array<i32>} : memref<200x128xf32, #tpu.memory_space<vmem>>, vector<200x128xf32>,
    return
  }
  func.func @transform_0(%arg0: i32) -> (i32, i32) {
    %c0_i32 = arith.constant 0 : i32
    %c0_i32_0 = arith.constant 0 : i32
    return %arg0, %c0_i32 : i32, i32
  }
  func.func @transform_1(%arg0: i32) -> (i32, i32) {
    %c0_i32 = arith.constant 0 : i32
    %c0_i32_0 = arith.constant 0 : i32
    return %arg0, %c0_i32 : i32, i32
  }
  func.func @transform_2(%arg0: i32) -> (i32, i32, i32) {
    %c0_i32 = arith.constant 0 : i32
    %c0_i32_0 = arith.constant 0 : i32
    %c0_i32_1 = arith.constant 0 : i32
    return %c0_i32, %arg0, %c0_i32_0 : i32, i32, i32
  }
  func.func @transform_3(%arg0: i32) -> (i32, i32) {
    %c0_i32 = arith.constant 0 : i32
    %c0_i32_0 = arith.constant 0 : i32
    %c0_i32_1 = arith.constant 0 : i32
    return %c0_i32, %c0_i32_0 : i32, i32
  }
  func.func @transform_4(%arg0: i32) -> (i32, i32) {
    %c0_i32 = arith.constant 0 : i32
    %c0_i32_0 = arith.constant 0 : i32
    %c0_i32_1 = arith.constant 0 : i32
    return %c0_i32, %c0_i32_0 : i32, i32
  }
  func.func @transform_5(%arg0: i32) -> (i32, i32) {
    %c0_i32 = arith.constant 0 : i32
    %c0_i32_0 = arith.constant 0 : i32
    %c0_i32_1 = arith.constant 0 : i32
    return %c0_i32, %c0_i32_0 : i32, i32
  }
  func.func @transform_6(%arg0: i32) -> (i32, i32) {
    %c0_i32 = arith.constant 0 : i32
    %c0_i32_0 = arith.constant 0 : i32
    %c0_i32_1 = arith.constant 0 : i32
    return %c0_i32, %c0_i32_0 : i32, i32
  }
  func.func @transform_7(%arg0: i32) -> (i32, i32) {
    %c0_i32 = arith.constant 0 : i32
    %c0_i32_0 = arith.constant 0 : i32
    %c0_i32_1 = arith.constant 0 : i32
    return %c0_i32, %c0_i32_0 : i32, i32
  }
  func.func @transform_8(%arg0: i32) -> (i32, i32) {
    %c0_i32 = arith.constant 0 : i32
    %c0_i32_0 = arith.constant 0 : i32
    %c0_i32_1 = arith.constant 0 : i32
    return %c0_i32, %c0_i32_0 : i32, i32
  }
  func.func @transform_9(%arg0: i32) -> (i32, i32) {
    %c0_i32 = arith.constant 0 : i32
    %c0_i32_0 = arith.constant 0 : i32
    %c0_i32_1 = arith.constant 0 : i32
    return %c0_i32, %c0_i32_0 : i32, i32
  }
  func.func @transform_10(%arg0: i32) -> (i32, i32) {
    %c0_i32 = arith.constant 0 : i32
    %c0_i32_0 = arith.constant 0 : i32
    %c0_i32_1 = arith.constant 0 : i32
    return %c0_i32, %c0_i32_0 : i32, i32
  }
  func.func @transform_11(%arg0: i32) -> (i32, i32) {
    %c0_i32 = arith.constant 0 : i32
    %c0_i32_0 = arith.constant 0 : i32
    %c0_i32_1 = arith.constant 0 : i32
    return %c0_i32, %c0_i32_0 : i32, i32
  }
  func.func @transform_12(%arg0: i32) -> (i32, i32) {
    %c0_i32 = arith.constant 0 : i32
    %c0_i32_0 = arith.constant 0 : i32
    %c0_i32_1 = arith.constant 0 : i32
    return %c0_i32, %c0_i32_0 : i32, i32
  }
  func.func @transform_13(%arg0: i32) -> (i32, i32) {
    %c0_i32 = arith.constant 0 : i32
    %c0_i32_0 = arith.constant 0 : i32
    %c0_i32_1 = arith.constant 0 : i32
    return %c0_i32, %c0_i32_0 : i32, i32
  }
  func.func @transform_14(%arg0: i32) -> (i32, i32) {
    %c0_i32 = arith.constant 0 : i32
    %c0_i32_0 = arith.constant 0 : i32
    %c0_i32_1 = arith.constant 0 : i32
    return %c0_i32, %c0_i32_0 : i32, i32
  }
  func.func @transform_15(%arg0: i32) -> (i32, i32) {
    %c0_i32 = arith.constant 0 : i32
    %c0_i32_0 = arith.constant 0 : i32
    %c0_i32_1 = arith.constant 0 : i32
    return %c0_i32, %c0_i32_0 : i32, i32
  }
  func.func @transform_16(%arg0: i32) -> (i32, i32) {
    %c0_i32 = arith.constant 0 : i32
    %c0_i32_0 = arith.constant 0 : i32
    %c0_i32_1 = arith.constant 0 : i32
    return %c0_i32, %c0_i32_0 : i32, i32
  }
  func.func @transform_17(%arg0: i32) -> (i32, i32) {
    %c0_i32 = arith.constant 0 : i32
    %c0_i32_0 = arith.constant 0 : i32
    %c0_i32_1 = arith.constant 0 : i32
    return %c0_i32, %c0_i32_0 : i32, i32
  }
  func.func @transform_18(%arg0: i32) -> (i32, i32) {
    %c0_i32 = arith.constant 0 : i32
    %c0_i32_0 = arith.constant 0 : i32
    return %arg0, %c0_i32 : i32, i32
  }
}

</mosaic_0001>

<sc_bundles>
// kernel: kernel.10.cloned.1.call-start
scs
__scs_entry_jumppad:
0x0: {  	(pc) =	sbr.rel $0x88, $3  }
0x1: {  	(tag) =	ssettag $0x0;
	lr =	simm.s32 $0x1  }
0x2: {  	[smem:$0x3F89] =	sst lr;
	_ =	strace $0xD0000000  }
0x3: {  	_ = 	snop  }
0x4: {  	_ = 	snop  }
0x5: {  	_ = 	snop  }
0x6: {  	_ = 	snop  }
0x7: {  	_ = 	snop  }
__scs_overlays_trampoline_lowered:
0x8: {  	[smem:$0x3F98] =	sst s0  }
0x9: {  	[smem:$0x3F99] =	sst s1  }
0xa: {  	[smem:$0x3F9A] =	sst s2  }
0xb: {  	[smem:$0x3F9B] =	sst s3  }
0xc: {  	[smem:$0x3F9C] =	sst s4  }
0xd: {  	[smem:$0x3F9D] =	sst s5  }
0xe: {  	[smem:$0x3F9E] =	sst s6  }
0xf: {  	[smem:$0x3F9F] =	sst s7  }
0x10: {  	[smem:$0x3FA0] =	sst s8  }
0x11: {  	[smem:$0x3FA1] =	sst s9;
	s0 =	simm.s32 @!p0 $0x0  }
0x12: {  	s1 =	sld [smem:$0x3F87];
	s0 =	simm.s32 @p0 $0x1  }
0x13: {  	[smem:$0x3FA2] =	sst s0;
	s0 =	simm.s32 @!p1 $0x0  }
0x14: {  	s2 =	sld [smem:$0x3F86];
	s0 =	simm.s32 @p1 $0x1  }
0x15: {  	[smem:$0x3FA3] =	sst s0;
	s0 =	simm.s32 @!p2 $0x0  }
0x16: {  	s3 =	sld [smem:$0x3FDB];
	s0 =	simm.s32 @p2 $0x1  }
0x17: {  	s4 =	simm.s32 $0x1BF5;
	[smem:$0x3FA5] =	sst s0  }
0x18: {  	s0 =	sld [smem:$0x3F88];
	_ =	swait.ge [sflag:s4], $0x0  }
0x19: {  	s7 =	sld [smem:$0x3F89]  }
0x1a: {  	s8 =	sadd.s32 $0xFFFFE003, lr  }
0x1b: {  	s9 =	sadd.s32 $0xFFFFFEF7, lr;
	s5 =	simm.s32 $0xFFFFFFFF;
	p2 =	slt.u32 s8, $0xFFFFF086  }
0x1c: {  	p1 =	slt.u32 s9, $0xF7A;
	s5 =	simm.s32 @!p2 $0x0  }
0x1d: {  	s5 =	simm.s32 @p1 $0x1;
	p0 =	seq.s32 s7, s2  }
0x1e: {  	s7 =	smul.u32 @!p0 $0xF7A, s2;
	p2 =	seq.s32 @!p0 s5, $0x0  }
0x1f: {  	s9 =	smul.u32 $0xF7A, s1;
	s8 =	simm.s32 @!p0 $0x1BF5;
	p2 =	por !p2, p0  }
0x20: {  	[sflag:s8] =	ssyncset.s32 @!p0 $0xFFFFF086;
	s6 =	sadd.s32 @!p0 s3, s7;
	s7 =	simm.s32 @!p0 $0x108  }
0x21: {  	s3 =	sadd.s32 s3, s9;
	s6 =	sadd.s32 @!p0 $0x88, s6;
	s7 =	simm.s32 @p2 $0x1082  }
0x22: {  	[simem:s7], [sflag:s8] =	dma.local @!p0 [hbm:s6], $0xF7A  }
0x23: {  	s9 =	sor.u32 $0xD0000000, s2;
	s6 =	simm.s32 $0x108;
	_ =	swait.ge @!p0 [sflag:s8], $0x0  }
0x24: {  	s3 =	sadd.s32 $0x88, s3;
	s6 =	simm.s32 @!p1 $0x1082;
	[sflag:s4] =	ssyncset.s32 $0xFFFFF086  }
0x25: {  	[simem:s6], [sflag:s4] =	dma.local [hbm:s3], $0xF7A  }
0x26: {  	[smem:$0x3F89] =	sst s1;
	(tag) =	ssettag s2;
	_ =	strace s9  }
0x27: {  	s1 =	sld [smem:$0x3F99]  }
0x28: {  	s2 =	sld [smem:$0x3F9A]  }
0x29: {  	s4 =	sld [smem:$0x3F9C]  }
0x2a: {  	p0 =	seq.s32 s5, $0x0;
	s5 =	sld [smem:$0x3F9D]  }
0x2b: {  	s6 =	sld [smem:$0x3F9E]  }
0x2c: {  	s7 =	sld [smem:$0x3F9F]  }
0x2d: {  	s3 =	simm.s32 $0x108;
	s8 =	sld [smem:$0x3FA0]  }
0x2e: {  	s3 =	simm.s32 @!p0 $0x1082;
	s9 =	sld [smem:$0x3FA1]  }
0x2f: {  	lr =	sadd.s32 s0, s3;
	s0 =	sld [smem:$0x3F98]  }
0x30: {  	s3 =	sld [smem:$0x3F9B]  }
0x31: {  	[smem:$0x3FA4] =	sst s10  }
0x32: {  	s10 =	sld [smem:$0x3FA2];
	_ =	sdelay $0x3  }
0x33: {  	p0 =	seq.s32 s10, $0x1;
	s10 =	sld [smem:$0x3FA4];
	_ =	sdelay $0x3  }
0x34: {  	[smem:$0x3FA4] =	sst s10  }
0x35: {  	s10 =	sld [smem:$0x3FA3];
	_ =	sdelay $0x3  }
0x36: {  	p1 =	seq.s32 s10, $0x1;
	s10 =	sld [smem:$0x3FA4];
	_ =	sdelay $0x3  }
0x37: {  	[smem:$0x3FA4] =	sst s10  }
0x38: {  	s10 =	sld [smem:$0x3FA5]  }
0x39: {  	_ = 	snop;
	(pc) =	sbr.ind lr, $3  }
0x3a: {  	_ = 	snop  }
0x3b: {  	_ = 	snop  }
0x3c: {  	p2 =	seq.s32 s10, $0x1;
	s10 =	sld [smem:$0x3FA4]  }
0x3d: {  	_ =	shalt  }
0x3e: {  	_ =	shalt  }
0x3f: {  	_ =	shalt  }
0x40: {  	_ =	shalt  }
0x41: {  	_ =	shalt  }
0x42: {  	_ =	shalt  }
0x43: {  	_ =	shalt  }
0x44: {  	_ =	shalt  }
0x45: {  	_ =	shalt  }
0x46: {  	_ =	shalt  }
0x47: {  	_ =	shalt  }
0x48: {  	_ =	shalt  }
0x49: {  	_ =	shalt  }
0x4a: {  	_ =	shalt  }
0x4b: {  	_ =	shalt  }
0x4c: {  	_ =	shalt  }
0x4d: {  	_ =	shalt  }
0x4e: {  	_ =	shalt  }
0x4f: {  	_ =	shalt  }
0x50: {  	_ =	shalt  }
0x51: {  	_ =	shalt  }
0x52: {  	_ =	shalt  }
0x53: {  	_ =	shalt  }
0x54: {  	_ =	shalt  }
0x55: {  	_ =	shalt  }
0x56: {  	_ =	shalt  }
0x57: {  	_ =	shalt  }
0x58: {  	_ =	shalt  }
0x59: {  	_ =	shalt  }
0x5a: {  	_ =	shalt  }
0x5b: {  	_ =	shalt  }
0x5c: {  	_ =	shalt  }
0x5d: {  	_ =	shalt  }
0x5e: {  	_ =	shalt  }
0x5f: {  	_ =	shalt  }
0x60: {  	_ =	shalt  }
0x61: {  	_ =	shalt  }
0x62: {  	_ =	shalt  }
0x63: {  	_ =	shalt  }
0x64: {  	_ =	shalt  }
0x65: {  	_ =	shalt  }
0x66: {  	_ =	shalt  }
0x67: {  	_ =	shalt  }
0x68: {  	_ =	shalt  }
0x69: {  	_ =	shalt  }
0x6a: {  	_ =	shalt  }
0x6b: {  	_ =	shalt  }
0x6c: {  	_ =	shalt  }
0x6d: {  	_ =	shalt  }
0x6e: {  	_ =	shalt  }
0x6f: {  	_ =	shalt  }
0x70: {  	_ =	shalt  }
0x71: {  	_ =	shalt  }
0x72: {  	_ =	shalt  }
0x73: {  	_ =	shalt  }
0x74: {  	_ =	shalt  }
0x75: {  	_ =	shalt  }
0x76: {  	_ =	shalt  }
0x77: {  	_ =	shalt  }
0x78: {  	_ =	shalt  }
0x79: {  	_ =	shalt  }
0x7a: {  	_ =	shalt  }
0x7b: {  	_ =	shalt  }
0x7c: {  	_ =	shalt  }
0x7d: {  	_ =	shalt  }
0x7e: {  	_ =	shalt  }
0x7f: {  	_ =	shalt  }
0x80: {  	_ =	shalt  }
0x81: {  	_ =	shalt  }
0x82: {  	_ =	shalt  }
0x83: {  	_ =	shalt  }
0x84: {  	_ =	shalt  }
0x85: {  	_ =	shalt  }
0x86: {  	_ =	shalt  }
0x87: {  	_ =	shalt  }
.Lfunc_end0:
.L_simem_size_0:
called_computation.1_lowered:
.L_overlay_start_0:
0x88: {  	s2 =	sld [smem:$0x3FD9]  }
0x89: {  	s3 =	sld [smem:$0x3FFE];
	_ =	sdelay $0x1  }
0x8a: {  	s1 =	srdreg.scid  }
0x8b: {  	s0 =	sand.u32 $0x1, s1  }
0x8c: {  	s17 =	sshll.u32 s0, $0xA;
	s2 =	sadd.s32 s3, s2  }
0x8d: {  	s2 =	sadd.s32 s2, s17  }
0x8e: {  	[smem:$0x3FB0] =	sst s2  }
0x8f: {  	_ = 	snop  }
0x90: {  	s2 =	sld [smem:$0x3FD0];
	(tm) =	ssettm $0x1  }
0x91: {  	s18 =	sld [smem:$0x3FFB];
	_ =	sdelay $0x3  }
0x92: {  	_ =	strace s18  }
0x93: {  	s3 =	sld [smem:$0x3FFC];
	_ =	sdelay $0x3  }
0x94: {  	_ =	strace s3  }
0x95: {  	s3 =	sld [smem:$0x3FFD];
	_ =	sdelay $0x3  }
0x96: {  	_ =	strace s3  }
0x97: {  	_ =	strace $0x8FFFFFFF  }
0x98: {  	s19 =	sld [smem:$0x3FDB];
	_ =	sdelay $0x1  }
0x99: {  	s4 =	simm.s32 $_scs_section_size  }
0x9a: {  	s5 =	simm.s32 $_size__tile_overlayer_lowered;
	s6 =	simm.s32 $_tile_overlayer_lowered  }
0x9b: {  	s22 =	simm.s32 $0x1BFF;
	s21 =	sshll.u32 s6, $0x1;
	s3 =	sadd.s32 s4, s19  }
0x9c: {  	s7 =	simm.s32 $0x0;
	s20 =	sshll.u32 s5, $0x1;
	s5 =	sadd.s32 s21, s3  }
0x9d: {  	[timem:s7], [sflag:s22] =	dma.local [hbm:s5], s20  }
0x9e: {  	_ =	swait.ge [sflag:s22], s20  }
0x9f: {  	s4 =	ssub.s32 $0x0, s20;
	[sflag:s22] =	ssyncset.done $0x0  }
0xa0: {  	[sflag:s22] =	ssyncadd.s32 s4;
	_ =	sdelay $0x1  }
0xa1: {  	s23 =	simm.s32 $0x1B8B  }
0xa2: {  	_ =	swait.ge [sflag:s23], $0x1  }
0xa3: {  	[sflag:s23] =	ssyncset.done $0x0  }
0xa4: {  	s25 =	simm.s32 $0x1B8E;
	s24 =	sld [smem:$0x3FFE];
	[sflag:s23] =	ssyncadd.s32 $0xFFFFFFFF  }
0xa5: {  	s26 =	simm.s32 $execute0_lowered;
	[smem:$0x3FD2] =	sst s25  }
0xa6: {  	s5 =	sshll.u32 s26, $0x1;
	_ =	strace $0x80000049;
	[dreg:$0x1] =	wrdreg $0xFFFFFFFF  }
0xa7: {  	s28 =	simm.s32 $_size_execute0_lowered;
	s3 =	sadd.s32 s3, s5;
	[dreg:$0x0] =	wrdreg $0x0  }
0xa8: {  	s5 =	sshll.u32 s28, $0x1;
	[dreg:$0x2] =	wrdreg s3  }
0xa9: {  	[dreg:$0x3] =	wrdreg s5  }
0xaa: {  	[dreg:$0x4] =	wrdreg $0xC0  }
0xab: {  	_ =	task [dreg:s7], $0x5FFFF  }
0xac: {  	[dreg:$0x1] =	wrdreg $0xFFFFFFFF  }
0xad: {  	[dreg:$0x0] =	wrdreg $0x60  }
0xae: {  	[dreg:$0x2] =	wrdreg s24  }
0xaf: {  	[dreg:$0x3] =	wrdreg s2  }
0xb0: {  	[dreg:$0x4] =	wrdreg $0x9  }
0xb1: {  	_ =	task.clear_ibuf [dreg:s7], $0x5FFFF;
	_ =	strace $0x90000049  }
0xb2: {  	s29 =	simm.s32 $0x9;
	_ =	strace $0x8000004B  }
0xb3: {  	_ =	swait.ge [sflag:s29], $0x1  }
0xb4: {  	[sflag:s29] =	ssyncadd.s32 $0xFFFFFFFF  }
0xb5: {  	_ =	strace $0x9000004B  }
0xb6: {  	_ =	sfence  }
0xb7: {  	s30 =	sld [smem:$0x0];
	_ =	sdelay $0x2  }
0xb8: {  	s31 =	sshll.u32 s1, $0xD;
	s1 =	sshrl.u32 s1, $0x2  }
0xb9: {  	s3 =	sand.u32 $0x4000, s31;
	s1 =	sadd.s32 s1, s30  }
0xba: {  	s0 =	sor.u32 s3, s0;
	s1 =	sshll.u32 s1, $0x11  }
0xbb: {  	s0 =	sor.u32 s1, s0  }
0xbc: {  	s0 =	sadd.s32 $0x8F2B, s0  }
0xbd: {  	[sflag:s0] =	ssyncadd.remote.s32 $0x1  }
0xbe: {  	_ =	sfence.sel $0xFFFF  }
0xbf: {  	[dreg:$0x0] =	wrdreg $0xFFFFFFFF;
	(pc) =	sbr.abs _section_cstart, $3  }
0xc0: {  	[dreg:$0x1] =	wrdreg $0xFFFFFFFF  }
0xc1: {  	_ =	task.clear_ibuf [dreg:s7], $0x2FFFF;
	_ =	strace $0x9FFFFFFF  }
0xc2: {  	(tm) =	ssettm $0x7FFFFFFF  }
0xc3: {  	_ =	shalt  }
tec
execute0_lowered:
.L_overlay_start_1:
0x0: {  	(tag) =	ssettag $0x1  }
0x1: {  	s6 =	rddreg [dreg:$0x0]  }
0x2: {  	s8 =	rddreg [dreg:$0x1]  }
0x3: {  	s1 =	srdreg.scid;
	s0 =	rddreg [dreg:$0x2]  }
0x4: {  	s2 =	simm.s32 $0x0;
	s12 =	simm.s32 $0xC400;
	s13 =	simm.s32 $0xC500  }
0x5: {  	s14 =	simm.s32 $0x1;
	s15 =	simm.s32 $0x2;
	s16 =	simm.s32 $0x2780  }
0x6: {  	s17 =	simm.s32 $0x0;
	s5 =	sand.u32 $0x1, s1;
	[smem:$0x7FF] =	sst s2  }
0x7: {  	s1 =	stileid.u32;
	s3 =	sadd.s32 $0x17C00, s6;
	s4 =	sshll.u32 s5, $0x4  }
.Ltmp0:
0x8: {  	_ =	strace $0x8000004A;
	s7 =	sor.u32 s1, s4;
	(pc) =	sbr.rel .LBB2_1-.Ltmp0, $4  }
0x9: {  	s9 =	ssub.s32 $0x2, s5;
	s5 =	sadd.s32 $0xDE00, s6;
	s10 =	smul.u32 $0x1388, s7  }
0xa: {  	s4 =	sadd.s32 $0x4000, s6;
	s11 =	sshrl.u32 s9, $0x1;
	s7 =	smul.u32 $0x2710, s7  }
0xb: {  	s6 =	sadd.s32 $0x4E000, s6;
	s9 =	ssub.s32 s9, s11;
	s11 =	simm.s32 $0xC600  }
0xc: {  	v1 =	vimm.f32 $0.0e+00;
	s9 =	smax.u32 s9, $0x1;
	s8 =	sadd.s32 s8, s10;
	s10 =	simm.s32 $0x3;
	v0 =	vmov s7  }
.LBB2_23:
0xd: {  	s17 =	sadd.s32 $0x1, s17  }
0xe: {  	p0 =	sne.s32 s17, s9  }
.Ltmp1:
0xf: {  	_ = 	snop;
	(pc) =	sbr.rel @!p0 .LBB2_24-.Ltmp1, $4  }
0x10: {  	[hbm4b:s8+s2] =	stream.linear.scatter [tilespmem:s16], [sflag:$0x3], $0x9C40, $0x38;
	[tilespmem:$0xC880] =	vst v63  }
0x11: {  	_ =	swait.ge [sflag:s10], $0x9C40  }
0x12: {  	[sflag:s10] =	ssyncset.done $0x0  }
0x13: {  	[sflag:s10] =	ssyncadd.s32 $0xFFFF63C0  }
.LBB2_1:
0x14: {  	[tilespmem:s2], [sflag:$0x3] =	stream.linear.gather [hbm4b:s3+s2], $0x2780, $0x38;
	[tilespmem:$0xC880] =	vst v63  }
0x15: {  	_ =	swait.ge [sflag:s10], $0x2780  }
0x16: {  	[sflag:s10] =	ssyncset.done $0x0  }
0x17: {  	[sflag:s10] =	ssyncadd.s32 $0xFFFFD880  }
0x18: {  	[tilespmem:s11], [sflag:$0x3] =	stream.linear.gather [hbm4b:s6+s2], $0x280, $0x38;
	[tilespmem:$0xC880] =	vst v63  }
0x19: {  	_ =	swait.ge [sflag:s10], $0x280  }
0x1a: {  	[sflag:s10] =	ssyncset.done $0x0  }
0x1b: {  	s18 =	simm.s32 $0x27C0;
	[sflag:s10] =	ssyncadd.s32 $0xFFFFFD80  }
0x1c: {  	[tilespmem:s18+$0xFFFFFFC0] =	vst v1  }
0x1d: {  	[tilespmem:s18+$0x30] =	vst v1  }
0x1e: {  	[tilespmem:s18+$0x20] =	vst v1  }
0x1f: {  	[tilespmem:s18+$0x10] =	vst v1  }
0x20: {  	[tilespmem:s18+$0x0] =	vst v1  }
0x21: {  	[tilespmem:s18+$0xFFFFFFF0] =	vst v1  }
0x22: {  	s19 =	simm.s32 $0x0;
	[tilespmem:s18+$0xFFFFFFE0] =	vst v1  }
.LBB2_2:
0x23: {  	s19 =	sadd.s32 $0x8, s19;
	[tilespmem:s18+$0xFFFFFFD0] =	vst v1;
	s18 =	sadd.s32 $0x80, s18  }
0x24: {  	[tilespmem:s18+$0xFFFFFFC0] =	vst v1;
	p0 =	slt.u32 s19, $0x9B8  }
0x25: {  	[tilespmem:s18+$0x30] =	vst v1  }
.Ltmp2:
0x26: {  	[tilespmem:s18+$0x20] =	vst v1;
	(pc) =	sbr.rel @p0 .LBB2_2-.Ltmp2, $4  }
0x27: {  	[tilespmem:s18+$0x10] =	vst v1  }
0x28: {  	[tilespmem:s18+$0x0] =	vst v1  }
0x29: {  	[tilespmem:s18+$0xFFFFFFF0] =	vst v1  }
0x2a: {  	[tilespmem:s18+$0xFFFFFFE0] =	vst v1  }
0x2b: {  	[tilespmem:s18+$0xFFFFFFD0] =	vst v1  }
0x2c: {  	v2 =	vld [tilespmem:$0xC600]  }
0x2d: {  	v3 =	vld [tilespmem:$0xC610]  }
0x2e: {  	v4 =	vld [tilespmem:$0xC620]  }
0x2f: {  	v5 =	vld [tilespmem:$0xC630]  }
0x30: {  	v6 =	vld [tilespmem:$0xC640]  }
0x31: {  	v7 =	vld [tilespmem:$0xC650]  }
0x32: {  	v8 =	vld [tilespmem:$0xC660]  }
0x33: {  	v9 =	vld [tilespmem:$0xC670]  }
0x34: {  	v10 =	vld [tilespmem:$0xC680]  }
0x35: {  	v11 =	vld [tilespmem:$0xC690]  }
0x36: {  	v12 =	vld [tilespmem:$0xC6A0]  }
0x37: {  	v13 =	vld [tilespmem:$0xC6B0]  }
0x38: {  	v14 =	vld [tilespmem:$0xC6C0]  }
0x39: {  	v15 =	vld [tilespmem:$0xC6D0]  }
0x3a: {  	v16 =	vld [tilespmem:$0xC6E0]  }
0x3b: {  	v17 =	vld [tilespmem:$0xC6F0]  }
0x3c: {  	v22 =	vld [tilespmem:$0xC700]  }
0x3d: {  	v23 =	vld [tilespmem:$0xC780]  }
0x3e: {  	v24 =	vld [tilespmem:$0xC710]  }
0x3f: {  	v25 =	vld [tilespmem:$0xC790]  }
0x40: {  	v26 =	vld [tilespmem:$0xC720]  }
0x41: {  	v27 =	vld [tilespmem:$0xC7A0]  }
0x42: {  	v28 =	vld [tilespmem:$0xC730]  }
0x43: {  	v29 =	vld [tilespmem:$0xC7B0]  }
0x44: {  	v30 =	vld [tilespmem:$0xC740]  }
0x45: {  	v31 =	vld [tilespmem:$0xC7C0]  }
0x46: {  	v32 =	vld [tilespmem:$0xC750]  }
0x47: {  	v33 =	vld [tilespmem:$0xC7D0]  }
0x48: {  	v34 =	vld [tilespmem:$0xC760]  }
0x49: {  	v35 =	vld [tilespmem:$0xC7E0]  }
0x4a: {  	v36 =	vld [tilespmem:$0xC770]  }
0x4b: {  	v37 =	vld [tilespmem:$0xC7F0]  }
0x4c: {  	v18 =	vld [tilespmem:$0xC800]  }
0x4d: {  	v19 =	vld [tilespmem:$0xC810]  }
0x4e: {  	v20 =	vld [tilespmem:$0xC820]  }
.Ltmp3:
0x4f: {  	v21 =	vld [tilespmem:$0xC830];
	(pc) =	sbr.rel .LBB2_4-.Ltmp3, $4  }
0x50: {  	[tilespmem:$0xC380] =	vst v1;
	v22 =	vadd.f32 v23, v22;
	v23 =	vadd.f32 v25, v24;
	v24 =	vld [tilespmem:$0xC840]  }
0x51: {  	[tilespmem:$0xC390] =	vst v1;
	v25 =	vadd.f32 v27, v26;
	v26 =	vadd.f32 v29, v28;
	v27 =	vld [tilespmem:$0xC850]  }
0x52: {  	[tilespmem:$0xC3A0] =	vst v1;
	v28 =	vadd.f32 v31, v30;
	v29 =	vadd.f32 v33, v32;
	v30 =	vld [tilespmem:$0xC860]  }
0x53: {  	s18 =	simm.s32 $0x0;
	s19 =	simm.s32 $0x0;
	[tilespmem:$0xC3B0] =	vst v1;
	v31 =	vadd.f32 v35, v34;
	v32 =	vadd.f32 v37, v36;
	v33 =	vld [tilespmem:$0xC870]  }
.LBB2_22:
0x54: {  	s19 =	sadd.s32 $0x1, s19  }
0x55: {  	p0 =	sne.s32 s19, $0x35  }
.Ltmp4:
0x56: {  	_ = 	snop;
	(pc) =	sbr.rel @!p0 .LBB2_23-.Ltmp4, $1  }
0x57: {  	_ =	sdelay $0x3  }
.LBB2_4:
0x58: {  	s20 =	smul.u32 $0xC0, s19;
	_ =	sdelay $0x1  }
0x59: {  	s21 =	sadd.s32 s7, s20  }
0x5a: {  	s21 =	sshrl.u32 s21, $0x3  }
0x5b: {  	s22 =	sadd.s32 s4, s21  }
0x5c: {  	[tilespmem:s12], [sflag:$0x1] =	stream.linear.gather [hbm4b:s22+s18], $0xC0, $0x38;
	[tilespmem:$0xC880] =	vst v63  }
0x5d: {  	s21 =	sadd.s32 s5, s21  }
0x5e: {  	[tilespmem:s13], [sflag:$0x2] =	stream.linear.gather [hbm4b:s21+s18], $0xC0, $0x38;
	[tilespmem:$0xC880] =	vst v63  }
0x5f: {  	_ =	swait.ge [sflag:s14], $0xC0  }
.Ltmp5:
0x60: {  	[sflag:s14] =	ssyncset.done $0x0;
	(pc) =	sbr.rel .LBB2_5-.Ltmp5, $4  }
0x61: {  	[sflag:s14] =	ssyncadd.s32 $0xFFFFFF40  }
0x62: {  	_ =	swait.ge [sflag:s15], $0xC0  }
0x63: {  	[sflag:s15] =	ssyncset.done $0x0  }
0x64: {  	s21 =	simm.s32 $0x0;
	[sflag:s15] =	ssyncadd.s32 $0xFFFFFF40  }
.LBB2_15:
0x65: {  	_ = 	snop  }
.LBB2_20:
0x66: {  	_ =	sdelay $0x4  }
0x67: {  	[tilespmem:v42+s16+$0x0] =	vst.idx.add.f32.msk @p0 vm0, v36  }
0x68: {  	[tilespmem:v35+s16+$0x0] =	vst.idx.add.f32.msk vm3, v37  }
0x69: {  	[tilespmem:v40+s16+$0x0] =	vst.idx.add.f32.msk vm1, v39  }
0x6a: {  	[tilespmem:v41+s16+$0x0] =	vst.idx.add.f32.msk vm2, v38  }
0x6b: {  	vm4 =	vmmov vm3;
	[tilespmem:v42+s16+$0x0] =	vst.idx.add.f32.msk vm3, v36  }
.LBB2_21:
0x6c: {  	p0 =	slt.u32 s21, $0xA  }
.Ltmp6:
0x6d: {  	_ = 	snop;
	(pc) =	sbr.rel @!p0 .LBB2_22-.Ltmp6, $3  }
0x6e: {  	_ =	sdelay $0x1  }
0x6f: {  	s22 =	sadd.s32 $0x2, s21  }
0x70: {  	s21 =	smov.u32 s22  }
.LBB2_5:
0x71: {  	s22 =	sshll.u32 s21, $0x4  }
0x72: {  	v34 =	vld [tilespmem:s22+$0xC400]  }
0x73: {  	v35 =	vld [tilespmem:s22+$0xC500];
	_ =	sdelay $0x3  }
0x74: {  	s23 =	sadd.s32 s20, s22  }
0x75: {  	v41 =	vmov s23;
	v38 =	vadd.s32 s23, v0  }
0x76: {  	vm0 =	vlt.u32 v41, $0x2710;
	vm1 =	vlt.u32 v38, $0x4E200  }
0x77: {  	vm0 =	vmand vm0, vm1;
	v36 =	vld.idx.msk [tilespmem:v34+s2+$0x0], $0xffff  }
0x78: {  	(xrf1) =	vunique.msk.u32 vm0, v35;
	v37 =	vld.idx.msk [tilespmem:v35+s2+$0x0], $0xffff;
	_ =	sdelay $0x4  }
0x79: {  	v42 =	vmul.f32 v36, v2;
	v43 =	vmul.f32 v37, v10;
	_ =	sdelay $0x1  }
0x7a: {  	v34 =	vadd.f32 v43, v42  }
0x7b: {  	v44 =	vmul.f32 v36, v3;
	v39 =	vmul.f32 v37, v11  }
0x7c: {  	v40 =	vmul.f32 v36, v4;
	v41 =	vmul.f32 v37, v12;
	v34 =	vadd.f32 v34, v22  }
0x7d: {  	v47 =	vmul.f32 v36, v5;
	v49 =	vmul.f32 v36, v6  }
0x7e: {  	v50 =	vmul.f32 v36, v7;
	v51 =	vmul.f32 v37, v15  }
0x7f: {  	v55 =	vmul.f32 v36, v9;
	v38 =	vadd.f32 v39, v44;
	v46 =	vmul.f32 $2.000000030e-01, v34  }
0x80: {  	v45 =	vadd.f32 v41, v40;
	v42 =	vmul.f32 v37, v13;
	vm1 =	vge.f32 v34, $0.0e+00  }
0x81: {  	v44 =	vmul.f32 v37, v14;
	v38 =	vadd.f32 v38, v23;
	v40 =	vsel vm1, v34, v46;
	_, v34, _ =	vpop (xrf1)  }
0x82: {  	v39 =	vadd.f32 v45, v25;
	v41 =	vadd.f32 v42, v47;
	v52 =	vxor.u32 $0x80000000, v34  }
0x83: {  	v42 =	vadd.f32 v44, v49;
	v45 =	vmul.f32 v36, v8;
	v44 =	vnsel vm0, $0x80000000, v52  }
0x84: {  	v48 =	vmul.f32 $2.000000030e-01, v38;
	v43 =	vmul.f32 $2.000000030e-01, v39;
	vm2 =	vge.f32 v39, $0.0e+00;
	(xrf0) =	vmax.scan.msk.u32 $0xffff, v44  }
0x85: {  	v41 =	vadd.f32 v41, v26;
	v42 =	vadd.f32 v42, v28;
	vm1 =	vge.f32 v38, $0.0e+00  }
0x86: {  	v39 =	vsel vm2, v39, v43;
	v46 =	vmul.f32 v37, v16;
	v43 =	vadd.f32 v51, v50  }
0x87: {  	v47 =	vmul.f32 $2.000000030e-01, v41;
	vm2 =	vge.f32 v42, $0.0e+00;
	v53 =	vmul.f32 $2.000000030e-01, v42  }
0x88: {  	v37 =	vmul.f32 v37, v17;
	v38 =	vsel vm1, v38, v48;
	vm1 =	vge.f32 v41, $0.0e+00  }
0x89: {  	v40 =	vmul.f32 v40, v18;
	v45 =	vadd.f32 v46, v45;
	v43 =	vadd.f32 v43, v29  }
0x8a: {  	v39 =	vmul.f32 v39, v20;
	v41 =	vsel vm1, v41, v47;
	v37 =	vadd.f32 v37, v55;
	v60, _, _ =	vpop (xrf0)  }
0x8b: {  	v54 =	vadd.f32 v45, v31;
	v56 =	vmul.f32 $2.000000030e-01, v43;
	(v2sf) =	vpush v60, $0xF  }
0x8c: {  	v42 =	vsel vm2, v42, v53;
	v38 =	vmul.f32 v38, v19;
	vm1 =	vge.f32 v43, $0.0e+00  }
0x8d: {  	v37 =	vadd.f32 v37, v32;
	v57 =	vmul.f32 $2.000000030e-01, v54;
	v43 =	vsel vm1, v43, v56  }
0x8e: {  	v58 =	vmul.f32 v42, v24;
	vm2 =	vge.f32 v54, $0.0e+00;
	v59 =	vmul.f32 v43, v27  }
0x8f: {  	v38 =	vadd.f32 v38, v40;
	v61 =	vmul.f32 $2.000000030e-01, v37;
	v44 =	vsel vm2, v54, v57  }
0x90: {  	vm1 =	vge.f32 v37, $0.0e+00;
	v40 =	vadd.f32 v59, v58;
	v62 =	vmul.f32 v44, v30  }
0x91: {  	v63 =	vmul.f32 v41, v21;
	v38 =	vadd.f32 v38, v39;
	v37 =	vsel vm1, v37, v61  }
0x92: {  	v37 =	vmul.f32 v37, v33;
	v40 =	vadd.f32 v40, v62  }
0x93: {  	v38 =	vadd.f32 v38, v63  }
0x94: {  	v37 =	vadd.f32 v40, v37  }
0x95: {  	v38 =	vmul.f32 $1.442695020e+00, v38  }
0x96: {  	v37 =	vmul.f32 $1.442695020e+00, v37  }
0x97: {  	(erf) = vpow2.f32 v38  }
0x98: {  	(erf) = vpow2.f32 v37;
	_ =	sdelay $0x1  }
0x99: {  	s23 =	spop (v2sf)  }
0x9a: {  	s24 =	sadd.s32 $0x80000001, s23  }
0x9b: {  	p0 =	slt.s32 s24, $0x2  }
.Ltmp7:
0x9c: {  	_ = 	snop;
	(pc) =	sbr.rel @p0 .LBB2_13-.Ltmp7, $3  }
0x9d: {  	_ =	sdelay $0x1  }
0x9e: {  	v37 =	vpop (erf)  }
0x9f: {  	v38 =	vpop (erf)  }
0xa0: {  	s24 =	simm.s32 $0x1  }
0xa1: {  	vm1 =	veq.s32 v34, s24  }
0xa2: {  	p1 =	sne.s32 s23, $0x80000001;
	vm3 =	vmand vm0, vm1  }
.Ltmp8:
0xa3: {  	v35 =	vshll.u32 v35, $0x2;
	vm2 =	vmmov vm3;
	(pc) =	sbr.rel @!p1 .LBB2_7-.Ltmp8, $3  }
0xa4: {  	v42 =	vor.u32 $0x3, v35;
	_ =	sdelay $0x1  }
0xa5: {  	v39 =	vmul.f32 v37, v36;
	v36 =	vmul.f32 v38, v36  }
0xa6: {  	p0 =	por $0x0, $0x0;
	v40 =	vor.u32 $0x1, v35;
	v41 =	vor.u32 $0x2, v35;
	vm1 =	vmmov vm3  }
0xa7: {  	_ =	sdelay $0x1  }
0xa8: {  	p1 =	sne.s32 s23, $0x80000002  }
.Ltmp9:
0xa9: {  	_ = 	snop;
	(pc) =	sbr.rel @!p1 .LBB2_9-.Ltmp9, $4  }
0xaa: {  	s24 =	simm.s32 $0x2  }
0xab: {  	[tilespmem:v35+s16+$0x0] =	vst.idx.add.f32.msk vm3, v37;
	vm4 =	veq.s32 v34, s24  }
0xac: {  	[tilespmem:v40+s16+$0x0] =	vst.idx.add.f32.msk vm1, v39;
	vm3 =	vmand vm0, vm4  }
0xad: {  	p0 =	por $0x1, $0x1;
	s24 =	simm.s32 $0x80000002;
	[tilespmem:v41+s16+$0x0] =	vst.idx.add.f32.msk vm2, v38;
	vm1 =	vmmov vm3;
	vm4 =	vmmov vm3  }
.LBB2_10:
0xae: {  	s25 =	smov.u32 s24;
	s24 =	sadd.s32 $0x1, s24  }
0xaf: {  	[tilespmem:v42+s16+$0x0] =	vst.idx.add.f32.msk vm2, v36;
	vm2 =	vmmov vm3;
	p1 =	sne.s32 s23, s24  }
.Ltmp10:
0xb0: {  	s25 =	sadd.s32 $0x80000001, s25;
	(pc) =	sbr.rel @p1 .LBB2_10-.Ltmp10, $4  }
0xb1: {  	vm5 =	veq.s32 v34, s25  }
0xb2: {  	[tilespmem:v35+s16+$0x0] =	vst.idx.add.f32.msk vm3, v37;
	vm3 =	vmand vm0, vm5  }
0xb3: {  	[tilespmem:v40+s16+$0x0] =	vst.idx.add.f32.msk vm1, v39;
	vm1 =	vmmov vm3  }
0xb4: {  	[tilespmem:v41+s16+$0x0] =	vst.idx.add.f32.msk vm4, v38;
	vm4 =	vmmov vm3  }
0xb5: {  	vm0 =	vmmov vm2;
	vm2 =	vmmov vm4  }
.LBB2_12:
0xb6: {  	_ =	sdelay $0x4  }
0xb7: {  	[tilespmem:v42+s16+$0x0] =	vst.idx.add.f32.msk @p0 vm0, v36  }
0xb8: {  	[tilespmem:v35+s16+$0x0] =	vst.idx.add.f32.msk vm3, v37  }
0xb9: {  	[tilespmem:v40+s16+$0x0] =	vst.idx.add.f32.msk vm1, v39  }
0xba: {  	[tilespmem:v41+s16+$0x0] =	vst.idx.add.f32.msk vm2, v38  }
0xbb: {  	vm4 =	vmmov vm3;
	[tilespmem:v42+s16+$0x0] =	vst.idx.add.f32.msk vm3, v36  }
.LBB2_13:
0xbc: {  	v34 =	vld [tilespmem:s22+$0xC410]  }
0xbd: {  	v35 =	vld [tilespmem:s22+$0xC510];
	_ =	sdelay $0x2  }
0xbe: {  	s31 =	sadd.s32 s22, s20  }
0xbf: {  	s22 =	sadd.s32 $0x10, s31  }
0xc0: {  	v41 =	vmov s22;
	v38 =	vadd.s32 s22, v0  }
0xc1: {  	vm0 =	vlt.u32 v41, $0x2710;
	vm1 =	vlt.u32 v38, $0x4E200  }
0xc2: {  	vm0 =	vmand vm0, vm1;
	v36 =	vld.idx.msk [tilespmem:v34+s2+$0x0], $0xffff  }
0xc3: {  	(xrf1) =	vunique.msk.u32 vm0, v35;
	v37 =	vld.idx.msk [tilespmem:v35+s2+$0x0], $0xffff;
	_ =	sdelay $0x4  }
0xc4: {  	v42 =	vmul.f32 v36, v2;
	v43 =	vmul.f32 v37, v10;
	_ =	sdelay $0x1  }
0xc5: {  	v34 =	vadd.f32 v43, v42  }
0xc6: {  	v44 =	vmul.f32 v36, v3;
	v39 =	vmul.f32 v37, v11  }
0xc7: {  	v40 =	vmul.f32 v36, v4;
	v41 =	vmul.f32 v37, v12;
	v34 =	vadd.f32 v34, v22  }
0xc8: {  	v47 =	vmul.f32 v36, v5;
	v49 =	vmul.f32 v36, v6  }
0xc9: {  	v50 =	vmul.f32 v36, v7;
	v51 =	vmul.f32 v37, v15  }
0xca: {  	v55 =	vmul.f32 v36, v9;
	v38 =	vadd.f32 v39, v44;
	v46 =	vmul.f32 $2.000000030e-01, v34  }
0xcb: {  	v45 =	vadd.f32 v41, v40;
	v42 =	vmul.f32 v37, v13;
	vm1 =	vge.f32 v34, $0.0e+00  }
0xcc: {  	v44 =	vmul.f32 v37, v14;
	v38 =	vadd.f32 v38, v23;
	v40 =	vsel vm1, v34, v46;
	_, v34, _ =	vpop (xrf1)  }
0xcd: {  	v39 =	vadd.f32 v45, v25;
	v41 =	vadd.f32 v42, v47;
	v52 =	vxor.u32 $0x80000000, v34  }
0xce: {  	v42 =	vadd.f32 v44, v49;
	v45 =	vmul.f32 v36, v8;
	v44 =	vnsel vm0, $0x80000000, v52  }
0xcf: {  	v48 =	vmul.f32 $2.000000030e-01, v38;
	v43 =	vmul.f32 $2.000000030e-01, v39;
	vm2 =	vge.f32 v39, $0.0e+00;
	(xrf0) =	vmax.scan.msk.u32 $0xffff, v44  }
0xd0: {  	v41 =	vadd.f32 v41, v26;
	v42 =	vadd.f32 v42, v28;
	vm1 =	vge.f32 v38, $0.0e+00  }
0xd1: {  	v39 =	vsel vm2, v39, v43;
	v46 =	vmul.f32 v37, v16;
	v43 =	vadd.f32 v51, v50  }
0xd2: {  	v47 =	vmul.f32 $2.000000030e-01, v41;
	vm2 =	vge.f32 v42, $0.0e+00;
	v53 =	vmul.f32 $2.000000030e-01, v42  }
0xd3: {  	v37 =	vmul.f32 v37, v17;
	v38 =	vsel vm1, v38, v48;
	vm1 =	vge.f32 v41, $0.0e+00  }
0xd4: {  	v40 =	vmul.f32 v40, v18;
	v45 =	vadd.f32 v46, v45;
	v43 =	vadd.f32 v43, v29  }
0xd5: {  	v39 =	vmul.f32 v39, v20;
	v41 =	vsel vm1, v41, v47;
	v37 =	vadd.f32 v37, v55;
	v60, _, _ =	vpop (xrf0)  }
0xd6: {  	v54 =	vadd.f32 v45, v31;
	v56 =	vmul.f32 $2.000000030e-01, v43;
	(v2sf) =	vpush v60, $0xF  }
0xd7: {  	v42 =	vsel vm2, v42, v53;
	v38 =	vmul.f32 v38, v19;
	vm1 =	vge.f32 v43, $0.0e+00  }
0xd8: {  	v37 =	vadd.f32 v37, v32;
	v57 =	vmul.f32 $2.000000030e-01, v54;
	v43 =	vsel vm1, v43, v56  }
0xd9: {  	v58 =	vmul.f32 v42, v24;
	vm2 =	vge.f32 v54, $0.0e+00;
	v59 =	vmul.f32 v43, v27  }
0xda: {  	v38 =	vadd.f32 v38, v40;
	v61 =	vmul.f32 $2.000000030e-01, v37;
	v44 =	vsel vm2, v54, v57  }
0xdb: {  	vm1 =	vge.f32 v37, $0.0e+00;
	v40 =	vadd.f32 v59, v58;
	v62 =	vmul.f32 v44, v30  }
0xdc: {  	v63 =	vmul.f32 v41, v21;
	v38 =	vadd.f32 v38, v39;
	v37 =	vsel vm1, v37, v61  }
0xdd: {  	v37 =	vmul.f32 v37, v33;
	v40 =	vadd.f32 v40, v62  }
0xde: {  	v38 =	vadd.f32 v38, v63  }
0xdf: {  	v37 =	vadd.f32 v40, v37  }
0xe0: {  	v38 =	vmul.f32 $1.442695020e+00, v38  }
0xe1: {  	v37 =	vmul.f32 $1.442695020e+00, v37  }
0xe2: {  	(erf) = vpow2.f32 v38  }
0xe3: {  	(erf) = vpow2.f32 v37;
	_ =	sdelay $0x1  }
0xe4: {  	s22 =	spop (v2sf)  }
0xe5: {  	s23 =	sadd.s32 $0x80000001, s22  }
0xe6: {  	p0 =	slt.s32 s23, $0x2  }
.Ltmp11:
0xe7: {  	_ = 	snop;
	(pc) =	sbr.rel @p0 .LBB2_21-.Ltmp11, $3  }
0xe8: {  	_ =	sdelay $0x1  }
0xe9: {  	v37 =	vpop (erf)  }
0xea: {  	v38 =	vpop (erf)  }
0xeb: {  	s23 =	simm.s32 $0x1  }
0xec: {  	vm1 =	veq.s32 v34, s23  }
0xed: {  	p1 =	sne.s32 s22, $0x80000001;
	vm3 =	vmand vm0, vm1  }
.Ltmp12:
0xee: {  	v35 =	vshll.u32 v35, $0x2;
	vm2 =	vmmov vm3;
	(pc) =	sbr.rel @!p1 .LBB2_15-.Ltmp12, $3  }
0xef: {  	v42 =	vor.u32 $0x3, v35;
	_ =	sdelay $0x1  }
0xf0: {  	v39 =	vmul.f32 v37, v36;
	v36 =	vmul.f32 v38, v36  }
0xf1: {  	p0 =	por $0x0, $0x0;
	v40 =	vor.u32 $0x1, v35;
	v41 =	vor.u32 $0x2, v35;
	vm1 =	vmmov vm3  }
0xf2: {  	_ =	sdelay $0x1  }
0xf3: {  	p1 =	sne.s32 s22, $0x80000002  }
.Ltmp13:
0xf4: {  	_ = 	snop;
	(pc) =	sbr.rel @!p1 .LBB2_17-.Ltmp13, $4  }
0xf5: {  	s23 =	simm.s32 $0x2  }
0xf6: {  	[tilespmem:v35+s16+$0x0] =	vst.idx.add.f32.msk vm3, v37;
	vm4 =	veq.s32 v34, s23  }
0xf7: {  	[tilespmem:v40+s16+$0x0] =	vst.idx.add.f32.msk vm1, v39;
	vm3 =	vmand vm0, vm4  }
0xf8: {  	p0 =	por $0x1, $0x1;
	s23 =	simm.s32 $0x80000002;
	[tilespmem:v41+s16+$0x0] =	vst.idx.add.f32.msk vm2, v38;
	vm1 =	vmmov vm3;
	vm4 =	vmmov vm3  }
.LBB2_18:
0xf9: {  	s24 =	smov.u32 s23;
	s23 =	sadd.s32 $0x1, s23  }
0xfa: {  	[tilespmem:v42+s16+$0x0] =	vst.idx.add.f32.msk vm2, v36;
	vm2 =	vmmov vm3;
	p1 =	sne.s32 s22, s23  }
.Ltmp14:
0xfb: {  	s24 =	sadd.s32 $0x80000001, s24;
	(pc) =	sbr.rel @p1 .LBB2_18-.Ltmp14, $4  }
0xfc: {  	vm5 =	veq.s32 v34, s24  }
0xfd: {  	[tilespmem:v35+s16+$0x0] =	vst.idx.add.f32.msk vm3, v37;
	vm3 =	vmand vm0, vm5  }
0xfe: {  	[tilespmem:v40+s16+$0x0] =	vst.idx.add.f32.msk vm1, v39;
	vm1 =	vmmov vm3  }
0xff: {  	[tilespmem:v41+s16+$0x0] =	vst.idx.add.f32.msk vm4, v38;
	vm4 =	vmmov vm3  }
.Ltmp15:
0x100: {  	(pc) =	sbr.rel .LBB2_20-.Ltmp15, $2  }
0x101: {  	_ =	sdelay $0x2  }
0x102: {  	vm0 =	vmmov vm2;
	vm2 =	vmmov vm4  }
.LBB2_7:
.Ltmp16:
0x103: {  	(pc) =	sbr.rel .LBB2_12-.Ltmp16, $2  }
0x104: {  	_ =	sdelay $0x2  }
0x105: {  	_ = 	snop  }
.LBB2_9:
.Ltmp17:
0x106: {  	(pc) =	sbr.rel .LBB2_12-.Ltmp17, $2  }
0x107: {  	_ =	sdelay $0x2  }
0x108: {  	vm0 =	vmmov vm2;
	vm2 =	vmmov vm4  }
.LBB2_17:
.Ltmp18:
0x109: {  	(pc) =	sbr.rel .LBB2_20-.Ltmp18, $2  }
0x10a: {  	_ =	sdelay $0x2  }
0x10b: {  	vm0 =	vmmov vm2;
	vm2 =	vmmov vm4  }
.LBB2_24:
0x10c: {  	_ =	sfence.sel $0x180000  }
0x10d: {  	[bflag:$0x0] =	sbarrier.arrive $0xFFFF  }
0x10e: {  	p0 =	sne.s32 s1, $0x0;
	_ =	strace $0x9000004A  }
0x10f: {  	s0 =	sadd.s32 @!p0 $0x100000, s0;
	[bflag:$0x2] =	sbarrier.arrive $0xFFFF  }
0x110: {  	[sflag:s0] =	ssyncadd.tile.s32 @!p0 $0x1;
	_ =	shalt  }
.Lfunc_end2:
_tile_overlayer_lowered:
.L_overlay_start_2:
0x111: {  	(tag) =	ssettag $0x2  }
0x112: {  	s0 =	rddreg [dreg:$0x0];
	s2 =	stileid.u32  }
0x113: {  	s1 =	rddreg [dreg:$0x1];
	p0 =	sne.s32 s2, $0x0  }
0x114: {  	s3 =	rddreg [dreg:$0x2];
	[bflag:$0x3] =	sbarrier.arrive $0xFFFF;
	s2 =	simm.s32 @!p0 $0x1C03  }
0x115: {  	[timem:s3], [sflag:s2] =	dma.local @!p0 [hbm:s0], s1  }
0x116: {  	s0 =	simm.s32 @!p0 $0x3  }
0x117: {  	_ =	swait.ge @!p0 [sflag:s0], s1  }
0x118: {  	s1 =	ssub.s32 @!p0 $0x0, s1;
	[sflag:s0] =	ssyncset.done @!p0 $0x0  }
0x119: {  	[sflag:s0] =	ssyncadd.s32 @!p0 s1  }
0x11a: {  	[bflag:$0x3] =	sbarrier.arrive $0xFFFF  }
0x11b: {  	_ =	shalt  }

// kernel: kernel.7.cloned.1.call-start
scs
__scs_entry_jumppad:
0x0: {  	(pc) =	sbr.rel $0x88, $3  }
0x1: {  	(tag) =	ssettag $0x0;
	lr =	simm.s32 $0x1  }
0x2: {  	[smem:$0x3F89] =	sst lr;
	_ =	strace $0xD0000000  }
0x3: {  	_ = 	snop  }
0x4: {  	_ = 	snop  }
0x5: {  	_ = 	snop  }
0x6: {  	_ = 	snop  }
0x7: {  	_ = 	snop  }
__scs_overlays_trampoline_lowered:
0x8: {  	[smem:$0x3F98] =	sst s0  }
0x9: {  	[smem:$0x3F99] =	sst s1  }
0xa: {  	[smem:$0x3F9A] =	sst s2  }
0xb: {  	[smem:$0x3F9B] =	sst s3  }
0xc: {  	[smem:$0x3F9C] =	sst s4  }
0xd: {  	[smem:$0x3F9D] =	sst s5  }
0xe: {  	[smem:$0x3F9E] =	sst s6  }
0xf: {  	[smem:$0x3F9F] =	sst s7  }
0x10: {  	[smem:$0x3FA0] =	sst s8  }
0x11: {  	[smem:$0x3FA1] =	sst s9;
	s0 =	simm.s32 @!p0 $0x0  }
0x12: {  	s1 =	sld [smem:$0x3F87];
	s0 =	simm.s32 @p0 $0x1  }
0x13: {  	[smem:$0x3FA2] =	sst s0;
	s0 =	simm.s32 @!p1 $0x0  }
0x14: {  	s2 =	sld [smem:$0x3F86];
	s0 =	simm.s32 @p1 $0x1  }
0x15: {  	[smem:$0x3FA3] =	sst s0;
	s0 =	simm.s32 @!p2 $0x0  }
0x16: {  	s3 =	sld [smem:$0x3FDB];
	s0 =	simm.s32 @p2 $0x1  }
0x17: {  	s4 =	simm.s32 $0x1BF5;
	[smem:$0x3FA5] =	sst s0  }
0x18: {  	s0 =	sld [smem:$0x3F88];
	_ =	swait.ge [sflag:s4], $0x0  }
0x19: {  	s7 =	sld [smem:$0x3F89]  }
0x1a: {  	s8 =	sadd.s32 $0xFFFFE003, lr  }
0x1b: {  	s9 =	sadd.s32 $0xFFFFFEF7, lr;
	s5 =	simm.s32 $0xFFFFFFFF;
	p2 =	slt.u32 s8, $0xFFFFF086  }
0x1c: {  	p1 =	slt.u32 s9, $0xF7A;
	s5 =	simm.s32 @!p2 $0x0  }
0x1d: {  	s5 =	simm.s32 @p1 $0x1;
	p0 =	seq.s32 s7, s2  }
0x1e: {  	s7 =	smul.u32 @!p0 $0xF7A, s2;
	p2 =	seq.s32 @!p0 s5, $0x0  }
0x1f: {  	s9 =	smul.u32 $0xF7A, s1;
	s8 =	simm.s32 @!p0 $0x1BF5;
	p2 =	por !p2, p0  }
0x20: {  	[sflag:s8] =	ssyncset.s32 @!p0 $0xFFFFF086;
	s6 =	sadd.s32 @!p0 s3, s7;
	s7 =	simm.s32 @!p0 $0x108  }
0x21: {  	s3 =	sadd.s32 s3, s9;
	s6 =	sadd.s32 @!p0 $0x88, s6;
	s7 =	simm.s32 @p2 $0x1082  }
0x22: {  	[simem:s7], [sflag:s8] =	dma.local @!p0 [hbm:s6], $0xF7A  }
0x23: {  	s9 =	sor.u32 $0xD0000000, s2;
	s6 =	simm.s32 $0x108;
	_ =	swait.ge @!p0 [sflag:s8], $0x0  }
0x24: {  	s3 =	sadd.s32 $0x88, s3;
	s6 =	simm.s32 @!p1 $0x1082;
	[sflag:s4] =	ssyncset.s32 $0xFFFFF086  }
0x25: {  	[simem:s6], [sflag:s4] =	dma.local [hbm:s3], $0xF7A  }
0x26: {  	[smem:$0x3F89] =	sst s1;
	(tag) =	ssettag s2;
	_ =	strace s9  }
0x27: {  	s1 =	sld [smem:$0x3F99]  }
0x28: {  	s2 =	sld [smem:$0x3F9A]  }
0x29: {  	s4 =	sld [smem:$0x3F9C]  }
0x2a: {  	p0 =	seq.s32 s5, $0x0;
	s5 =	sld [smem:$0x3F9D]  }
0x2b: {  	s6 =	sld [smem:$0x3F9E]  }
0x2c: {  	s7 =	sld [smem:$0x3F9F]  }
0x2d: {  	s3 =	simm.s32 $0x108;
	s8 =	sld [smem:$0x3FA0]  }
0x2e: {  	s3 =	simm.s32 @!p0 $0x1082;
	s9 =	sld [smem:$0x3FA1]  }
0x2f: {  	lr =	sadd.s32 s0, s3;
	s0 =	sld [smem:$0x3F98]  }
0x30: {  	s3 =	sld [smem:$0x3F9B]  }
0x31: {  	[smem:$0x3FA4] =	sst s10  }
0x32: {  	s10 =	sld [smem:$0x3FA2];
	_ =	sdelay $0x3  }
0x33: {  	p0 =	seq.s32 s10, $0x1;
	s10 =	sld [smem:$0x3FA4];
	_ =	sdelay $0x3  }
0x34: {  	[smem:$0x3FA4] =	sst s10  }
0x35: {  	s10 =	sld [smem:$0x3FA3];
	_ =	sdelay $0x3  }
0x36: {  	p1 =	seq.s32 s10, $0x1;
	s10 =	sld [smem:$0x3FA4];
	_ =	sdelay $0x3  }
0x37: {  	[smem:$0x3FA4] =	sst s10  }
0x38: {  	s10 =	sld [smem:$0x3FA5]  }
0x39: {  	_ = 	snop;
	(pc) =	sbr.ind lr, $3  }
0x3a: {  	_ = 	snop  }
0x3b: {  	_ = 	snop  }
0x3c: {  	p2 =	seq.s32 s10, $0x1;
	s10 =	sld [smem:$0x3FA4]  }
0x3d: {  	_ =	shalt  }
0x3e: {  	_ =	shalt  }
0x3f: {  	_ =	shalt  }
0x40: {  	_ =	shalt  }
0x41: {  	_ =	shalt  }
0x42: {  	_ =	shalt  }
0x43: {  	_ =	shalt  }
0x44: {  	_ =	shalt  }
0x45: {  	_ =	shalt  }
0x46: {  	_ =	shalt  }
0x47: {  	_ =	shalt  }
0x48: {  	_ =	shalt  }
0x49: {  	_ =	shalt  }
0x4a: {  	_ =	shalt  }
0x4b: {  	_ =	shalt  }
0x4c: {  	_ =	shalt  }
0x4d: {  	_ =	shalt  }
0x4e: {  	_ =	shalt  }
0x4f: {  	_ =	shalt  }
0x50: {  	_ =	shalt  }
0x51: {  	_ =	shalt  }
0x52: {  	_ =	shalt  }
0x53: {  	_ =	shalt  }
0x54: {  	_ =	shalt  }
0x55: {  	_ =	shalt  }
0x56: {  	_ =	shalt  }
0x57: {  	_ =	shalt  }
0x58: {  	_ =	shalt  }
0x59: {  	_ =	shalt  }
0x5a: {  	_ =	shalt  }
0x5b: {  	_ =	shalt  }
0x5c: {  	_ =	shalt  }
0x5d: {  	_ =	shalt  }
0x5e: {  	_ =	shalt  }
0x5f: {  	_ =	shalt  }
0x60: {  	_ =	shalt  }
0x61: {  	_ =	shalt  }
0x62: {  	_ =	shalt  }
0x63: {  	_ =	shalt  }
0x64: {  	_ =	shalt  }
0x65: {  	_ =	shalt  }
0x66: {  	_ =	shalt  }
0x67: {  	_ =	shalt  }
0x68: {  	_ =	shalt  }
0x69: {  	_ =	shalt  }
0x6a: {  	_ =	shalt  }
0x6b: {  	_ =	shalt  }
0x6c: {  	_ =	shalt  }
0x6d: {  	_ =	shalt  }
0x6e: {  	_ =	shalt  }
0x6f: {  	_ =	shalt  }
0x70: {  	_ =	shalt  }
0x71: {  	_ =	shalt  }
0x72: {  	_ =	shalt  }
0x73: {  	_ =	shalt  }
0x74: {  	_ =	shalt  }
0x75: {  	_ =	shalt  }
0x76: {  	_ =	shalt  }
0x77: {  	_ =	shalt  }
0x78: {  	_ =	shalt  }
0x79: {  	_ =	shalt  }
0x7a: {  	_ =	shalt  }
0x7b: {  	_ =	shalt  }
0x7c: {  	_ =	shalt  }
0x7d: {  	_ =	shalt  }
0x7e: {  	_ =	shalt  }
0x7f: {  	_ =	shalt  }
0x80: {  	_ =	shalt  }
0x81: {  	_ =	shalt  }
0x82: {  	_ =	shalt  }
0x83: {  	_ =	shalt  }
0x84: {  	_ =	shalt  }
0x85: {  	_ =	shalt  }
0x86: {  	_ =	shalt  }
0x87: {  	_ =	shalt  }
.Lfunc_end0:
.L_simem_size_0:
called_computation_lowered:
.L_overlay_start_0:
0x88: {  	s2 =	sld [smem:$0x3FD9]  }
0x89: {  	s3 =	sld [smem:$0x3FFE];
	_ =	sdelay $0x1  }
0x8a: {  	s1 =	srdreg.scid  }
0x8b: {  	s0 =	sand.u32 $0x1, s1  }
0x8c: {  	s16 =	sshll.u32 s0, $0xA;
	s2 =	sadd.s32 s3, s2  }
0x8d: {  	s2 =	sadd.s32 s2, s16  }
0x8e: {  	[smem:$0x3FB0] =	sst s2  }
0x8f: {  	_ = 	snop  }
0x90: {  	(tm) =	ssettm $0x1  }
0x91: {  	s17 =	sld [smem:$0x3FFB];
	_ =	sdelay $0x3  }
0x92: {  	_ =	strace s17  }
0x93: {  	s2 =	sld [smem:$0x3FFC];
	_ =	sdelay $0x3  }
0x94: {  	_ =	strace s2  }
0x95: {  	s2 =	sld [smem:$0x3FFD];
	_ =	sdelay $0x3  }
0x96: {  	_ =	strace s2  }
0x97: {  	_ =	strace $0x8FFFFFFF  }
0x98: {  	s18 =	sld [smem:$0x3FDB];
	_ =	sdelay $0x1  }
0x99: {  	s19 =	simm.s32 $_scs_section_size  }
0x9a: {  	s4 =	simm.s32 $_size__tile_overlayer_lowered;
	s5 =	simm.s32 $_tile_overlayer_lowered  }
0x9b: {  	s22 =	simm.s32 $0x1BFF;
	s21 =	sshll.u32 s5, $0x1;
	s2 =	sadd.s32 s19, s18  }
0x9c: {  	s6 =	simm.s32 $0x0;
	s20 =	sshll.u32 s4, $0x1;
	s4 =	sadd.s32 s21, s2  }
0x9d: {  	[timem:s6], [sflag:s22] =	dma.local [hbm:s4], s20  }
0x9e: {  	_ =	swait.ge [sflag:s22], s20  }
0x9f: {  	s3 =	ssub.s32 $0x0, s20;
	[sflag:s22] =	ssyncset.done $0x0  }
0xa0: {  	[sflag:s22] =	ssyncadd.s32 s3;
	_ =	sdelay $0x1  }
0xa1: {  	s23 =	simm.s32 $0x1B8B  }
0xa2: {  	_ =	swait.ge [sflag:s23], $0x1  }
0xa3: {  	[sflag:s23] =	ssyncset.done $0x0  }
0xa4: {  	s25 =	simm.s32 $0x1B8E;
	s24 =	sld [smem:$0x3FFE];
	[sflag:s23] =	ssyncadd.s32 $0xFFFFFFFF  }
0xa5: {  	s26 =	simm.s32 $execute0_lowered;
	[smem:$0x3FD2] =	sst s25  }
0xa6: {  	s4 =	sshll.u32 s26, $0x1;
	_ =	strace $0x80000046;
	[dreg:$0x1] =	wrdreg $0xFFFFFFFF  }
0xa7: {  	s28 =	simm.s32 $_size_execute0_lowered;
	s2 =	sadd.s32 s2, s4;
	[dreg:$0x0] =	wrdreg $0x0  }
0xa8: {  	s4 =	sshll.u32 s28, $0x1;
	[dreg:$0x2] =	wrdreg s2  }
0xa9: {  	[dreg:$0x3] =	wrdreg s4  }
0xaa: {  	[dreg:$0x4] =	wrdreg $0xC0  }
0xab: {  	_ =	task [dreg:s6], $0x5FFFF  }
0xac: {  	[dreg:$0x1] =	wrdreg $0xFFFFFFFF  }
0xad: {  	[dreg:$0x0] =	wrdreg $0x60  }
0xae: {  	[dreg:$0x2] =	wrdreg s24  }
0xaf: {  	[dreg:$0x3] =	wrdreg $0x9  }
0xb0: {  	_ =	task.clear_ibuf [dreg:s6], $0x4FFFF;
	_ =	strace $0x90000046  }
0xb1: {  	s29 =	simm.s32 $0x9;
	_ =	strace $0x80000048  }
0xb2: {  	_ =	swait.ge [sflag:s29], $0x1  }
0xb3: {  	[sflag:s29] =	ssyncadd.s32 $0xFFFFFFFF  }
0xb4: {  	_ =	strace $0x90000048  }
0xb5: {  	_ =	sfence  }
0xb6: {  	s30 =	sld [smem:$0x0];
	_ =	sdelay $0x2  }
0xb7: {  	s31 =	sshll.u32 s1, $0xD;
	s1 =	sshrl.u32 s1, $0x2  }
0xb8: {  	s3 =	sand.u32 $0x4000, s31;
	s1 =	sadd.s32 s1, s30  }
0xb9: {  	s0 =	sor.u32 s3, s0;
	s1 =	sshll.u32 s1, $0x11  }
0xba: {  	s0 =	sor.u32 s1, s0  }
0xbb: {  	s0 =	sadd.s32 $0x8F2B, s0  }
0xbc: {  	[sflag:s0] =	ssyncadd.remote.s32 $0x1  }
0xbd: {  	_ =	sfence.sel $0xFFFF  }
0xbe: {  	[dreg:$0x0] =	wrdreg $0xFFFFFFFF;
	(pc) =	sbr.abs _section_cstart, $3  }
0xbf: {  	[dreg:$0x1] =	wrdreg $0xFFFFFFFF  }
0xc0: {  	_ =	task.clear_ibuf [dreg:s6], $0x2FFFF;
	_ =	strace $0x9FFFFFFF  }
0xc1: {  	(tm) =	ssettm $0x7FFFFFFF  }
tec
execute0_lowered:
.L_overlay_start_1:
0x0: {  	(tag) =	ssettag $0x1  }
0x1: {  	s0 =	rddreg [dreg:$0x0]  }
0x2: {  	s1 =	srdreg.scid;
	s2 =	simm.s32 $0x0;
	s30 =	stileid.u32  }
0x3: {  	s11 =	simm.s32 $0x3;
	s13 =	simm.s32 $0x9C80;
	s14 =	simm.s32 $0x1FE90  }
0x4: {  	s15 =	simm.s32 $0x1FEA0;
	s16 =	simm.s32 $0x1FEB0;
	s17 =	simm.s32 $0x1FE80  }
0x5: {  	s18 =	simm.s32 $0x1FC80;
	s19 =	simm.s32 $0x1FD80;
	s20 =	simm.s32 $0x1  }
0x6: {  	s21 =	simm.s32 $0x2;
	s22 =	simm.s32 $0x13900;
	s23 =	simm.s32 $0x0  }
0x7: {  	s12 =	sand.u32 $0x1, s1;
	[smem:$0x7FF] =	sst s2;
	s5 =	sadd.s32 $0x17C00, s0  }
0x8: {  	s3 =	smul.u32 $0x1388, s12;
	s4 =	sshll.u32 s12, $0x4;
	_ =	strace $0x80000047  }
0x9: {  	s8 =	ssub.s32 $0x2, s12;
	p0 =	seq.s32 s12, $0x0;
	s12 =	simm.s32 $0x1FE80  }
0xa: {  	s4 =	sor.u32 s30, s4;
	s31 =	sshrl.u32 s8, $0x1;
	s12 =	simm.s32 @!p0 $0x1FEC0  }
.Ltmp0:
0xb: {  	s14 =	simm.s32 @!p0 $0x1FED0;
	s15 =	simm.s32 @!p0 $0x1FEE0;
	(pc) =	sbr.rel .LBB2_1-.Ltmp0, $4  }
0xc: {  	s16 =	simm.s32 @!p0 $0x1FEF0;
	s7 =	sadd.s32 s3, s0;
	s6 =	smul.u32 $0x186A, s4  }
0xd: {  	s3 =	sadd.s32 $0x4000, s0;
	s10 =	ssub.s32 s8, s31;
	s8 =	smul.u32 $0x4E20, s30  }
0xe: {  	s4 =	sadd.s32 $0xDE00, s0;
	s10 =	smax.u32 s10, $0x1;
	s0 =	sadd.s32 s6, s0  }
0xf: {  	v1 =	vimm.f32 $0.0e+00;
	s6 =	sadd.s32 $0x17E00, s7;
	s7 =	sadd.s32 $0x1A600, s7;
	v0 =	vmov s8;
	s9 =	sadd.s32 $0x1CE00, s0  }
.LBB2_27:
0x10: {  	s23 =	sadd.s32 $0x1, s23  }
0x11: {  	p0 =	sne.s32 s23, s10  }
.Ltmp1:
0x12: {  	_ = 	snop;
	(pc) =	sbr.rel @!p0 .LBB2_28-.Ltmp1, $4  }
0x13: {  	[hbm4b:s9+s2] =	stream.linear.scatter [tilespmem:s22], [sflag:$0x3], $0xC350, $0x38;
	[tilespmem:$0x1FF00] =	vst v63  }
0x14: {  	_ =	swait.ge [sflag:s11], $0xC350  }
0x15: {  	[sflag:s11] =	ssyncset.done $0x0  }
0x16: {  	[sflag:s11] =	ssyncadd.s32 $0xFFFF3CB0  }
.LBB2_1:
0x17: {  	[tilespmem:s2], [sflag:$0x3] =	stream.linear.gather [hbm4b:s6+s2], $0x9C40, $0x38;
	[tilespmem:$0x1FF00] =	vst v63  }
0x18: {  	_ =	swait.ge [sflag:s11], $0x9C40  }
0x19: {  	[sflag:s11] =	ssyncset.done $0x0  }
0x1a: {  	[sflag:s11] =	ssyncadd.s32 $0xFFFF63C0  }
0x1b: {  	[tilespmem:s13], [sflag:$0x3] =	stream.linear.gather [hbm4b:s7+s2], $0x9C40, $0x38;
	[tilespmem:$0x1FF00] =	vst v63  }
0x1c: {  	_ =	swait.ge [sflag:s11], $0x9C40  }
0x1d: {  	[sflag:s11] =	ssyncset.done $0x0  }
0x1e: {  	[sflag:s11] =	ssyncadd.s32 $0xFFFF63C0  }
0x1f: {  	[tilespmem:s17], [sflag:$0x3] =	stream.linear.gather [hbm4b:s5+s2], $0x80, $0x38;
	[tilespmem:$0x1FF00] =	vst v63  }
0x20: {  	_ =	swait.ge [sflag:s11], $0x80  }
0x21: {  	[sflag:s11] =	ssyncset.done $0x0  }
0x22: {  	s0 =	simm.s32 $0x13940;
	[sflag:s11] =	ssyncadd.s32 $0xFFFFFF80  }
0x23: {  	[tilespmem:s0+$0xFFFFFFC0] =	vst v1  }
0x24: {  	[tilespmem:s0+$0x30] =	vst v1  }
0x25: {  	[tilespmem:s0+$0x20] =	vst v1  }
0x26: {  	[tilespmem:s0+$0x10] =	vst v1  }
0x27: {  	[tilespmem:s0+$0x0] =	vst v1  }
0x28: {  	[tilespmem:s0+$0xFFFFFFF0] =	vst v1  }
0x29: {  	s24 =	simm.s32 $0x0;
	[tilespmem:s0+$0xFFFFFFE0] =	vst v1  }
.LBB2_2:
0x2a: {  	s24 =	sadd.s32 $0x8, s24;
	[tilespmem:s0+$0xFFFFFFD0] =	vst v1;
	s0 =	sadd.s32 $0x80, s0  }
0x2b: {  	[tilespmem:s0+$0xFFFFFFC0] =	vst v1;
	p0 =	slt.u32 s24, $0xC28  }
0x2c: {  	[tilespmem:s0+$0x30] =	vst v1  }
.Ltmp2:
0x2d: {  	[tilespmem:s0+$0x20] =	vst v1;
	(pc) =	sbr.rel @p0 .LBB2_2-.Ltmp2, $4  }
0x2e: {  	[tilespmem:s0+$0x10] =	vst v1  }
0x2f: {  	[tilespmem:s0+$0x0] =	vst v1  }
0x30: {  	[tilespmem:s0+$0xFFFFFFF0] =	vst v1  }
0x31: {  	[tilespmem:s0+$0xFFFFFFE0] =	vst v1  }
0x32: {  	[tilespmem:s0+$0xFFFFFFD0] =	vst v1  }
0x33: {  	[tilespmem:$0x1FC00] =	vst v1  }
0x34: {  	[tilespmem:$0x1FC10] =	vst v1  }
0x35: {  	[tilespmem:$0x1FC20] =	vst v1  }
0x36: {  	[tilespmem:$0x1FC30] =	vst v1  }
.Ltmp3:
0x37: {  	[tilespmem:$0x1FC40] =	vst v1;
	(pc) =	sbr.rel .LBB2_4-.Ltmp3, $4  }
0x38: {  	v2 =	vld [tilespmem:s12+$0x0]  }
0x39: {  	v3 =	vld [tilespmem:s14+$0x0]  }
0x3a: {  	v4 =	vld [tilespmem:s15+$0x0]  }
0x3b: {  	s24 =	simm.s32 $0x0;
	s25 =	simm.s32 $0x0;
	v5 =	vld [tilespmem:s16+$0x0]  }
.LBB2_26:
0x3c: {  	s25 =	sadd.s32 $0x1, s25  }
0x3d: {  	p0 =	sne.s32 s25, $0x69  }
.Ltmp4:
0x3e: {  	_ = 	snop;
	(pc) =	sbr.rel @!p0 .LBB2_27-.Ltmp4, $1  }
0x3f: {  	_ =	sdelay $0x3  }
.LBB2_4:
0x40: {  	s26 =	smul.u32 $0xC0, s25;
	_ =	sdelay $0x1  }
0x41: {  	s0 =	sadd.s32 s8, s26  }
0x42: {  	s0 =	sshrl.u32 s0, $0x3  }
0x43: {  	s28 =	sadd.s32 s3, s0  }
0x44: {  	[tilespmem:s18], [sflag:$0x1] =	stream.linear.gather [hbm4b:s28+s24], $0xC0, $0x38;
	[tilespmem:$0x1FF00] =	vst v63  }
0x45: {  	s0 =	sadd.s32 s4, s0  }
0x46: {  	[tilespmem:s19], [sflag:$0x2] =	stream.linear.gather [hbm4b:s0+s24], $0xC0, $0x38;
	[tilespmem:$0x1FF00] =	vst v63  }
0x47: {  	_ =	swait.ge [sflag:s20], $0xC0  }
.Ltmp5:
0x48: {  	[sflag:s20] =	ssyncset.done $0x0;
	(pc) =	sbr.rel .LBB2_5-.Ltmp5, $4  }
0x49: {  	[sflag:s20] =	ssyncadd.s32 $0xFFFFFF40  }
0x4a: {  	_ =	swait.ge [sflag:s21], $0xC0  }
0x4b: {  	[sflag:s21] =	ssyncset.done $0x0  }
0x4c: {  	s28 =	simm.s32 $0x0;
	[sflag:s21] =	ssyncadd.s32 $0xFFFFFF40  }
.LBB2_17:
0x4d: {  	s0 =	simm.s32 $0x80000000  }
.LBB2_24:
0x4e: {  	_ =	sdelay $0x2  }
0x4f: {  	s0 =	sadd.s32 $0x80000001, s0;
	vm5 =	vmmov @p0 vm4  }
0x50: {  	vm7 =	veq.s32 v6, s0;
	vm5 =	vmmov @p0 vm5  }
0x51: {  	[tilespmem:v16+s22+$0x0] =	vst.idx.add.f32.msk @p1 vm6, v7;
	vm0 =	vmand vm0, vm7  }
0x52: {  	[tilespmem:v8+s22+$0x0] =	vst.idx.add.f32.msk @p0 vm4, v9  }
0x53: {  	[tilespmem:v13+s22+$0x0] =	vst.idx.add.f32.msk @p0 vm2, v10  }
0x54: {  	[tilespmem:v14+s22+$0x0] =	vst.idx.add.f32.msk @p0 vm1, v11  }
0x55: {  	[tilespmem:v15+s22+$0x0] =	vst.idx.add.f32.msk @p0 vm3, v12  }
0x56: {  	[tilespmem:v16+s22+$0x0] =	vst.idx.add.f32.msk @p0 vm5, v7  }
0x57: {  	[tilespmem:v8+s22+$0x0] =	vst.idx.add.f32.msk vm0, v9  }
0x58: {  	[tilespmem:v13+s22+$0x0] =	vst.idx.add.f32.msk vm0, v10  }
0x59: {  	[tilespmem:v14+s22+$0x0] =	vst.idx.add.f32.msk vm0, v11  }
0x5a: {  	[tilespmem:v15+s22+$0x0] =	vst.idx.add.f32.msk vm0, v12  }
0x5b: {  	vm15 =	vmmov vm0;
	[tilespmem:v16+s22+$0x0] =	vst.idx.add.f32.msk vm0, v7  }
.LBB2_25:
0x5c: {  	p0 =	slt.u32 s28, $0xA  }
.Ltmp6:
0x5d: {  	_ = 	snop;
	(pc) =	sbr.rel @!p0 .LBB2_26-.Ltmp6, $3  }
0x5e: {  	_ =	sdelay $0x1  }
0x5f: {  	s0 =	sadd.s32 $0x2, s28  }
0x60: {  	s28 =	smov.u32 s0  }
.LBB2_5:
0x61: {  	s29 =	sshll.u32 s28, $0x4  }
0x62: {  	v8 =	vld [tilespmem:s29+$0x1FD80]  }
0x63: {  	s0 =	sadd.s32 s26, s29  }
0x64: {  	v6 =	vmov s0;
	v7 =	vadd.s32 s0, v0  }
0x65: {  	vm0 =	vlt.u32 v6, $0x4E20;
	vm1 =	vlt.u32 v7, $0x4E200  }
0x66: {  	vm0 =	vmand vm0, vm1  }
0x67: {  	v6 =	vld [tilespmem:s29+$0x1FC80];
	(xrf1) =	vunique.msk.u32 vm0, v8;
	_ =	sdelay $0x4  }
0x68: {  	v11 =	vshll.u32 v8, $0x2;
	v6 =	vshll.u32 v6, $0x2  }
0x69: {  	v7 =	vor.u32 $0x1, v6  }
0x6a: {  	v12 =	vor.u32 $0x1, v11;
	_ =	sdelay $0x1  }
0x6b: {  	v13 =	vor.u32 $0x2, v6  }
0x6c: {  	v14 =	vor.u32 $0x2, v11;
	v15 =	vld.idx.msk [tilespmem:v11+s13+$0x0], $0xffff  }
0x6d: {  	v10 =	vld.idx.msk [tilespmem:v7+s2+$0x0], $0xffff;
	v7 =	vor.u32 $0x3, v6  }
0x6e: {  	v17 =	vld.idx.msk [tilespmem:v12+s13+$0x0], $0xffff  }
0x6f: {  	v9 =	vld.idx.msk [tilespmem:v6+s2+$0x0], $0xffff  }
0x70: {  	v16 =	vor.u32 $0x3, v11;
	v11 =	vld.idx.msk [tilespmem:v13+s2+$0x0], $0xffff;
	_, v6, _ =	vpop (xrf1)  }
0x71: {  	v13 =	vld.idx.msk [tilespmem:v14+s13+$0x0], $0xffff;
	v14 =	vxor.u32 $0x80000000, v6  }
0x72: {  	v12 =	vld.idx.msk [tilespmem:v7+s2+$0x0], $0xffff;
	v7 =	vnsel vm0, $0x80000000, v14  }
0x73: {  	(xrf0) =	vmax.scan.msk.u32 $0xffff, v7;
	_ =	sdelay $0x3  }
0x74: {  	v15 =	vadd.f32 v15, v9;
	v14 =	vld.idx.msk [tilespmem:v16+s13+$0x0], $0xffff  }
0x75: {  	v7 =	vadd.f32 v17, v10  }
0x76: {  	v13 =	vadd.f32 v13, v11;
	v60 =	vmul.f32 $2.000000030e-01, v15;
	v62, _, _ =	vpop (xrf0)  }
0x77: {  	vm1 =	vge.f32 v15, $0.0e+00;
	v17 =	vmul.f32 $2.000000030e-01, v7;
	(v2sf) =	vpush v62, $0xF  }
0x78: {  	v15 =	vsel vm1, v15, v60;
	vm1 =	vge.f32 v7, $0.0e+00  }
0x79: {  	v61 =	vmul.f32 $2.000000030e-01, v13;
	v7 =	vsel vm1, v7, v17;
	v14 =	vadd.f32 v14, v12  }
0x7a: {  	v15 =	vmul.f32 v15, v2;
	vm1 =	vge.f32 v13, $0.0e+00;
	v7 =	vmul.f32 v7, v3  }
0x7b: {  	v13 =	vsel vm1, v13, v61;
	v63 =	vmul.f32 $2.000000030e-01, v14  }
0x7c: {  	v13 =	vmul.f32 v13, v4;
	vm1 =	vge.f32 v14, $0.0e+00;
	v7 =	vadd.f32 v7, v15  }
0x7d: {  	v14 =	vsel vm1, v14, v63  }
0x7e: {  	v7 =	vadd.f32 v13, v7;
	v13 =	vmul.f32 v14, v5;
	_ =	sdelay $0x1  }
0x7f: {  	v7 =	vadd.f32 v13, v7;
	_ =	sdelay $0x1  }
0x80: {  	v7 =	vmul.f32 $1.442695020e+00, v7;
	_ =	sdelay $0x1  }
0x81: {  	(erf) = vpow2.f32 v7;
	_ =	sdelay $0x1  }
0x82: {  	s30 =	spop (v2sf)  }
0x83: {  	s31 =	sadd.s32 $0x80000001, s30  }
0x84: {  	p0 =	slt.s32 s31, $0x2  }
.Ltmp7:
0x85: {  	_ = 	snop;
	(pc) =	sbr.rel @p0 .LBB2_15-.Ltmp7, $2  }
0x86: {  	_ =	sdelay $0x2  }
0x87: {  	v7 =	vpop (erf)  }
0x88: {  	v8 =	vmul.u32 $0x5, v8;
	p2 =	sne.s32 s30, $0x80000001  }
.Ltmp8:
0x89: {  	_ = 	snop;
	(pc) =	sbr.rel @!p2 .LBB2_7-.Ltmp8, $4  }
0x8a: {  	v16 =	vadd.s32 $0x4, v8  }
0x8b: {  	v9 =	vmul.f32 v7, v9;
	v10 =	vmul.f32 v7, v10  }
0x8c: {  	v11 =	vmul.f32 v7, v11;
	v12 =	vmul.f32 v7, v12  }
0x8d: {  	s0 =	simm.s32 $0x80000001;
	p0 =	por $0x0, $0x0;
	p1 =	por $0x0, $0x0;
	v13 =	vadd.s32 $0x1, v8;
	v14 =	vadd.s32 $0x2, v8;
	v15 =	vadd.s32 $0x3, v8  }
0x8e: {  	s31 =	simm.s32 $0x1  }
0x8f: {  	vm1 =	veq.s32 v6, s31  }
0x90: {  	p2 =	sne.s32 s30, $0x80000002;
	vm4 =	vmand vm0, vm1  }
.Ltmp9:
0x91: {  	vm3 =	vmmov vm4;
	(pc) =	sbr.rel @!p2 .LBB2_9-.Ltmp9, $2  }
0x92: {  	_ =	sdelay $0x2  }
0x93: {  	p0 =	por $0x1, $0x1;
	s31 =	simm.s32 $0x80000002;
	vm2 =	vmmov vm4;
	vm1 =	vmmov vm4  }
0x94: {  	_ =	sdelay $0x2  }
0x95: {  	p2 =	sne.s32 s30, $0x80000003  }
.Ltmp10:
0x96: {  	s0 =	simm.s32 $0x2;
	(pc) =	sbr.rel @!p2 .LBB2_11-.Ltmp10, $4  }
0x97: {  	[tilespmem:v8+s22+$0x0] =	vst.idx.add.f32.msk vm4, v9;
	vm4 =	veq.s32 v6, s0  }
0x98: {  	[tilespmem:v13+s22+$0x0] =	vst.idx.add.f32.msk vm2, v10;
	vm4 =	vmand vm0, vm4  }
0x99: {  	[tilespmem:v14+s22+$0x0] =	vst.idx.add.f32.msk vm1, v11;
	vm2 =	vmmov vm4  }
0x9a: {  	p1 =	por $0x1, $0x1;
	s0 =	simm.s32 $0x80000003;
	vm1 =	vmmov vm4;
	[tilespmem:v15+s22+$0x0] =	vst.idx.add.f32.msk vm3, v12;
	vm5 =	vmmov vm4  }
.LBB2_12:
0x9b: {  	s1 =	sadd.s32 $0x80000001, s31;
	s31 =	smov.u32 s0;
	s0 =	sadd.s32 $0x1, s0  }
0x9c: {  	[tilespmem:v16+s22+$0x0] =	vst.idx.add.f32.msk vm3, v7;
	vm3 =	vmmov vm4;
	p2 =	sne.s32 s30, s0  }
.Ltmp11:
0x9d: {  	vm6 =	veq.s32 v6, s1;
	(pc) =	sbr.rel @p2 .LBB2_12-.Ltmp11, $4  }
0x9e: {  	[tilespmem:v8+s22+$0x0] =	vst.idx.add.f32.msk vm4, v9;
	vm4 =	vmand vm0, vm6  }
0x9f: {  	[tilespmem:v13+s22+$0x0] =	vst.idx.add.f32.msk vm2, v10;
	vm2 =	vmmov vm4  }
0xa0: {  	[tilespmem:v14+s22+$0x0] =	vst.idx.add.f32.msk vm1, v11;
	vm1 =	vmmov vm4  }
0xa1: {  	[tilespmem:v15+s22+$0x0] =	vst.idx.add.f32.msk vm5, v12;
	vm5 =	vmmov vm4  }
0xa2: {  	vm6 =	vmmov vm3;
	s0 =	smov.u32 s31;
	vm3 =	vmmov vm5  }
.LBB2_14:
0xa3: {  	_ =	sdelay $0x2  }
0xa4: {  	s0 =	sadd.s32 $0x80000001, s0;
	vm5 =	vmmov @p0 vm4  }
0xa5: {  	vm7 =	veq.s32 v6, s0;
	vm5 =	vmmov @p0 vm5  }
0xa6: {  	[tilespmem:v16+s22+$0x0] =	vst.idx.add.f32.msk @p1 vm6, v7;
	vm0 =	vmand vm0, vm7  }
0xa7: {  	[tilespmem:v8+s22+$0x0] =	vst.idx.add.f32.msk @p0 vm4, v9  }
0xa8: {  	[tilespmem:v13+s22+$0x0] =	vst.idx.add.f32.msk @p0 vm2, v10  }
0xa9: {  	[tilespmem:v14+s22+$0x0] =	vst.idx.add.f32.msk @p0 vm1, v11  }
0xaa: {  	[tilespmem:v15+s22+$0x0] =	vst.idx.add.f32.msk @p0 vm3, v12  }
0xab: {  	[tilespmem:v16+s22+$0x0] =	vst.idx.add.f32.msk @p0 vm5, v7  }
0xac: {  	[tilespmem:v8+s22+$0x0] =	vst.idx.add.f32.msk vm0, v9  }
0xad: {  	[tilespmem:v13+s22+$0x0] =	vst.idx.add.f32.msk vm0, v10  }
0xae: {  	[tilespmem:v14+s22+$0x0] =	vst.idx.add.f32.msk vm0, v11  }
0xaf: {  	[tilespmem:v15+s22+$0x0] =	vst.idx.add.f32.msk vm0, v12  }
0xb0: {  	vm15 =	vmmov vm0;
	[tilespmem:v16+s22+$0x0] =	vst.idx.add.f32.msk vm0, v7  }
.LBB2_15:
0xb1: {  	v8 =	vld [tilespmem:s29+$0x1FD90];
	s0 =	sadd.s32 s29, s26  }
0xb2: {  	s0 =	sadd.s32 $0x10, s0  }
0xb3: {  	v6 =	vmov s0;
	v7 =	vadd.s32 s0, v0  }
0xb4: {  	vm0 =	vlt.u32 v6, $0x4E20;
	vm1 =	vlt.u32 v7, $0x4E200  }
0xb5: {  	vm0 =	vmand vm0, vm1  }
0xb6: {  	v6 =	vld [tilespmem:s29+$0x1FC90];
	(xrf1) =	vunique.msk.u32 vm0, v8;
	_ =	sdelay $0x4  }
0xb7: {  	v11 =	vshll.u32 v8, $0x2;
	v6 =	vshll.u32 v6, $0x2  }
0xb8: {  	v7 =	vor.u32 $0x1, v6  }
0xb9: {  	v12 =	vor.u32 $0x1, v11;
	_ =	sdelay $0x1  }
0xba: {  	v13 =	vor.u32 $0x2, v6  }
0xbb: {  	v14 =	vor.u32 $0x2, v11;
	v15 =	vld.idx.msk [tilespmem:v11+s13+$0x0], $0xffff  }
0xbc: {  	v10 =	vld.idx.msk [tilespmem:v7+s2+$0x0], $0xffff;
	v7 =	vor.u32 $0x3, v6  }
0xbd: {  	v17 =	vld.idx.msk [tilespmem:v12+s13+$0x0], $0xffff  }
0xbe: {  	v9 =	vld.idx.msk [tilespmem:v6+s2+$0x0], $0xffff  }
0xbf: {  	v16 =	vor.u32 $0x3, v11;
	v11 =	vld.idx.msk [tilespmem:v13+s2+$0x0], $0xffff;
	_, v6, _ =	vpop (xrf1)  }
0xc0: {  	v13 =	vld.idx.msk [tilespmem:v14+s13+$0x0], $0xffff;
	v14 =	vxor.u32 $0x80000000, v6  }
0xc1: {  	v12 =	vld.idx.msk [tilespmem:v7+s2+$0x0], $0xffff;
	v7 =	vnsel vm0, $0x80000000, v14  }
0xc2: {  	(xrf0) =	vmax.scan.msk.u32 $0xffff, v7;
	_ =	sdelay $0x3  }
0xc3: {  	v15 =	vadd.f32 v15, v9;
	v14 =	vld.idx.msk [tilespmem:v16+s13+$0x0], $0xffff  }
0xc4: {  	v7 =	vadd.f32 v17, v10  }
0xc5: {  	v13 =	vadd.f32 v13, v11;
	v60 =	vmul.f32 $2.000000030e-01, v15;
	v62, _, _ =	vpop (xrf0)  }
0xc6: {  	vm1 =	vge.f32 v15, $0.0e+00;
	v17 =	vmul.f32 $2.000000030e-01, v7;
	(v2sf) =	vpush v62, $0xF  }
0xc7: {  	v15 =	vsel vm1, v15, v60;
	vm1 =	vge.f32 v7, $0.0e+00  }
0xc8: {  	v61 =	vmul.f32 $2.000000030e-01, v13;
	v7 =	vsel vm1, v7, v17;
	v14 =	vadd.f32 v14, v12  }
0xc9: {  	v15 =	vmul.f32 v15, v2;
	vm1 =	vge.f32 v13, $0.0e+00;
	v7 =	vmul.f32 v7, v3  }
0xca: {  	v13 =	vsel vm1, v13, v61;
	v63 =	vmul.f32 $2.000000030e-01, v14  }
0xcb: {  	v13 =	vmul.f32 v13, v4;
	vm1 =	vge.f32 v14, $0.0e+00;
	v7 =	vadd.f32 v7, v15  }
0xcc: {  	v14 =	vsel vm1, v14, v63  }
0xcd: {  	v7 =	vadd.f32 v13, v7;
	v13 =	vmul.f32 v14, v5;
	_ =	sdelay $0x1  }
0xce: {  	v7 =	vadd.f32 v13, v7;
	_ =	sdelay $0x1  }
0xcf: {  	v7 =	vmul.f32 $1.442695020e+00, v7;
	_ =	sdelay $0x1  }
0xd0: {  	(erf) = vpow2.f32 v7;
	_ =	sdelay $0x1  }
0xd1: {  	s29 =	spop (v2sf)  }
0xd2: {  	s31 =	sadd.s32 $0x80000001, s29  }
0xd3: {  	p0 =	slt.s32 s31, $0x2  }
.Ltmp12:
0xd4: {  	_ = 	snop;
	(pc) =	sbr.rel @p0 .LBB2_25-.Ltmp12, $2  }
0xd5: {  	_ =	sdelay $0x2  }
0xd6: {  	v7 =	vpop (erf)  }
0xd7: {  	v8 =	vmul.u32 $0x5, v8;
	p2 =	sne.s32 s29, $0x80000001  }
.Ltmp13:
0xd8: {  	_ = 	snop;
	(pc) =	sbr.rel @!p2 .LBB2_17-.Ltmp13, $4  }
0xd9: {  	v16 =	vadd.s32 $0x4, v8  }
0xda: {  	v9 =	vmul.f32 v7, v9;
	v10 =	vmul.f32 v7, v10  }
0xdb: {  	v11 =	vmul.f32 v7, v11;
	v12 =	vmul.f32 v7, v12  }
0xdc: {  	s0 =	simm.s32 $0x80000001;
	p0 =	por $0x0, $0x0;
	p1 =	por $0x0, $0x0;
	v13 =	vadd.s32 $0x1, v8;
	v14 =	vadd.s32 $0x2, v8;
	v15 =	vadd.s32 $0x3, v8  }
0xdd: {  	s1 =	simm.s32 $0x1  }
0xde: {  	vm1 =	veq.s32 v6, s1  }
0xdf: {  	p2 =	sne.s32 s29, $0x80000002;
	vm4 =	vmand vm0, vm1  }
.Ltmp14:
0xe0: {  	vm3 =	vmmov vm4;
	(pc) =	sbr.rel @!p2 .LBB2_19-.Ltmp14, $2  }
0xe1: {  	_ =	sdelay $0x2  }
0xe2: {  	s30 =	simm.s32 $0x80000002;
	p0 =	por $0x1, $0x1;
	vm2 =	vmmov vm4;
	vm1 =	vmmov vm4  }
0xe3: {  	_ =	sdelay $0x2  }
0xe4: {  	p2 =	sne.s32 s29, $0x80000003  }
.Ltmp15:
0xe5: {  	s0 =	simm.s32 $0x2;
	(pc) =	sbr.rel @!p2 .LBB2_21-.Ltmp15, $4  }
0xe6: {  	[tilespmem:v8+s22+$0x0] =	vst.idx.add.f32.msk vm4, v9;
	vm4 =	veq.s32 v6, s0  }
0xe7: {  	[tilespmem:v13+s22+$0x0] =	vst.idx.add.f32.msk vm2, v10;
	vm4 =	vmand vm0, vm4  }
0xe8: {  	[tilespmem:v14+s22+$0x0] =	vst.idx.add.f32.msk vm1, v11;
	vm2 =	vmmov vm4  }
0xe9: {  	p1 =	por $0x1, $0x1;
	s0 =	simm.s32 $0x80000003;
	vm1 =	vmmov vm4;
	[tilespmem:v15+s22+$0x0] =	vst.idx.add.f32.msk vm3, v12;
	vm5 =	vmmov vm4  }
.LBB2_22:
0xea: {  	s1 =	sadd.s32 $0x80000001, s30;
	s30 =	smov.u32 s0;
	s0 =	sadd.s32 $0x1, s0  }
0xeb: {  	[tilespmem:v16+s22+$0x0] =	vst.idx.add.f32.msk vm3, v7;
	vm3 =	vmmov vm4;
	p2 =	sne.s32 s29, s0  }
.Ltmp16:
0xec: {  	vm6 =	veq.s32 v6, s1;
	(pc) =	sbr.rel @p2 .LBB2_22-.Ltmp16, $4  }
0xed: {  	[tilespmem:v8+s22+$0x0] =	vst.idx.add.f32.msk vm4, v9;
	vm4 =	vmand vm0, vm6  }
0xee: {  	[tilespmem:v13+s22+$0x0] =	vst.idx.add.f32.msk vm2, v10;
	vm2 =	vmmov vm4  }
0xef: {  	[tilespmem:v14+s22+$0x0] =	vst.idx.add.f32.msk vm1, v11;
	vm1 =	vmmov vm4  }
0xf0: {  	[tilespmem:v15+s22+$0x0] =	vst.idx.add.f32.msk vm5, v12;
	vm5 =	vmmov vm4  }
.Ltmp17:
0xf1: {  	(pc) =	sbr.rel .LBB2_24-.Ltmp17, $2  }
0xf2: {  	_ =	sdelay $0x2  }
0xf3: {  	vm6 =	vmmov vm3;
	s0 =	smov.u32 s30;
	vm3 =	vmmov vm5  }
.LBB2_7:
.Ltmp18:
0xf4: {  	(pc) =	sbr.rel .LBB2_14-.Ltmp18, $2  }
0xf5: {  	_ =	sdelay $0x2  }
0xf6: {  	s0 =	simm.s32 $0x80000000  }
.LBB2_9:
.Ltmp19:
0xf7: {  	(pc) =	sbr.rel .LBB2_14-.Ltmp19, $2  }
0xf8: {  	_ =	sdelay $0x2  }
0xf9: {  	_ = 	snop  }
.LBB2_19:
.Ltmp20:
0xfa: {  	(pc) =	sbr.rel .LBB2_24-.Ltmp20, $2  }
0xfb: {  	_ =	sdelay $0x2  }
0xfc: {  	_ = 	snop  }
.LBB2_11:
.Ltmp21:
0xfd: {  	(pc) =	sbr.rel .LBB2_14-.Ltmp21, $2  }
0xfe: {  	_ =	sdelay $0x2  }
0xff: {  	vm6 =	vmmov vm3;
	s0 =	simm.s32 $0x80000002;
	vm3 =	vmmov vm5  }
.LBB2_21:
.Ltmp22:
0x100: {  	(pc) =	sbr.rel .LBB2_24-.Ltmp22, $2  }
0x101: {  	_ =	sdelay $0x2  }
0x102: {  	vm6 =	vmmov vm3;
	s0 =	simm.s32 $0x80000002;
	vm3 =	vmmov vm5  }
.LBB2_28:
0x103: {  	_ =	sfence.sel $0x180000  }
0x104: {  	[bflag:$0x0] =	sbarrier.arrive $0xFFFF  }
0x105: {  	_ =	strace $0x90000047  }
0x106: {  	s0 =	stileid.u32;
	[bflag:$0x2] =	sbarrier.arrive $0xFFFF  }
0x107: {  	p0 =	sne.s32 s0, $0x0;
	s0 =	rddreg [dreg:$0x1]  }
0x108: {  	s0 =	sadd.s32 @!p0 $0x100000, s0  }
0x109: {  	[sflag:s0] =	ssyncadd.tile.s32 @!p0 $0x1;
	_ =	shalt  }
.Lfunc_end2:
_tile_overlayer_lowered:
.L_overlay_start_2:
0x10a: {  	(tag) =	ssettag $0x2  }
0x10b: {  	s0 =	rddreg [dreg:$0x0];
	s2 =	stileid.u32  }
0x10c: {  	s1 =	rddreg [dreg:$0x1];
	p0 =	sne.s32 s2, $0x0  }
0x10d: {  	s3 =	rddreg [dreg:$0x2];
	[bflag:$0x3] =	sbarrier.arrive $0xFFFF;
	s2 =	simm.s32 @!p0 $0x1C03  }
0x10e: {  	[timem:s3], [sflag:s2] =	dma.local @!p0 [hbm:s0], s1  }
0x10f: {  	s0 =	simm.s32 @!p0 $0x3  }
0x110: {  	_ =	swait.ge @!p0 [sflag:s0], s1  }
0x111: {  	s1 =	ssub.s32 @!p0 $0x0, s1;
	[sflag:s0] =	ssyncset.done @!p0 $0x0  }
0x112: {  	[sflag:s0] =	ssyncadd.s32 @!p0 s1  }
0x113: {  	[bflag:$0x3] =	sbarrier.arrive $0xFFFF  }
0x114: {  	_ =	shalt  }

</sc_bundles>
